<compile_context>
chip_gen: v7x
topology: tpu7x:2x2x1
jax: 0.10.2.dev20260603
libtpu: 0.0.44.dev20260713+nightly
codegen_flags: <defaults>
</compile_context>

<pallas_src>
import dataclasses
import functools

import jax
import jax.numpy as jnp
from jax import lax
from jax.experimental import pallas as pl
from jax.experimental.pallas import tpu as pltpu
from jax.experimental.pallas import tpu_sc as plsc

N = 10000
E = 320000
D = 128
HEADS = 2
NC = 2
NS = 16
NW = NC * NS
NP = 10240
RPT = NP // NS
CH = 80
EPT32 = E // NW
EPT16 = E // NS
LANES = 16

_mesh = plsc.VectorSubcoreMesh(core_axis_name="c", subcore_axis_name="s")

_sc_params = pltpu.CompilerParams()
if "needs_layout_passes" in pltpu.CompilerParams.__dataclass_fields__:
    _sc_params = dataclasses.replace(_sc_params, needs_layout_passes=False)


def _leaky(v):
    return jnp.where(v > 0, v, 0.2 * v)


@functools.partial(
    pl.kernel, mesh=_mesh, compiler_params=_sc_params,
    out_type=jax.ShapeDtypeStruct((NC * NP,), jnp.float32),
    scratch_types=[
        pltpu.VMEM((CH,), jnp.int32),
        pltpu.VMEM((CH,), jnp.float32),
        pltpu.VMEM_SHARED((NP,), jnp.float32),
    ],
)
def _deg_kernel(dst_hbm, ew_hbm, z1_hbm, out_hbm, dst_v, ew_v, s_sh):
    cid = lax.axis_index("c")
    sid = lax.axis_index("s")
    wid = sid * NC + cid
    pltpu.sync_copy(z1_hbm, s_sh.at[pl.ds(sid * RPT, RPT)])
    plsc.subcore_barrier()

    @pl.loop(0, EPT32 // CH)
    def _(k):
        base = wid * EPT32 + k * CH
        pltpu.sync_copy(dst_hbm.at[pl.ds(base, CH)], dst_v)
        pltpu.sync_copy(ew_hbm.at[pl.ds(base, CH)], ew_v)
        pltpu.sync_copy(ew_v, s_sh.at[dst_v], add=True)

    plsc.subcore_barrier()
    pltpu.sync_copy(s_sh.at[pl.ds(sid * RPT, RPT)],
                    out_hbm.at[pl.ds(cid * NP + sid * RPT, RPT)])


NCH32 = EPT32 // CH


@functools.partial(
    pl.kernel, mesh=_mesh, compiler_params=_sc_params,
    out_type=jax.ShapeDtypeStruct((NC * NP, D), jnp.float32),
    scratch_types=[
        pltpu.VMEM((CH,), jnp.int32),
        pltpu.VMEM((CH,), jnp.int32),
        pltpu.VMEM((CH,), jnp.int32),
        pltpu.VMEM((CH,), jnp.int32),
        pltpu.VMEM((CH,), jnp.float32),
        pltpu.VMEM((CH,), jnp.float32),
        pltpu.VMEM((CH, D), jnp.float32),
        pltpu.VMEM((CH, D), jnp.float32),
        pltpu.VMEM_SHARED((NP, D), jnp.float32),
        pltpu.SemaphoreType.DMA,
        pltpu.SemaphoreType.DMA,
    ],
)
def _gcn_msg_kernel(g_hbm, src_hbm, dst_hbm, ew_hbm, zr_hbm, out_hbm,
                    s0_v, s1_v, d0_v, d1_v, w0_v, w1_v, r0_v, r1_v,
                    acc_sh, sem0, sem1):
    cid = lax.axis_index("c")
    sid = lax.axis_index("s")
    wid = sid * NC + cid
    base0 = wid * EPT32
    pltpu.sync_copy(zr_hbm, acc_sh.at[pl.ds(sid * RPT, RPT)])
    plsc.subcore_barrier()

    pltpu.sync_copy(src_hbm.at[pl.ds(base0, CH)], s0_v)
    pltpu.sync_copy(dst_hbm.at[pl.ds(base0, CH)], d0_v)
    pltpu.sync_copy(ew_hbm.at[pl.ds(base0, CH)], w0_v)
    pltpu.async_copy(g_hbm.at[s0_v], r0_v, sem0)

    def step(k, s_v, d_v, w_v, r_v, sem, sn_v, dn_v, wn_v, rn_v, semn):
        @pl.when(k + 1 < NCH32)
        def _():
            nb = base0 + (k + 1) * CH
            pltpu.sync_copy(src_hbm.at[pl.ds(nb, CH)], sn_v)
            pltpu.sync_copy(dst_hbm.at[pl.ds(nb, CH)], dn_v)
            pltpu.sync_copy(ew_hbm.at[pl.ds(nb, CH)], wn_v)
            pltpu.async_copy(g_hbm.at[sn_v], rn_v, semn)

        pltpu.make_async_copy(g_hbm.at[s_v], r_v, sem).wait()

        @pl.loop(0, CH)
        def _(i):
            spl = plsc.load_gather(w_v, [jnp.full((LANES,), i, jnp.int32)])
            for c in range(D // LANES):
                sl = (i, pl.ds(c * LANES, LANES))
                r_v[sl] = r_v[sl] * spl

        pltpu.sync_copy(r_v, acc_sh.at[d_v], add=True)

    @pl.loop(0, NCH32)
    def _(k):
        @pl.when(k % 2 == 0)
        def _():
            step(k, s0_v, d0_v, w0_v, r0_v, sem0, s1_v, d1_v, w1_v, r1_v, sem1)

        @pl.when(k % 2 == 1)
        def _():
            step(k, s1_v, d1_v, w1_v, r1_v, sem1, s0_v, d0_v, w0_v, r0_v, sem0)

    plsc.subcore_barrier()
    pltpu.sync_copy(acc_sh.at[pl.ds(sid * RPT, RPT)],
                    out_hbm.at[pl.ds(cid * NP + sid * RPT, RPT)])


@functools.partial(
    pl.kernel, mesh=_mesh, compiler_params=_sc_params,
    out_type=(jax.ShapeDtypeStruct((E,), jnp.float32),
              jax.ShapeDtypeStruct((E,), jnp.float32),
              jax.ShapeDtypeStruct((NC * NP,), jnp.float32),
              jax.ShapeDtypeStruct((NC * NP,), jnp.float32)),
    scratch_types=[
        pltpu.VMEM((N,), jnp.float32),
        pltpu.VMEM((N,), jnp.float32),
        pltpu.VMEM((N,), jnp.float32),
        pltpu.VMEM((N,), jnp.float32),
        pltpu.VMEM((LANES,), jnp.float32),
        pltpu.VMEM((LANES,), jnp.float32),
        pltpu.VMEM((CH,), jnp.int32),
        pltpu.VMEM((CH,), jnp.int32),
        pltpu.VMEM((CH,), jnp.float32),
        pltpu.VMEM((CH,), jnp.float32),
        pltpu.VMEM((CH,), jnp.float32),
        pltpu.VMEM((CH,), jnp.float32),
        pltpu.VMEM_SHARED((NP,), jnp.float32),
        pltpu.VMEM_SHARED((NP,), jnp.float32),
    ],
)
def _att_kernel(a0_hbm, a1_hbm, b0_hbm, b1_hbm, sv0_hbm, sv1_hbm,
                src_hbm, dst_hbm, z1_hbm,
                e0_hbm, e1_hbm, sp0_hbm, sp1_hbm,
                a0_v, a1_v, b0_v, b1_v, sv0_v, sv1_v,
                src_v, dst_v, e0_v, e1_v, p0_v, p1_v, s0_sh, s1_sh):
    cid = lax.axis_index("c")
    sid = lax.axis_index("s")
    wid = sid * NC + cid
    pltpu.sync_copy(a0_hbm, a0_v)
    pltpu.sync_copy(a1_hbm, a1_v)
    pltpu.sync_copy(b0_hbm, b0_v)
    pltpu.sync_copy(b1_hbm, b1_v)
    pltpu.sync_copy(sv0_hbm, sv0_v)
    pltpu.sync_copy(sv1_hbm, sv1_v)
    pltpu.sync_copy(z1_hbm, s0_sh.at[pl.ds(sid * RPT, RPT)])
    pltpu.sync_copy(z1_hbm, s1_sh.at[pl.ds(sid * RPT, RPT)])
    plsc.subcore_barrier()
    s0 = sv0_v[...]
    s1 = sv1_v[...]

    @pl.loop(0, EPT32 // CH)
    def _(k):
        base = wid * EPT32 + k * CH
        pltpu.sync_copy(src_hbm.at[pl.ds(base, CH)], src_v)
        pltpu.sync_copy(dst_hbm.at[pl.ds(base, CH)], dst_v)
        for j in range(CH // LANES):
            sl = pl.ds(j * LANES, LANES)
            sj = src_v[sl]
            dj = dst_v[sl]
            e0 = _leaky(plsc.load_gather(a0_v, [sj]) + plsc.load_gather(b0_v, [dj]))
            e1 = _leaky(plsc.load_gather(a1_v, [sj]) + plsc.load_gather(b1_v, [dj]))
            e0_v[sl] = e0
            e1_v[sl] = e1
            p0_v[sl] = jnp.exp(e0 - s0)
            p1_v[sl] = jnp.exp(e1 - s1)
        pltpu.sync_copy(e0_v, e0_hbm.at[pl.ds(base, CH)])
        pltpu.sync_copy(e1_v, e1_hbm.at[pl.ds(base, CH)])
        pltpu.sync_copy(p0_v, s0_sh.at[dst_v], add=True)
        pltpu.sync_copy(p1_v, s1_sh.at[dst_v], add=True)

    plsc.subcore_barrier()
    pltpu.sync_copy(s0_sh.at[pl.ds(sid * RPT, RPT)],
                    sp0_hbm.at[pl.ds(cid * NP + sid * RPT, RPT)])
    pltpu.sync_copy(s1_sh.at[pl.ds(sid * RPT, RPT)],
                    sp1_hbm.at[pl.ds(cid * NP + sid * RPT, RPT)])


NCH16 = EPT16 // CH


@functools.partial(
    pl.kernel, mesh=_mesh, compiler_params=_sc_params,
    out_type=jax.ShapeDtypeStruct((HEADS * NP, D), jnp.float32),
    scratch_types=[
        pltpu.VMEM((N,), jnp.float32),
        pltpu.VMEM((CH,), jnp.int32),
        pltpu.VMEM((CH,), jnp.int32),
        pltpu.VMEM((CH,), jnp.int32),
        pltpu.VMEM((CH,), jnp.int32),
        pltpu.VMEM((CH,), jnp.float32),
        pltpu.VMEM((CH,), jnp.float32),
        pltpu.VMEM((CH, D), jnp.float32),
        pltpu.VMEM((CH, D), jnp.float32),
        pltpu.VMEM_SHARED((NP, D), jnp.float32),
        pltpu.SemaphoreType.DMA,
        pltpu.SemaphoreType.DMA,
    ],
)
def _gat_msg_kernel(h2cat_hbm, ecat_hbm, ccat_hbm, src_hbm, dst_hbm, zr_hbm,
                    out_hbm, c_v, s0_v, s1_v, d0_v, d1_v, e_v, al_v,
                    r0_v, r1_v, acc_sh, sem0, sem1):
    cid = lax.axis_index("c")
    sid = lax.axis_index("s")
    off = cid * N
    base0 = sid * EPT16
    pltpu.sync_copy(zr_hbm, acc_sh.at[pl.ds(sid * RPT, RPT)])
    pltpu.sync_copy(ccat_hbm.at[pl.ds(cid * N, N)], c_v)
    plsc.subcore_barrier()

    def load_idx(nb, s_v, d_v):
        pltpu.sync_copy(src_hbm.at[pl.ds(nb, CH)], s_v)
        pltpu.sync_copy(dst_hbm.at[pl.ds(nb, CH)], d_v)
        for j in range(CH // LANES):
            sl = pl.ds(j * LANES, LANES)
            s_v[sl] = s_v[sl] + off

    load_idx(base0, s0_v, d0_v)
    pltpu.async_copy(h2cat_hbm.at[s0_v], r0_v, sem0)

    def step(k, s_v, d_v, r_v, sem, sn_v, dn_v, rn_v, semn):
        @pl.when(k + 1 < NCH16)
        def _():
            load_idx(base0 + (k + 1) * CH, sn_v, dn_v)
            pltpu.async_copy(h2cat_hbm.at[sn_v], rn_v, semn)

        pltpu.make_async_copy(h2cat_hbm.at[s_v], r_v, sem).wait()
        pltpu.sync_copy(ecat_hbm.at[pl.ds(cid * E + base0 + k * CH, CH)], e_v)
        for j in range(CH // LANES):
            sl = pl.ds(j * LANES, LANES)
            cg = plsc.load_gather(c_v, [d_v[sl]])
            al_v[sl] = jnp.exp(e_v[sl] - cg)

        @pl.loop(0, CH)
        def _(i):
            spl = plsc.load_gather(al_v, [jnp.full((LANES,), i, jnp.int32)])
            for c in range(D // LANES):
                sl = (i, pl.ds(c * LANES, LANES))
                r_v[sl] = r_v[sl] * spl

        pltpu.sync_copy(r_v, acc_sh.at[d_v], add=True)

    @pl.loop(0, NCH16)
    def _(k):
        @pl.when(k % 2 == 0)
        def _():
            step(k, s0_v, d0_v, r0_v, sem0, s1_v, d1_v, r1_v, sem1)

        @pl.when(k % 2 == 1)
        def _():
            step(k, s1_v, d1_v, r1_v, sem1, s0_v, d0_v, r0_v, sem0)

    plsc.subcore_barrier()
    pltpu.sync_copy(acc_sh.at[pl.ds(sid * RPT, RPT)],
                    out_hbm.at[pl.ds(cid * NP + sid * RPT, RPT)])


GP = NP // 128


def _deginv_body(ds_ref, dinv_ref):
    deg = ds_ref[0:GP, :] + ds_ref[GP:2 * GP, :] + 1.0
    dinv_ref[...] = lax.rsqrt(deg)


def _deginv(ds2):
    return pl.pallas_call(
        _deginv_body,
        out_shape=jax.ShapeDtypeStruct((GP, 128), jnp.float32),
    )(ds2)


def _dense1_body(x_ref, w_ref, dinv_ref, h1_ref, g_ref):
    h1 = jnp.dot(x_ref[...], w_ref[...], preferred_element_type=jnp.float32)
    h1_ref[...] = h1
    g_ref[...] = h1 * dinv_ref[...]


def _dense1(x, w, dinv_col):
    return pl.pallas_call(
        _dense1_body,
        out_shape=(jax.ShapeDtypeStruct((N, D), jnp.float32),
                   jax.ShapeDtypeStruct((N, D), jnp.float32)),
    )(x, w, dinv_col)


def _relu1_body(acc_ref, h1_ref, dinv_ref, bg_ref, h_ref):
    dinv = dinv_ref[...]
    pre = dinv * (acc_ref[0:N, :] + acc_ref[NP:NP + N, :]) \
        + (dinv * dinv) * h1_ref[...]
    h_ref[...] = jnp.maximum(pre + bg_ref[...], 0.0)


def _relu1(acc, h1, dinv, b_gcn):
    return pl.pallas_call(
        _relu1_body,
        out_shape=jax.ShapeDtypeStruct((N, D), jnp.float32),
    )(acc, h1, dinv, b_gcn)


def _proj2_body(h_ref, wgat_ref, h2a_ref, h2b_ref):
    h = h_ref[...]
    h2a_ref[...] = jnp.dot(h, wgat_ref[:, 0:D],
                           preferred_element_type=jnp.float32)
    h2b_ref[...] = jnp.dot(h, wgat_ref[:, D:2 * D],
                           preferred_element_type=jnp.float32)


def _proj2(h, w_gat):
    return pl.pallas_call(
        _proj2_body,
        out_shape=(jax.ShapeDtypeStruct((N, D), jnp.float32),
                   jax.ShapeDtypeStruct((N, D), jnp.float32)),
    )(h, w_gat)


def _attproj_body(h2a_ref, h2b_ref, asrc_ref, adst_ref,
                  a0_ref, a1_ref, b0_ref, b1_ref, sv0_ref, sv1_ref):
    h2a = h2a_ref[...]
    h2b = h2b_ref[...]
    a0 = jnp.sum(h2a * asrc_ref[0:1, :], axis=1, keepdims=True)
    a1 = jnp.sum(h2b * asrc_ref[1:2, :], axis=1, keepdims=True)
    b0 = jnp.sum(h2a * adst_ref[0:1, :], axis=1, keepdims=True)
    b1 = jnp.sum(h2b * adst_ref[1:2, :], axis=1, keepdims=True)
    a0_ref[...] = a0
    a1_ref[...] = a1
    b0_ref[...] = b0
    b1_ref[...] = b1
    g0 = jnp.max(a0) + jnp.max(b0)
    g1 = jnp.max(a1) + jnp.max(b1)
    s0 = jnp.where(g0 > 0, g0, 0.2 * g0)
    s1 = jnp.where(g1 > 0, g1, 0.2 * g1)
    sv0_ref[...] = jnp.full((8, 128), s0)
    sv1_ref[...] = jnp.full((8, 128), s1)


def _attproj(h2a, h2b, att_src, att_dst):
    return pl.pallas_call(
        _attproj_body,
        out_shape=(jax.ShapeDtypeStruct((N, 1), jnp.float32),
                   jax.ShapeDtypeStruct((N, 1), jnp.float32),
                   jax.ShapeDtypeStruct((N, 1), jnp.float32),
                   jax.ShapeDtypeStruct((N, 1), jnp.float32),
                   jax.ShapeDtypeStruct((8, 128), jnp.float32),
                   jax.ShapeDtypeStruct((8, 128), jnp.float32)),
    )(h2a, h2b, att_src, att_dst)


def _dense3_body(sp0_ref, sp1_ref, a0_ref, a1_ref, b0_ref, b1_ref,
                 sv0_ref, sv1_ref, c0_ref, c1_ref, al0_ref, al1_ref):
    s0 = sv0_ref[...]
    s1 = sv1_ref[...]
    p0 = jnp.exp(_leaky(a0_ref[...] + b0_ref[...]) - s0)
    p1 = jnp.exp(_leaky(a1_ref[...] + b1_ref[...]) - s1)
    st0 = sp0_ref[0:GP, :] + sp0_ref[GP:2 * GP, :] + p0
    st1 = sp1_ref[0:GP, :] + sp1_ref[GP:2 * GP, :] + p1
    c0_ref[...] = s0 + jnp.log(st0)
    c1_ref[...] = s1 + jnp.log(st1)
    al0_ref[...] = p0 / st0
    al1_ref[...] = p1 / st1


def _dense3(sp0, sp1, a0p, a1p, b0p, b1p, sv0, sv1):
    return pl.pallas_call(
        _dense3_body,
        out_shape=(jax.ShapeDtypeStruct((GP, 128), jnp.float32),
                   jax.ShapeDtypeStruct((GP, 128), jnp.float32),
                   jax.ShapeDtypeStruct((GP, 128), jnp.float32),
                   jax.ShapeDtypeStruct((GP, 128), jnp.float32)),
    )(sp0, sp1, a0p, a1p, b0p, b1p, sv0, sv1)


def _final_body(gacc_ref, h2a_ref, h2b_ref, al0_ref, al1_ref, bgat_ref, out_ref):
    tot = gacc_ref[0:N, :] + gacc_ref[NP:NP + N, :] \
        + al0_ref[...] * h2a_ref[...] + al1_ref[...] * h2b_ref[...]
    out_ref[...] = jnp.maximum(0.5 * tot + bgat_ref[...], 0.0)


def _final(gacc, h2a, h2b, al0, al1, b_gat):
    return pl.pallas_call(
        _final_body,
        out_shape=jax.ShapeDtypeStruct((N, D), jnp.float32),
    )(gacc, h2a, h2b, al0, al1, b_gat)


def kernel(x, edge_index, edge_weight, W_gcn, b_gcn, W_gat, att_src, att_dst,
           b_gat):
    ei = edge_index.astype(jnp.int32)
    src = ei[0]
    dst = ei[1]
    ew = edge_weight.astype(jnp.float32)
    z1 = jnp.zeros((RPT,), jnp.float32)
    zr = jnp.zeros((RPT, D), jnp.float32)

    degsum = _deg_kernel(dst, ew, z1)
    dinv_p = _deginv(degsum.reshape(2 * GP, 128))
    dinv_col = dinv_p.reshape(NP, 1)[0:N]
    h1, g = _dense1(x, W_gcn, dinv_col)
    acc = _gcn_msg_kernel(g, src, dst, ew, zr)

    h = _relu1(acc, h1, dinv_col, b_gcn.reshape(1, D))
    h2a, h2b = _proj2(h, W_gat)
    a0, a1, b0, b1, sv0, sv1 = _attproj(h2a, h2b, att_src, att_dst)

    e0, e1, sp0, sp1 = _att_kernel(
        a0.reshape(N), a1.reshape(N), b0.reshape(N), b1.reshape(N),
        sv0[0, 0:LANES].reshape(LANES), sv1[0, 0:LANES].reshape(LANES),
        src, dst, z1)

    zpad = jnp.zeros((NP - N, 1), jnp.float32)
    pk = lambda v: jnp.concatenate([v, zpad], axis=0).reshape(GP, 128)
    c0, c1, al0, al1 = _dense3(
        sp0.reshape(2 * GP, 128), sp1.reshape(2 * GP, 128),
        pk(a0), pk(a1), pk(b0), pk(b1),
        sv0[0:1, 0:1], sv1[0:1, 0:1])

    h2cat = jnp.concatenate([h2a, h2b], axis=0)
    ecat = jnp.concatenate([e0, e1])
    ccat = jnp.concatenate([c0.reshape(NP)[0:N], c1.reshape(NP)[0:N]])
    gacc = _gat_msg_kernel(h2cat, ecat, ccat, src, dst, zr)

    return _final(gacc, h2a, h2b,
                  al0.reshape(NP, 1)[0:N], al1.reshape(NP, 1)[0:N],
                  b_gat.reshape(1, D))

# --- scband reference (transcript-rebuilt; emitter-appended) ---
"""Pipeline reference for scband-gcn-gat-spatial-encoder-9053791060568 (READ-ONLY COPY).

The authoritative reference and input builder live on the scoring server;
editing this copy changes nothing except your own understanding.
"""

import jax, jax.numpy as jnp
import numpy as np

N_NODES = 10000
N_EDGES = 320000
D_IN = 128
D_HID = 128
HEADS = 2


def _add_self_loops(src, dst, n):
    loop = jnp.arange(n, dtype=src.dtype)
    return jnp.concatenate([src, loop]), jnp.concatenate([dst, loop])


def gcn_conv(x, edge_index, edge_weight, W, b):
    n = x.shape[0]
    src, dst = edge_index[0], edge_index[1]
    src, dst = _add_self_loops(src, dst, n)
    ew = jnp.concatenate([edge_weight, jnp.ones((n,), dtype=edge_weight.dtype)])
    deg = jax.ops.segment_sum(ew, dst, num_segments=n)
    dinv = jnp.where(deg > 0, jax.lax.rsqrt(deg), 0.0)
    norm = dinv[src] * ew * dinv[dst]
    h = x @ W
    msg = h[src] * norm[:, None]
    out = jax.ops.segment_sum(msg, dst, num_segments=n)
    return out + b


def gat_conv(x, edge_index, W, att_src, att_dst, b, heads, negative_slope=0.2):
    n = x.shape[0]
    d_out = W.shape[1] // heads
    src, dst = edge_index[0], edge_index[1]
    src, dst = _add_self_loops(src, dst, n)
    h = (x @ W).reshape(n, heads, d_out)
    a_src = (h * att_src[None, :, :]).sum(-1)  # [n, heads]
    a_dst = (h * att_dst[None, :, :]).sum(-1)
    e = a_src[src] + a_dst[dst]
    e = jnp.where(e > 0, e, negative_slope * e)
    m = jax.ops.segment_max(e, dst, num_segments=n)
    e = jnp.exp(e - m[dst])
    s = jax.ops.segment_sum(e, dst, num_segments=n)
    alpha = e / (s[dst] + 1e-16)
    msg = h[src] * alpha[:, :, None]
    out = jax.ops.segment_sum(msg, dst, num_segments=n)  # [n, heads, d_out]
    out = out.mean(axis=1)  # concat=False -> mean over heads
    return out + b


def setup_inputs(seed: int = 0) -> dict:
    key = jax.random.key(seed)
    ks = jax.random.split(key, 9)
    x = jax.random.normal(ks[0], (N_NODES, D_IN), dtype=jnp.float32)
    edge_index = jax.random.randint(ks[1], (2, N_EDGES), 0, N_NODES, dtype=jnp.int64)
    edge_weight = jax.random.uniform(ks[2], (N_EDGES,), dtype=jnp.float32)
    sc_g = 1.0 / np.sqrt(D_IN)
    W_gcn = jax.random.uniform(ks[3], (D_IN, D_HID), jnp.float32, -sc_g, sc_g)
    b_gcn = jnp.zeros((D_HID,), jnp.float32)
    sc_a = 1.0 / np.sqrt(D_HID)
    W_gat = jax.random.uniform(ks[4], (D_HID, HEADS * D_HID), jnp.float32, -sc_a, sc_a)
    att_src = jax.random.uniform(ks[5], (HEADS, D_HID), jnp.float32, -sc_a, sc_a)
    att_dst = jax.random.uniform(ks[6], (HEADS, D_HID), jnp.float32, -sc_a, sc_a)
    b_gat = jnp.zeros((D_HID,), jnp.float32)
    return {
        "x": x,
        "edge_index": edge_index,
        "edge_weight": edge_weight,
        "W_gcn": W_gcn,
        "b_gcn": b_gcn,
        "W_gat": W_gat,
        "att_src": att_src,
        "att_dst": att_dst,
        "b_gat": b_gat,
    }


def reference(x, edge_index, edge_weight, W_gcn, b_gcn, W_gat, att_src, att_dst, b_gat):
    h = jax.nn.relu(gcn_conv(x, edge_index, edge_weight, W_gcn, b_gcn))
    h = jax.nn.relu(gat_conv(h, edge_index, W_gat, att_src, att_dst, b_gat, HEADS))
    return h

if __name__ == "__main__":
    import jax
    _d = setup_inputs()
    print(jax.jit(kernel)(*tuple(_d.values())))

</pallas_src>

<mosaic_0001>
#map = affine_map<(d0, d1) -> (0)>
module attributes {stable_mosaic.version = 14 : i64} {
  func.func @_deg_kernel(%arg0: i32, %arg1: i32, %arg2: memref<320000xi32, #tpu.memory_space<hbm>>, %arg3: memref<320000xf32, #tpu.memory_space<hbm>>, %arg4: memref<640xf32, #tpu.memory_space<hbm>>, %arg5: memref<20480xf32, #tpu.memory_space<hbm>>, %arg6: memref<80xi32, #tpu.memory_space<vmem>>, %arg7: memref<80xf32, #tpu.memory_space<vmem>>, %arg8: memref<10240xf32, #tpu.memory_space<vmem_shared>>) attributes {dimension_semantics = [#tpu.dimension_semantics<core_parallel>, #tpu.dimension_semantics<subcore_parallel>], iteration_bounds = array<i64: 2, 16>, scalar_prefetch = 0 : i64, scratch_operands = 3 : i64, tpu.core_type = #tpu.core_type<sc_vector_subcore>, window_params = [{transform_indices = #map}, {transform_indices = #map}, {transform_indices = #map}, {transform_indices = #map}]} {
    %mul3A = arith.constant 2 : i32
    %mul3A_0 = arith.muli %arg1, %mul3A : i32
    %add3A = arith.addi %mul3A_0, %arg0 : i32
    %mul3A_1 = arith.constant 640 : i32
    %mul3A_2 = arith.muli %arg1, %mul3A_1 : i32
    "tpu.region"() ({
      %run_scoped3A = tpu.sem_alloc : memref<!tpu.dma_semaphore, #tpu.memory_space<semaphore_mem>>
      %dma_start3A = tpu.memref_slice %arg8[%mul3A_2] : memref<10240xf32, #tpu.memory_space<vmem_shared>> -> memref<640xf32, #tpu.memory_space<vmem_shared>>
      tpu.enqueue_dma source(%arg4 : memref<640xf32, #tpu.memory_space<hbm>>) target(%dma_start3A : memref<640xf32, #tpu.memory_space<vmem_shared>>) target_semaphore(%run_scoped3A : memref<!tpu.dma_semaphore, #tpu.memory_space<semaphore_mem>>)
      %dma_wait3A = tpu.memref_slice %arg8[%mul3A_2] : memref<10240xf32, #tpu.memory_space<vmem_shared>> -> memref<640xf32, #tpu.memory_space<vmem_shared>>
      tpu.wait_dma2 semaphore(%run_scoped3A : memref<!tpu.dma_semaphore, #tpu.memory_space<semaphore_mem>>) src(%arg4 : memref<640xf32, #tpu.memory_space<hbm>>) dst(%dma_wait3A : memref<640xf32, #tpu.memory_space<vmem_shared>>)
      tpu.yield
    }) : () -> ()
    %barrier3A = arith.constant 0 : index
    tpu.barrier barrier_id(%barrier3A)
    %scan3A = arith.constant 0 : i32
    %scan3A_3 = arith.constant 125 : i32
    %scan3A_4 = arith.addi %scan3A, %scan3A_3 : i32
    %scan3A_5 = arith.constant 1 : i32
    scf.for %scan3A_15 = %scan3A to %scan3A_4 step %scan3A_5  : i32 {
      %mul3A_16 = arith.constant 1 : i32
      %mul3A_17 = arith.muli %scan3A_15, %mul3A_16 : i32
      %add3A_18 = arith.constant 0 : i32
      %add3A_19 = arith.addi %add3A_18, %mul3A_17 : i32
      %mul3A_20 = arith.constant 10000 : i32
      %mul3A_21 = arith.muli %add3A, %mul3A_20 : i32
      %mul3A_22 = arith.constant 80 : i32
      %mul3A_23 = arith.muli %add3A_19, %mul3A_22 : i32
      %add3A_24 = arith.addi %mul3A_21, %mul3A_23 : i32
      "tpu.region"() ({
        %run_scoped3A = tpu.sem_alloc : memref<!tpu.dma_semaphore, #tpu.memory_space<semaphore_mem>>
        %dma_start3A = tpu.memref_slice %arg2[%add3A_24] : memref<320000xi32, #tpu.memory_space<hbm>> -> memref<80xi32, #tpu.memory_space<hbm>>
        %dma_start3A_25 = tpu.memref_slice %arg2[%add3A_24] : memref<320000xi32, #tpu.memory_space<hbm>> -> memref<80xi32, #tpu.memory_space<hbm>>
        tpu.enqueue_dma source(%dma_start3A_25 : memref<80xi32, #tpu.memory_space<hbm>>) target(%arg6 : memref<80xi32, #tpu.memory_space<vmem>>) target_semaphore(%run_scoped3A : memref<!tpu.dma_semaphore, #tpu.memory_space<semaphore_mem>>)
        %dma_wait3A = tpu.memref_slice %arg2[%add3A_24] : memref<320000xi32, #tpu.memory_space<hbm>> -> memref<80xi32, #tpu.memory_space<hbm>>
        %dma_wait3A_26 = tpu.memref_slice %arg2[%add3A_24] : memref<320000xi32, #tpu.memory_space<hbm>> -> memref<80xi32, #tpu.memory_space<hbm>>
        tpu.wait_dma2 semaphore(%run_scoped3A : memref<!tpu.dma_semaphore, #tpu.memory_space<semaphore_mem>>) src(%dma_wait3A_26 : memref<80xi32, #tpu.memory_space<hbm>>) dst(%arg6 : memref<80xi32, #tpu.memory_space<vmem>>)
        tpu.yield
      }) : () -> ()
      "tpu.region"() ({
        %run_scoped3A = tpu.sem_alloc : memref<!tpu.dma_semaphore, #tpu.memory_space<semaphore_mem>>
        %dma_start3A = tpu.memref_slice %arg3[%add3A_24] : memref<320000xf32, #tpu.memory_space<hbm>> -> memref<80xf32, #tpu.memory_space<hbm>>
        %dma_start3A_25 = tpu.memref_slice %arg3[%add3A_24] : memref<320000xf32, #tpu.memory_space<hbm>> -> memref<80xf32, #tpu.memory_space<hbm>>
        tpu.enqueue_dma source(%dma_start3A_25 : memref<80xf32, #tpu.memory_space<hbm>>) target(%arg7 : memref<80xf32, #tpu.memory_space<vmem>>) target_semaphore(%run_scoped3A : memref<!tpu.dma_semaphore, #tpu.memory_space<semaphore_mem>>)
        %dma_wait3A = tpu.memref_slice %arg3[%add3A_24] : memref<320000xf32, #tpu.memory_space<hbm>> -> memref<80xf32, #tpu.memory_space<hbm>>
        %dma_wait3A_26 = tpu.memref_slice %arg3[%add3A_24] : memref<320000xf32, #tpu.memory_space<hbm>> -> memref<80xf32, #tpu.memory_space<hbm>>
        tpu.wait_dma2 semaphore(%run_scoped3A : memref<!tpu.dma_semaphore, #tpu.memory_space<semaphore_mem>>) src(%dma_wait3A_26 : memref<80xf32, #tpu.memory_space<hbm>>) dst(%arg7 : memref<80xf32, #tpu.memory_space<vmem>>)
        tpu.yield
      }) : () -> ()
      "tpu.region"() ({
        %run_scoped3A = tpu.sem_alloc : memref<!tpu.dma_semaphore, #tpu.memory_space<semaphore_mem>>
        %dma_start3A = arith.constant 0 : i32
        %dma_start3A_25 = tpu.memref_slice %arg8[%dma_start3A] : memref<10240xf32, #tpu.memory_space<vmem_shared>> -> memref<10240xf32, #tpu.memory_space<vmem_shared>>
        tpu.enqueue_indirect_dma source(%arg7 : memref<80xf32, #tpu.memory_space<vmem>>) target(%dma_start3A_25 : memref<10240xf32, #tpu.memory_space<vmem_shared>>) offsets(%arg6 : memref<80xi32, #tpu.memory_space<vmem>>) semaphore(%run_scoped3A : memref<!tpu.dma_semaphore, #tpu.memory_space<semaphore_mem>>) {add = true}
        %dma_wait3A = arith.constant 0 : i32
        %dma_wait3A_26 = tpu.memref_slice %arg8[%dma_wait3A] : memref<10240xf32, #tpu.memory_space<vmem_shared>> -> memref<10240xf32, #tpu.memory_space<vmem_shared>>
        tpu.wait_indirect_dma semaphore(%run_scoped3A : memref<!tpu.dma_semaphore, #tpu.memory_space<semaphore_mem>>) src(%arg7 : memref<80xf32, #tpu.memory_space<vmem>>) dst(%dma_wait3A_26 : memref<10240xf32, #tpu.memory_space<vmem_shared>>)
        tpu.yield
      }) : () -> ()
    }
    %scan3A_6 = arith.constant 125 : i32
    %barrier3A_7 = arith.constant 0 : index
    tpu.barrier barrier_id(%barrier3A_7)
    %mul3A_8 = arith.constant 640 : i32
    %mul3A_9 = arith.muli %arg1, %mul3A_8 : i32
    %mul3A_10 = arith.constant 10240 : i32
    %mul3A_11 = arith.muli %arg0, %mul3A_10 : i32
    %mul3A_12 = arith.constant 640 : i32
    %mul3A_13 = arith.muli %arg1, %mul3A_12 : i32
    %add3A_14 = arith.addi %mul3A_11, %mul3A_13 : i32
    "tpu.region"() ({
      %run_scoped3A = tpu.sem_alloc : memref<!tpu.dma_semaphore, #tpu.memory_space<semaphore_mem>>
      %dma_start3A = tpu.memref_slice %arg5[%add3A_14] : memref<20480xf32, #tpu.memory_space<hbm>> -> memref<640xf32, #tpu.memory_space<hbm>>
      %dma_start3A_15 = tpu.memref_slice %arg8[%mul3A_9] : memref<10240xf32, #tpu.memory_space<vmem_shared>> -> memref<640xf32, #tpu.memory_space<vmem_shared>>
      tpu.enqueue_dma source(%dma_start3A_15 : memref<640xf32, #tpu.memory_space<vmem_shared>>) target(%dma_start3A : memref<640xf32, #tpu.memory_space<hbm>>) target_semaphore(%run_scoped3A : memref<!tpu.dma_semaphore, #tpu.memory_space<semaphore_mem>>)
      %dma_wait3A = tpu.memref_slice %arg5[%add3A_14] : memref<20480xf32, #tpu.memory_space<hbm>> -> memref<640xf32, #tpu.memory_space<hbm>>
      %dma_wait3A_16 = tpu.memref_slice %arg8[%mul3A_9] : memref<10240xf32, #tpu.memory_space<vmem_shared>> -> memref<640xf32, #tpu.memory_space<vmem_shared>>
      tpu.wait_dma2 semaphore(%run_scoped3A : memref<!tpu.dma_semaphore, #tpu.memory_space<semaphore_mem>>) src(%dma_wait3A_16 : memref<640xf32, #tpu.memory_space<vmem_shared>>) dst(%dma_wait3A : memref<640xf32, #tpu.memory_space<hbm>>)
      tpu.yield
    }) : () -> ()
    return
  }
}

#map = affine_map<(d0, d1) -> (0, 0)>
#map1 = affine_map<(d0, d1) -> (0)>
module attributes {stable_mosaic.version = 14 : i64} {
  func.func @_gat_msg_kernel(%arg0: i32, %arg1: i32, %arg2: memref<20000x128xf32, #tpu.memory_space<hbm>>, %arg3: memref<640000xf32, #tpu.memory_space<hbm>>, %arg4: memref<20000xf32, #tpu.memory_space<hbm>>, %arg5: memref<320000xi32, #tpu.memory_space<hbm>>, %arg6: memref<320000xi32, #tpu.memory_space<hbm>>, %arg7: memref<640x128xf32, #tpu.memory_space<hbm>>, %arg8: memref<20480x128xf32, #tpu.memory_space<hbm>>, %arg9: memref<10000xf32, #tpu.memory_space<vmem>>, %arg10: memref<80xi32, #tpu.memory_space<vmem>>, %arg11: memref<80xi32, #tpu.memory_space<vmem>>, %arg12: memref<80xi32, #tpu.memory_space<vmem>>, %arg13: memref<80xi32, #tpu.memory_space<vmem>>, %arg14: memref<80xf32, #tpu.memory_space<vmem>>, %arg15: memref<80xf32, #tpu.memory_space<vmem>>, %arg16: memref<80x128xf32, #tpu.memory_space<vmem>>, %arg17: memref<80x128xf32, #tpu.memory_space<vmem>>, %arg18: memref<10240x128xf32, #tpu.memory_space<vmem_shared>>, %arg19: memref<!tpu.dma_semaphore, #tpu.memory_space<semaphore_mem>>, %arg20: memref<!tpu.dma_semaphore, #tpu.memory_space<semaphore_mem>>) attributes {dimension_semantics = [#tpu.dimension_semantics<core_parallel>, #tpu.dimension_semantics<subcore_parallel>], iteration_bounds = array<i64: 2, 16>, scalar_prefetch = 0 : i64, scratch_operands = 12 : i64, tpu.core_type = #tpu.core_type<sc_vector_subcore>, window_params = [{transform_indices = #map}, {transform_indices = #map1}, {transform_indices = #map1}, {transform_indices = #map1}, {transform_indices = #map1}, {transform_indices = #map}, {transform_indices = #map}]} {
    %mul3A = arith.constant 10000 : i32
    %mul3A_0 = arith.muli %arg0, %mul3A : i32
    %mul3A_1 = arith.constant 20000 : i32
    %mul3A_2 = arith.muli %arg1, %mul3A_1 : i32
    %mul3A_3 = arith.constant 640 : i32
    %mul3A_4 = arith.muli %arg1, %mul3A_3 : i32
    "tpu.region"() ({
      %run_scoped3A = tpu.sem_alloc : memref<!tpu.dma_semaphore, #tpu.memory_space<semaphore_mem>>
      %dma_start3A_48 = arith.constant 0 : i32
      %dma_start3A_49 = tpu.memref_slice %arg18[%mul3A_4, %dma_start3A_48] : memref<10240x128xf32, #tpu.memory_space<vmem_shared>> -> memref<640x128xf32, #tpu.memory_space<vmem_shared>>
      tpu.enqueue_dma source(%arg7 : memref<640x128xf32, #tpu.memory_space<hbm>>) target(%dma_start3A_49 : memref<640x128xf32, #tpu.memory_space<vmem_shared>>) target_semaphore(%run_scoped3A : memref<!tpu.dma_semaphore, #tpu.memory_space<semaphore_mem>>)
      %dma_wait3A = arith.constant 0 : i32
      %dma_wait3A_50 = tpu.memref_slice %arg18[%mul3A_4, %dma_wait3A] : memref<10240x128xf32, #tpu.memory_space<vmem_shared>> -> memref<640x128xf32, #tpu.memory_space<vmem_shared>>
      tpu.wait_dma2 semaphore(%run_scoped3A : memref<!tpu.dma_semaphore, #tpu.memory_space<semaphore_mem>>) src(%arg7 : memref<640x128xf32, #tpu.memory_space<hbm>>) dst(%dma_wait3A_50 : memref<640x128xf32, #tpu.memory_space<vmem_shared>>)
      tpu.yield
    }) : () -> ()
    %mul3A_5 = arith.constant 10000 : i32
    %mul3A_6 = arith.muli %arg0, %mul3A_5 : i32
    "tpu.region"() ({
      %run_scoped3A = tpu.sem_alloc : memref<!tpu.dma_semaphore, #tpu.memory_space<semaphore_mem>>
      %dma_start3A_48 = tpu.memref_slice %arg4[%mul3A_6] : memref<20000xf32, #tpu.memory_space<hbm>> -> memref<10000xf32, #tpu.memory_space<hbm>>
      %dma_start3A_49 = tpu.memref_slice %arg4[%mul3A_6] : memref<20000xf32, #tpu.memory_space<hbm>> -> memref<10000xf32, #tpu.memory_space<hbm>>
      tpu.enqueue_dma source(%dma_start3A_49 : memref<10000xf32, #tpu.memory_space<hbm>>) target(%arg9 : memref<10000xf32, #tpu.memory_space<vmem>>) target_semaphore(%run_scoped3A : memref<!tpu.dma_semaphore, #tpu.memory_space<semaphore_mem>>)
      %dma_wait3A = tpu.memref_slice %arg4[%mul3A_6] : memref<20000xf32, #tpu.memory_space<hbm>> -> memref<10000xf32, #tpu.memory_space<hbm>>
      %dma_wait3A_50 = tpu.memref_slice %arg4[%mul3A_6] : memref<20000xf32, #tpu.memory_space<hbm>> -> memref<10000xf32, #tpu.memory_space<hbm>>
      tpu.wait_dma2 semaphore(%run_scoped3A : memref<!tpu.dma_semaphore, #tpu.memory_space<semaphore_mem>>) src(%dma_wait3A_50 : memref<10000xf32, #tpu.memory_space<hbm>>) dst(%arg9 : memref<10000xf32, #tpu.memory_space<vmem>>)
      tpu.yield
    }) : () -> ()
    %barrier3A = arith.constant 0 : index
    tpu.barrier barrier_id(%barrier3A)
    "tpu.region"() ({
      %run_scoped3A = tpu.sem_alloc : memref<!tpu.dma_semaphore, #tpu.memory_space<semaphore_mem>>
      %dma_start3A_48 = tpu.memref_slice %arg5[%mul3A_2] : memref<320000xi32, #tpu.memory_space<hbm>> -> memref<80xi32, #tpu.memory_space<hbm>>
      %dma_start3A_49 = tpu.memref_slice %arg5[%mul3A_2] : memref<320000xi32, #tpu.memory_space<hbm>> -> memref<80xi32, #tpu.memory_space<hbm>>
      tpu.enqueue_dma source(%dma_start3A_49 : memref<80xi32, #tpu.memory_space<hbm>>) target(%arg10 : memref<80xi32, #tpu.memory_space<vmem>>) target_semaphore(%run_scoped3A : memref<!tpu.dma_semaphore, #tpu.memory_space<semaphore_mem>>)
      %dma_wait3A = tpu.memref_slice %arg5[%mul3A_2] : memref<320000xi32, #tpu.memory_space<hbm>> -> memref<80xi32, #tpu.memory_space<hbm>>
      %dma_wait3A_50 = tpu.memref_slice %arg5[%mul3A_2] : memref<320000xi32, #tpu.memory_space<hbm>> -> memref<80xi32, #tpu.memory_space<hbm>>
      tpu.wait_dma2 semaphore(%run_scoped3A : memref<!tpu.dma_semaphore, #tpu.memory_space<semaphore_mem>>) src(%dma_wait3A_50 : memref<80xi32, #tpu.memory_space<hbm>>) dst(%arg10 : memref<80xi32, #tpu.memory_space<vmem>>)
      tpu.yield
    }) : () -> ()
    "tpu.region"() ({
      %run_scoped3A = tpu.sem_alloc : memref<!tpu.dma_semaphore, #tpu.memory_space<semaphore_mem>>
      %dma_start3A_48 = tpu.memref_slice %arg6[%mul3A_2] : memref<320000xi32, #tpu.memory_space<hbm>> -> memref<80xi32, #tpu.memory_space<hbm>>
      %dma_start3A_49 = tpu.memref_slice %arg6[%mul3A_2] : memref<320000xi32, #tpu.memory_space<hbm>> -> memref<80xi32, #tpu.memory_space<hbm>>
      tpu.enqueue_dma source(%dma_start3A_49 : memref<80xi32, #tpu.memory_space<hbm>>) target(%arg12 : memref<80xi32, #tpu.memory_space<vmem>>) target_semaphore(%run_scoped3A : memref<!tpu.dma_semaphore, #tpu.memory_space<semaphore_mem>>)
      %dma_wait3A = tpu.memref_slice %arg6[%mul3A_2] : memref<320000xi32, #tpu.memory_space<hbm>> -> memref<80xi32, #tpu.memory_space<hbm>>
      %dma_wait3A_50 = tpu.memref_slice %arg6[%mul3A_2] : memref<320000xi32, #tpu.memory_space<hbm>> -> memref<80xi32, #tpu.memory_space<hbm>>
      tpu.wait_dma2 semaphore(%run_scoped3A : memref<!tpu.dma_semaphore, #tpu.memory_space<semaphore_mem>>) src(%dma_wait3A_50 : memref<80xi32, #tpu.memory_space<hbm>>) dst(%arg12 : memref<80xi32, #tpu.memory_space<vmem>>)
      tpu.yield
    }) : () -> ()
    %get3A = arith.constant 0 : index
    %get3A_7 = tpu.vector_load %arg10[%get3A] {strides = array<i32>} : memref<80xi32, #tpu.memory_space<vmem>>, vector<16xi32>,
    %add3A = vector.broadcast %mul3A_0 : i32 to vector<16xi32>
    %add3A_8 = arith.addi %get3A_7, %add3A : vector<16xi32>
    %swap3A = arith.constant 0 : index
    %swap3A_9 = tpu.vector_load %arg10[%swap3A] {strides = array<i32>} : memref<80xi32, #tpu.memory_space<vmem>>, vector<16xi32>,
    tpu.vector_store %arg10[%swap3A], %add3A_8 {strides = array<i32>} : memref<80xi32, #tpu.memory_space<vmem>>, vector<16xi32>,
    %get3A_10 = arith.constant 16 : index
    %get3A_11 = tpu.vector_load %arg10[%get3A_10] {strides = array<i32>} : memref<80xi32, #tpu.memory_space<vmem>>, vector<16xi32>,
    %add3A_12 = vector.broadcast %mul3A_0 : i32 to vector<16xi32>
    %add3A_13 = arith.addi %get3A_11, %add3A_12 : vector<16xi32>
    %swap3A_14 = arith.constant 16 : index
    %swap3A_15 = tpu.vector_load %arg10[%swap3A_14] {strides = array<i32>} : memref<80xi32, #tpu.memory_space<vmem>>, vector<16xi32>,
    tpu.vector_store %arg10[%swap3A_14], %add3A_13 {strides = array<i32>} : memref<80xi32, #tpu.memory_space<vmem>>, vector<16xi32>,
    %get3A_16 = arith.constant 32 : index
    %get3A_17 = tpu.vector_load %arg10[%get3A_16] {strides = array<i32>} : memref<80xi32, #tpu.memory_space<vmem>>, vector<16xi32>,
    %add3A_18 = vector.broadcast %mul3A_0 : i32 to vector<16xi32>
    %add3A_19 = arith.addi %get3A_17, %add3A_18 : vector<16xi32>
    %swap3A_20 = arith.constant 32 : index
    %swap3A_21 = tpu.vector_load %arg10[%swap3A_20] {strides = array<i32>} : memref<80xi32, #tpu.memory_space<vmem>>, vector<16xi32>,
    tpu.vector_store %arg10[%swap3A_20], %add3A_19 {strides = array<i32>} : memref<80xi32, #tpu.memory_space<vmem>>, vector<16xi32>,
    %get3A_22 = arith.constant 48 : index
    %get3A_23 = tpu.vector_load %arg10[%get3A_22] {strides = array<i32>} : memref<80xi32, #tpu.memory_space<vmem>>, vector<16xi32>,
    %add3A_24 = vector.broadcast %mul3A_0 : i32 to vector<16xi32>
    %add3A_25 = arith.addi %get3A_23, %add3A_24 : vector<16xi32>
    %swap3A_26 = arith.constant 48 : index
    %swap3A_27 = tpu.vector_load %arg10[%swap3A_26] {strides = array<i32>} : memref<80xi32, #tpu.memory_space<vmem>>, vector<16xi32>,
    tpu.vector_store %arg10[%swap3A_26], %add3A_25 {strides = array<i32>} : memref<80xi32, #tpu.memory_space<vmem>>, vector<16xi32>,
    %get3A_28 = arith.constant 64 : index
    %get3A_29 = tpu.vector_load %arg10[%get3A_28] {strides = array<i32>} : memref<80xi32, #tpu.memory_space<vmem>>, vector<16xi32>,
    %add3A_30 = vector.broadcast %mul3A_0 : i32 to vector<16xi32>
    %add3A_31 = arith.addi %get3A_29, %add3A_30 : vector<16xi32>
    %swap3A_32 = arith.constant 64 : index
    %swap3A_33 = tpu.vector_load %arg10[%swap3A_32] {strides = array<i32>} : memref<80xi32, #tpu.memory_space<vmem>>, vector<16xi32>,
    tpu.vector_store %arg10[%swap3A_32], %add3A_31 {strides = array<i32>} : memref<80xi32, #tpu.memory_space<vmem>>, vector<16xi32>,
    %dma_start3A = arith.constant 0 : i32
    %dma_start3A_34 = arith.constant 0 : i32
    %dma_start3A_35 = tpu.memref_slice %arg2[%dma_start3A, %dma_start3A_34] : memref<20000x128xf32, #tpu.memory_space<hbm>> -> memref<20000x128xf32, #tpu.memory_space<hbm>>
    tpu.enqueue_indirect_dma source(%dma_start3A_35 : memref<20000x128xf32, #tpu.memory_space<hbm>>) target(%arg16 : memref<80x128xf32, #tpu.memory_space<vmem>>) offsets(%arg10 : memref<80xi32, #tpu.memory_space<vmem>>) semaphore(%arg19 : memref<!tpu.dma_semaphore, #tpu.memory_space<semaphore_mem>>)
    %scan3A = arith.constant 0 : i32
    %scan3A_36 = arith.constant 250 : i32
    %scan3A_37 = arith.addi %scan3A, %scan3A_36 : i32
    %scan3A_38 = arith.constant 1 : i32
    scf.for %scan3A_48 = %scan3A to %scan3A_37 step %scan3A_38  : i32 {
      %mul3A_49 = arith.constant 1 : i32
      %mul3A_50 = arith.muli %scan3A_48, %mul3A_49 : i32
      %add3A_51 = arith.constant 0 : i32
      %add3A_52 = arith.addi %add3A_51, %mul3A_50 : i32
      %jit3A = arith.constant 2 : i32
      %eq3A = arith.constant 0 : i32
      %eq3A_53 = arith.cmpi eq, %jit3A, %eq3A : i32
      %jit3A_54 = arith.constant 1 : i32
      %select_n3A = arith.select %eq3A_53, %jit3A_54, %jit3A : i32
      %rem3A = arith.remsi %add3A_52, %select_n3A : i32
      %ne3A = arith.constant 0 : i32
      %ne3A_55 = arith.cmpi ne, %rem3A, %ne3A : i32
      %lt3A = arith.constant 0 : i32
      %lt3A_56 = arith.cmpi slt, %rem3A, %lt3A : i32
      %lt3A_57 = arith.constant 0 : i32
      %lt3A_58 = arith.cmpi slt, %select_n3A, %lt3A_57 : i32
      %ne3A_59 = arith.xori %lt3A_56, %lt3A_58 : i1
      %and3A = arith.andi %ne3A_59, %ne3A_55 : i1
      %add3A_60 = arith.addi %rem3A, %select_n3A : i32
      %select_n3A_61 = arith.select %and3A, %add3A_60, %rem3A : i32
      %eq3A_62 = arith.constant 0 : i32
      %eq3A_63 = arith.cmpi eq, %select_n3A_61, %eq3A_62 : i32
      %convert_element_type3A = arith.extui %eq3A_63 : i1 to i32
      %cond3A = arith.constant 0 : i32
      %cond3A_64 = arith.cmpi ne, %convert_element_type3A, %cond3A : i32
      scf.if %cond3A_64 {
        %add3A_86 = arith.constant 1 : i32
        %add3A_87 = arith.addi %add3A_52, %add3A_86 : i32
        %lt3A_88 = arith.constant 250 : i32
        %lt3A_89 = arith.cmpi slt, %add3A_87, %lt3A_88 : i32
        %convert_element_type3A_90 = arith.extui %lt3A_89 : i1 to i32
        %cond3A_91 = arith.constant 0 : i32
        %cond3A_92 = arith.cmpi ne, %convert_element_type3A_90, %cond3A_91 : i32
        scf.if %cond3A_92 {
          %add3A_148 = arith.constant 1 : i32
          %add3A_149 = arith.addi %add3A_52, %add3A_148 : i32
          %mul3A_150 = arith.constant 80 : i32
          %mul3A_151 = arith.muli %add3A_149, %mul3A_150 : i32
          %add3A_152 = arith.addi %mul3A_2, %mul3A_151 : i32
          "tpu.region"() ({
            %run_scoped3A = tpu.sem_alloc : memref<!tpu.dma_semaphore, #tpu.memory_space<semaphore_mem>>
            %dma_start3A_186 = tpu.memref_slice %arg5[%add3A_152] : memref<320000xi32, #tpu.memory_space<hbm>> -> memref<80xi32, #tpu.memory_space<hbm>>
            %dma_start3A_187 = tpu.memref_slice %arg5[%add3A_152] : memref<320000xi32, #tpu.memory_space<hbm>> -> memref<80xi32, #tpu.memory_space<hbm>>
            tpu.enqueue_dma source(%dma_start3A_187 : memref<80xi32, #tpu.memory_space<hbm>>) target(%arg11 : memref<80xi32, #tpu.memory_space<vmem>>) target_semaphore(%run_scoped3A : memref<!tpu.dma_semaphore, #tpu.memory_space<semaphore_mem>>)
            %dma_wait3A_188 = tpu.memref_slice %arg5[%add3A_152] : memref<320000xi32, #tpu.memory_space<hbm>> -> memref<80xi32, #tpu.memory_space<hbm>>
            %dma_wait3A_189 = tpu.memref_slice %arg5[%add3A_152] : memref<320000xi32, #tpu.memory_space<hbm>> -> memref<80xi32, #tpu.memory_space<hbm>>
            tpu.wait_dma2 semaphore(%run_scoped3A : memref<!tpu.dma_semaphore, #tpu.memory_space<semaphore_mem>>) src(%dma_wait3A_189 : memref<80xi32, #tpu.memory_space<hbm>>) dst(%arg11 : memref<80xi32, #tpu.memory_space<vmem>>)
            tpu.yield
          }) : () -> ()
          "tpu.region"() ({
            %run_scoped3A = tpu.sem_alloc : memref<!tpu.dma_semaphore, #tpu.memory_space<semaphore_mem>>
            %dma_start3A_186 = tpu.memref_slice %arg6[%add3A_152] : memref<320000xi32, #tpu.memory_space<hbm>> -> memref<80xi32, #tpu.memory_space<hbm>>
            %dma_start3A_187 = tpu.memref_slice %arg6[%add3A_152] : memref<320000xi32, #tpu.memory_space<hbm>> -> memref<80xi32, #tpu.memory_space<hbm>>
            tpu.enqueue_dma source(%dma_start3A_187 : memref<80xi32, #tpu.memory_space<hbm>>) target(%arg13 : memref<80xi32, #tpu.memory_space<vmem>>) target_semaphore(%run_scoped3A : memref<!tpu.dma_semaphore, #tpu.memory_space<semaphore_mem>>)
            %dma_wait3A_188 = tpu.memref_slice %arg6[%add3A_152] : memref<320000xi32, #tpu.memory_space<hbm>> -> memref<80xi32, #tpu.memory_space<hbm>>
            %dma_wait3A_189 = tpu.memref_slice %arg6[%add3A_152] : memref<320000xi32, #tpu.memory_space<hbm>> -> memref<80xi32, #tpu.memory_space<hbm>>
            tpu.wait_dma2 semaphore(%run_scoped3A : memref<!tpu.dma_semaphore, #tpu.memory_space<semaphore_mem>>) src(%dma_wait3A_189 : memref<80xi32, #tpu.memory_space<hbm>>) dst(%arg13 : memref<80xi32, #tpu.memory_space<vmem>>)
            tpu.yield
          }) : () -> ()
          %get3A_153 = arith.constant 0 : index
          %get3A_154 = tpu.vector_load %arg11[%get3A_153] {strides = array<i32>} : memref<80xi32, #tpu.memory_space<vmem>>, vector<16xi32>,
          %add3A_155 = vector.broadcast %mul3A_0 : i32 to vector<16xi32>
          %add3A_156 = arith.addi %get3A_154, %add3A_155 : vector<16xi32>
          %swap3A_157 = arith.constant 0 : index
          %swap3A_158 = tpu.vector_load %arg11[%swap3A_157] {strides = array<i32>} : memref<80xi32, #tpu.memory_space<vmem>>, vector<16xi32>,
          tpu.vector_store %arg11[%swap3A_157], %add3A_156 {strides = array<i32>} : memref<80xi32, #tpu.memory_space<vmem>>, vector<16xi32>,
          %get3A_159 = arith.constant 16 : index
          %get3A_160 = tpu.vector_load %arg11[%get3A_159] {strides = array<i32>} : memref<80xi32, #tpu.memory_space<vmem>>, vector<16xi32>,
          %add3A_161 = vector.broadcast %mul3A_0 : i32 to vector<16xi32>
          %add3A_162 = arith.addi %get3A_160, %add3A_161 : vector<16xi32>
          %swap3A_163 = arith.constant 16 : index
          %swap3A_164 = tpu.vector_load %arg11[%swap3A_163] {strides = array<i32>} : memref<80xi32, #tpu.memory_space<vmem>>, vector<16xi32>,
          tpu.vector_store %arg11[%swap3A_163], %add3A_162 {strides = array<i32>} : memref<80xi32, #tpu.memory_space<vmem>>, vector<16xi32>,
          %get3A_165 = arith.constant 32 : index
          %get3A_166 = tpu.vector_load %arg11[%get3A_165] {strides = array<i32>} : memref<80xi32, #tpu.memory_space<vmem>>, vector<16xi32>,
          %add3A_167 = vector.broadcast %mul3A_0 : i32 to vector<16xi32>
          %add3A_168 = arith.addi %get3A_166, %add3A_167 : vector<16xi32>
          %swap3A_169 = arith.constant 32 : index
          %swap3A_170 = tpu.vector_load %arg11[%swap3A_169] {strides = array<i32>} : memref<80xi32, #tpu.memory_space<vmem>>, vector<16xi32>,
          tpu.vector_store %arg11[%swap3A_169], %add3A_168 {strides = array<i32>} : memref<80xi32, #tpu.memory_space<vmem>>, vector<16xi32>,
          %get3A_171 = arith.constant 48 : index
          %get3A_172 = tpu.vector_load %arg11[%get3A_171] {strides = array<i32>} : memref<80xi32, #tpu.memory_space<vmem>>, vector<16xi32>,
          %add3A_173 = vector.broadcast %mul3A_0 : i32 to vector<16xi32>
          %add3A_174 = arith.addi %get3A_172, %add3A_173 : vector<16xi32>
          %swap3A_175 = arith.constant 48 : index
          %swap3A_176 = tpu.vector_load %arg11[%swap3A_175] {strides = array<i32>} : memref<80xi32, #tpu.memory_space<vmem>>, vector<16xi32>,
          tpu.vector_store %arg11[%swap3A_175], %add3A_174 {strides = array<i32>} : memref<80xi32, #tpu.memory_space<vmem>>, vector<16xi32>,
          %get3A_177 = arith.constant 64 : index
          %get3A_178 = tpu.vector_load %arg11[%get3A_177] {strides = array<i32>} : memref<80xi32, #tpu.memory_space<vmem>>, vector<16xi32>,
          %add3A_179 = vector.broadcast %mul3A_0 : i32 to vector<16xi32>
          %add3A_180 = arith.addi %get3A_178, %add3A_179 : vector<16xi32>
          %swap3A_181 = arith.constant 64 : index
          %swap3A_182 = tpu.vector_load %arg11[%swap3A_181] {strides = array<i32>} : memref<80xi32, #tpu.memory_space<vmem>>, vector<16xi32>,
          tpu.vector_store %arg11[%swap3A_181], %add3A_180 {strides = array<i32>} : memref<80xi32, #tpu.memory_space<vmem>>, vector<16xi32>,
          %dma_start3A_183 = arith.constant 0 : i32
          %dma_start3A_184 = arith.constant 0 : i32
          %dma_start3A_185 = tpu.memref_slice %arg2[%dma_start3A_183, %dma_start3A_184] : memref<20000x128xf32, #tpu.memory_space<hbm>> -> memref<20000x128xf32, #tpu.memory_space<hbm>>
          tpu.enqueue_indirect_dma source(%dma_start3A_185 : memref<20000x128xf32, #tpu.memory_space<hbm>>) target(%arg17 : memref<80x128xf32, #tpu.memory_space<vmem>>) offsets(%arg11 : memref<80xi32, #tpu.memory_space<vmem>>) semaphore(%arg20 : memref<!tpu.dma_semaphore, #tpu.memory_space<semaphore_mem>>)
        } else {
        }
        %dma_wait3A = arith.constant 0 : i32
        %dma_wait3A_93 = arith.constant 0 : i32
        %dma_wait3A_94 = tpu.memref_slice %arg2[%dma_wait3A, %dma_wait3A_93] : memref<20000x128xf32, #tpu.memory_space<hbm>> -> memref<20000x128xf32, #tpu.memory_space<hbm>>
        tpu.wait_indirect_dma semaphore(%arg19 : memref<!tpu.dma_semaphore, #tpu.memory_space<semaphore_mem>>) src(%dma_wait3A_94 : memref<20000x128xf32, #tpu.memory_space<hbm>>) dst(%arg16 : memref<80x128xf32, #tpu.memory_space<vmem>>)
        %mul3A_95 = arith.constant 320000 : i32
        %mul3A_96 = arith.muli %arg0, %mul3A_95 : i32
        %add3A_97 = arith.addi %mul3A_96, %mul3A_2 : i32
        %mul3A_98 = arith.constant 80 : i32
        %mul3A_99 = arith.muli %add3A_52, %mul3A_98 : i32
        %add3A_100 = arith.addi %add3A_97, %mul3A_99 : i32
        "tpu.region"() ({
          %run_scoped3A = tpu.sem_alloc : memref<!tpu.dma_semaphore, #tpu.memory_space<semaphore_mem>>
          %dma_start3A_148 = tpu.memref_slice %arg3[%add3A_100] : memref<640000xf32, #tpu.memory_space<hbm>> -> memref<80xf32, #tpu.memory_space<hbm>>
          %dma_start3A_149 = tpu.memref_slice %arg3[%add3A_100] : memref<640000xf32, #tpu.memory_space<hbm>> -> memref<80xf32, #tpu.memory_space<hbm>>
          tpu.enqueue_dma source(%dma_start3A_149 : memref<80xf32, #tpu.memory_space<hbm>>) target(%arg14 : memref<80xf32, #tpu.memory_space<vmem>>) target_semaphore(%run_scoped3A : memref<!tpu.dma_semaphore, #tpu.memory_space<semaphore_mem>>)
          %dma_wait3A_150 = tpu.memref_slice %arg3[%add3A_100] : memref<640000xf32, #tpu.memory_space<hbm>> -> memref<80xf32, #tpu.memory_space<hbm>>
          %dma_wait3A_151 = tpu.memref_slice %arg3[%add3A_100] : memref<640000xf32, #tpu.memory_space<hbm>> -> memref<80xf32, #tpu.memory_space<hbm>>
          tpu.wait_dma2 semaphore(%run_scoped3A : memref<!tpu.dma_semaphore, #tpu.memory_space<semaphore_mem>>) src(%dma_wait3A_151 : memref<80xf32, #tpu.memory_space<hbm>>) dst(%arg14 : memref<80xf32, #tpu.memory_space<vmem>>)
          tpu.yield
        }) : () -> ()
        %get3A_101 = arith.constant 0 : index
        %get3A_102 = tpu.vector_load %arg12[%get3A_101] {strides = array<i32>} : memref<80xi32, #tpu.memory_space<vmem>>, vector<16xi32>,
        %gather3A = tpu.vector_load_idx %arg9[%get3A_102] : memref<10000xf32, #tpu.memory_space<vmem>>[vector<16xi32>], vector<16xf32>,
        %get3A_103 = arith.constant 0 : index
        %get3A_104 = tpu.vector_load %arg14[%get3A_103] {strides = array<i32>} : memref<80xf32, #tpu.memory_space<vmem>>, vector<16xf32>,
        %sub3A = arith.subf %get3A_104, %gather3A : vector<16xf32>
        %exp3A = math.exp %sub3A : vector<16xf32>
        %swap3A_105 = arith.constant 0 : index
        %swap3A_106 = tpu.vector_load %arg15[%swap3A_105] {strides = array<i32>} : memref<80xf32, #tpu.memory_space<vmem>>, vector<16xf32>,
        tpu.vector_store %arg15[%swap3A_105], %exp3A {strides = array<i32>} : memref<80xf32, #tpu.memory_space<vmem>>, vector<16xf32>,
        %get3A_107 = arith.constant 16 : index
        %get3A_108 = tpu.vector_load %arg12[%get3A_107] {strides = array<i32>} : memref<80xi32, #tpu.memory_space<vmem>>, vector<16xi32>,
        %gather3A_109 = tpu.vector_load_idx %arg9[%get3A_108] : memref<10000xf32, #tpu.memory_space<vmem>>[vector<16xi32>], vector<16xf32>,
        %get3A_110 = arith.constant 16 : index
        %get3A_111 = tpu.vector_load %arg14[%get3A_110] {strides = array<i32>} : memref<80xf32, #tpu.memory_space<vmem>>, vector<16xf32>,
        %sub3A_112 = arith.subf %get3A_111, %gather3A_109 : vector<16xf32>
        %exp3A_113 = math.exp %sub3A_112 : vector<16xf32>
        %swap3A_114 = arith.constant 16 : index
        %swap3A_115 = tpu.vector_load %arg15[%swap3A_114] {strides = array<i32>} : memref<80xf32, #tpu.memory_space<vmem>>, vector<16xf32>,
        tpu.vector_store %arg15[%swap3A_114], %exp3A_113 {strides = array<i32>} : memref<80xf32, #tpu.memory_space<vmem>>, vector<16xf32>,
        %get3A_116 = arith.constant 32 : index
        %get3A_117 = tpu.vector_load %arg12[%get3A_116] {strides = array<i32>} : memref<80xi32, #tpu.memory_space<vmem>>, vector<16xi32>,
        %gather3A_118 = tpu.vector_load_idx %arg9[%get3A_117] : memref<10000xf32, #tpu.memory_space<vmem>>[vector<16xi32>], vector<16xf32>,
        %get3A_119 = arith.constant 32 : index
        %get3A_120 = tpu.vector_load %arg14[%get3A_119] {strides = array<i32>} : memref<80xf32, #tpu.memory_space<vmem>>, vector<16xf32>,
        %sub3A_121 = arith.subf %get3A_120, %gather3A_118 : vector<16xf32>
        %exp3A_122 = math.exp %sub3A_121 : vector<16xf32>
        %swap3A_123 = arith.constant 32 : index
        %swap3A_124 = tpu.vector_load %arg15[%swap3A_123] {strides = array<i32>} : memref<80xf32, #tpu.memory_space<vmem>>, vector<16xf32>,
        tpu.vector_store %arg15[%swap3A_123], %exp3A_122 {strides = array<i32>} : memref<80xf32, #tpu.memory_space<vmem>>, vector<16xf32>,
        %get3A_125 = arith.constant 48 : index
        %get3A_126 = tpu.vector_load %arg12[%get3A_125] {strides = array<i32>} : memref<80xi32, #tpu.memory_space<vmem>>, vector<16xi32>,
        %gather3A_127 = tpu.vector_load_idx %arg9[%get3A_126] : memref<10000xf32, #tpu.memory_space<vmem>>[vector<16xi32>], vector<16xf32>,
        %get3A_128 = arith.constant 48 : index
        %get3A_129 = tpu.vector_load %arg14[%get3A_128] {strides = array<i32>} : memref<80xf32, #tpu.memory_space<vmem>>, vector<16xf32>,
        %sub3A_130 = arith.subf %get3A_129, %gather3A_127 : vector<16xf32>
        %exp3A_131 = math.exp %sub3A_130 : vector<16xf32>
        %swap3A_132 = arith.constant 48 : index
        %swap3A_133 = tpu.vector_load %arg15[%swap3A_132] {strides = array<i32>} : memref<80xf32, #tpu.memory_space<vmem>>, vector<16xf32>,
        tpu.vector_store %arg15[%swap3A_132], %exp3A_131 {strides = array<i32>} : memref<80xf32, #tpu.memory_space<vmem>>, vector<16xf32>,
        %get3A_134 = arith.constant 64 : index
        %get3A_135 = tpu.vector_load %arg12[%get3A_134] {strides = array<i32>} : memref<80xi32, #tpu.memory_space<vmem>>, vector<16xi32>,
        %gather3A_136 = tpu.vector_load_idx %arg9[%get3A_135] : memref<10000xf32, #tpu.memory_space<vmem>>[vector<16xi32>], vector<16xf32>,
        %get3A_137 = arith.constant 64 : index
        %get3A_138 = tpu.vector_load %arg14[%get3A_137] {strides = array<i32>} : memref<80xf32, #tpu.memory_space<vmem>>, vector<16xf32>,
        %sub3A_139 = arith.subf %get3A_138, %gather3A_136 : vector<16xf32>
        %exp3A_140 = math.exp %sub3A_139 : vector<16xf32>
        %swap3A_141 = arith.constant 64 : index
        %swap3A_142 = tpu.vector_load %arg15[%swap3A_141] {strides = array<i32>} : memref<80xf32, #tpu.memory_space<vmem>>, vector<16xf32>,
        tpu.vector_store %arg15[%swap3A_141], %exp3A_140 {strides = array<i32>} : memref<80xf32, #tpu.memory_space<vmem>>, vector<16xf32>,
        %scan3A_143 = arith.constant 0 : i32
        %scan3A_144 = arith.constant 80 : i32
        %scan3A_145 = arith.addi %scan3A_143, %scan3A_144 : i32
        %scan3A_146 = arith.constant 1 : i32
        scf.for %scan3A_148 = %scan3A_143 to %scan3A_145 step %scan3A_146  : i32 {
          %mul3A_149 = arith.constant 1 : i32
          %mul3A_150 = arith.muli %scan3A_148, %mul3A_149 : i32
          %add3A_151 = arith.constant 0 : i32
          %add3A_152 = arith.addi %add3A_151, %mul3A_150 : i32
          %broadcast_in_dim3A = vector.broadcast %add3A_152 : i32 to vector<16xi32>
          %gather3A_153 = tpu.vector_load_idx %arg15[%broadcast_in_dim3A] : memref<80xf32, #tpu.memory_space<vmem>>[vector<16xi32>], vector<16xf32>,
          %get3A_154 = arith.index_cast %add3A_152 : i32 to index
          %get3A_155 = arith.constant 0 : index
          %get3A_156 = tpu.vector_load %arg16[%get3A_154, %get3A_155] {strides = array<i32>} : memref<80x128xf32, #tpu.memory_space<vmem>>, vector<16xf32>,
          %mul3A_157 = arith.mulf %get3A_156, %gather3A_153 : vector<16xf32>
          %swap3A_158 = arith.index_cast %add3A_152 : i32 to index
          %swap3A_159 = arith.constant 0 : index
          %swap3A_160 = tpu.vector_load %arg16[%swap3A_158, %swap3A_159] {strides = array<i32>} : memref<80x128xf32, #tpu.memory_space<vmem>>, vector<16xf32>,
          tpu.vector_store %arg16[%swap3A_158, %swap3A_159], %mul3A_157 {strides = array<i32>} : memref<80x128xf32, #tpu.memory_space<vmem>>, vector<16xf32>,
          %get3A_161 = arith.index_cast %add3A_152 : i32 to index
          %get3A_162 = arith.constant 16 : index
          %get3A_163 = tpu.vector_load %arg16[%get3A_161, %get3A_162] {strides = array<i32>} : memref<80x128xf32, #tpu.memory_space<vmem>>, vector<16xf32>,
          %mul3A_164 = arith.mulf %get3A_163, %gather3A_153 : vector<16xf32>
          %swap3A_165 = arith.index_cast %add3A_152 : i32 to index
          %swap3A_166 = arith.constant 16 : index
          %swap3A_167 = tpu.vector_load %arg16[%swap3A_165, %swap3A_166] {strides = array<i32>} : memref<80x128xf32, #tpu.memory_space<vmem>>, vector<16xf32>,
          tpu.vector_store %arg16[%swap3A_165, %swap3A_166], %mul3A_164 {strides = array<i32>} : memref<80x128xf32, #tpu.memory_space<vmem>>, vector<16xf32>,
          %get3A_168 = arith.index_cast %add3A_152 : i32 to index
          %get3A_169 = arith.constant 32 : index
          %get3A_170 = tpu.vector_load %arg16[%get3A_168, %get3A_169] {strides = array<i32>} : memref<80x128xf32, #tpu.memory_space<vmem>>, vector<16xf32>,
          %mul3A_171 = arith.mulf %get3A_170, %gather3A_153 : vector<16xf32>
          %swap3A_172 = arith.index_cast %add3A_152 : i32 to index
          %swap3A_173 = arith.constant 32 : index
          %swap3A_174 = tpu.vector_load %arg16[%swap3A_172, %swap3A_173] {strides = array<i32>} : memref<80x128xf32, #tpu.memory_space<vmem>>, vector<16xf32>,
          tpu.vector_store %arg16[%swap3A_172, %swap3A_173], %mul3A_171 {strides = array<i32>} : memref<80x128xf32, #tpu.memory_space<vmem>>, vector<16xf32>,
          %get3A_175 = arith.index_cast %add3A_152 : i32 to index
          %get3A_176 = arith.constant 48 : index
          %get3A_177 = tpu.vector_load %arg16[%get3A_175, %get3A_176] {strides = array<i32>} : memref<80x128xf32, #tpu.memory_space<vmem>>, vector<16xf32>,
          %mul3A_178 = arith.mulf %get3A_177, %gather3A_153 : vector<16xf32>
          %swap3A_179 = arith.index_cast %add3A_152 : i32 to index
          %swap3A_180 = arith.constant 48 : index
          %swap3A_181 = tpu.vector_load %arg16[%swap3A_179, %swap3A_180] {strides = array<i32>} : memref<80x128xf32, #tpu.memory_space<vmem>>, vector<16xf32>,
          tpu.vector_store %arg16[%swap3A_179, %swap3A_180], %mul3A_178 {strides = array<i32>} : memref<80x128xf32, #tpu.memory_space<vmem>>, vector<16xf32>,
          %get3A_182 = arith.index_cast %add3A_152 : i32 to index
          %get3A_183 = arith.constant 64 : index
          %get3A_184 = tpu.vector_load %arg16[%get3A_182, %get3A_183] {strides = array<i32>} : memref<80x128xf32, #tpu.memory_space<vmem>>, vector<16xf32>,
          %mul3A_185 = arith.mulf %get3A_184, %gather3A_153 : vector<16xf32>
          %swap3A_186 = arith.index_cast %add3A_152 : i32 to index
          %swap3A_187 = arith.constant 64 : index
          %swap3A_188 = tpu.vector_load %arg16[%swap3A_186, %swap3A_187] {strides = array<i32>} : memref<80x128xf32, #tpu.memory_space<vmem>>, vector<16xf32>,
          tpu.vector_store %arg16[%swap3A_186, %swap3A_187], %mul3A_185 {strides = array<i32>} : memref<80x128xf32, #tpu.memory_space<vmem>>, vector<16xf32>,
          %get3A_189 = arith.index_cast %add3A_152 : i32 to index
          %get3A_190 = arith.constant 80 : index
          %get3A_191 = tpu.vector_load %arg16[%get3A_189, %get3A_190] {strides = array<i32>} : memref<80x128xf32, #tpu.memory_space<vmem>>, vector<16xf32>,
          %mul3A_192 = arith.mulf %get3A_191, %gather3A_153 : vector<16xf32>
          %swap3A_193 = arith.index_cast %add3A_152 : i32 to index
          %swap3A_194 = arith.constant 80 : index
          %swap3A_195 = tpu.vector_load %arg16[%swap3A_193, %swap3A_194] {strides = array<i32>} : memref<80x128xf32, #tpu.memory_space<vmem>>, vector<16xf32>,
          tpu.vector_store %arg16[%swap3A_193, %swap3A_194], %mul3A_192 {strides = array<i32>} : memref<80x128xf32, #tpu.memory_space<vmem>>, vector<16xf32>,
          %get3A_196 = arith.index_cast %add3A_152 : i32 to index
          %get3A_197 = arith.constant 96 : index
          %get3A_198 = tpu.vector_load %arg16[%get3A_196, %get3A_197] {strides = array<i32>} : memref<80x128xf32, #tpu.memory_space<vmem>>, vector<16xf32>,
          %mul3A_199 = arith.mulf %get3A_198, %gather3A_153 : vector<16xf32>
          %swap3A_200 = arith.index_cast %add3A_152 : i32 to index
          %swap3A_201 = arith.constant 96 : index
          %swap3A_202 = tpu.vector_load %arg16[%swap3A_200, %swap3A_201] {strides = array<i32>} : memref<80x128xf32, #tpu.memory_space<vmem>>, vector<16xf32>,
          tpu.vector_store %arg16[%swap3A_200, %swap3A_201], %mul3A_199 {strides = array<i32>} : memref<80x128xf32, #tpu.memory_space<vmem>>, vector<16xf32>,
          %get3A_203 = arith.index_cast %add3A_152 : i32 to index
          %get3A_204 = arith.constant 112 : index
          %get3A_205 = tpu.vector_load %arg16[%get3A_203, %get3A_204] {strides = array<i32>} : memref<80x128xf32, #tpu.memory_space<vmem>>, vector<16xf32>,
          %mul3A_206 = arith.mulf %get3A_205, %gather3A_153 : vector<16xf32>
          %swap3A_207 = arith.index_cast %add3A_152 : i32 to index
          %swap3A_208 = arith.constant 112 : index
          %swap3A_209 = tpu.vector_load %arg16[%swap3A_207, %swap3A_208] {strides = array<i32>} : memref<80x128xf32, #tpu.memory_space<vmem>>, vector<16xf32>,
          tpu.vector_store %arg16[%swap3A_207, %swap3A_208], %mul3A_206 {strides = array<i32>} : memref<80x128xf32, #tpu.memory_space<vmem>>, vector<16xf32>,
        }
        %scan3A_147 = arith.constant 80 : i32
        "tpu.region"() ({
          %run_scoped3A = tpu.sem_alloc : memref<!tpu.dma_semaphore, #tpu.memory_space<semaphore_mem>>
          %dma_start3A_148 = arith.constant 0 : i32
          %dma_start3A_149 = arith.constant 0 : i32
          %dma_start3A_150 = tpu.memref_slice %arg18[%dma_start3A_148, %dma_start3A_149] : memref<10240x128xf32, #tpu.memory_space<vmem_shared>> -> memref<10240x128xf32, #tpu.memory_space<vmem_shared>>
          tpu.enqueue_indirect_dma source(%arg16 : memref<80x128xf32, #tpu.memory_space<vmem>>) target(%dma_start3A_150 : memref<10240x128xf32, #tpu.memory_space<vmem_shared>>) offsets(%arg12 : memref<80xi32, #tpu.memory_space<vmem>>) semaphore(%run_scoped3A : memref<!tpu.dma_semaphore, #tpu.memory_space<semaphore_mem>>) {add = true}
          %dma_wait3A_151 = arith.constant 0 : i32
          %dma_wait3A_152 = arith.constant 0 : i32
          %dma_wait3A_153 = tpu.memref_slice %arg18[%dma_wait3A_151, %dma_wait3A_152] : memref<10240x128xf32, #tpu.memory_space<vmem_shared>> -> memref<10240x128xf32, #tpu.memory_space<vmem_shared>>
          tpu.wait_indirect_dma semaphore(%run_scoped3A : memref<!tpu.dma_semaphore, #tpu.memory_space<semaphore_mem>>) src(%arg16 : memref<80x128xf32, #tpu.memory_space<vmem>>) dst(%dma_wait3A_153 : memref<10240x128xf32, #tpu.memory_space<vmem_shared>>)
          tpu.yield
        }) : () -> ()
      } else {
      }
      %jit3A_65 = arith.constant 2 : i32
      %eq3A_66 = arith.constant 0 : i32
      %eq3A_67 = arith.cmpi eq, %jit3A_65, %eq3A_66 : i32
      %jit3A_68 = arith.constant 1 : i32
      %select_n3A_69 = arith.select %eq3A_67, %jit3A_68, %jit3A_65 : i32
      %rem3A_70 = arith.remsi %add3A_52, %select_n3A_69 : i32
      %ne3A_71 = arith.constant 0 : i32
      %ne3A_72 = arith.cmpi ne, %rem3A_70, %ne3A_71 : i32
      %lt3A_73 = arith.constant 0 : i32
      %lt3A_74 = arith.cmpi slt, %rem3A_70, %lt3A_73 : i32
      %lt3A_75 = arith.constant 0 : i32
      %lt3A_76 = arith.cmpi slt, %select_n3A_69, %lt3A_75 : i32
      %ne3A_77 = arith.xori %lt3A_74, %lt3A_76 : i1
      %and3A_78 = arith.andi %ne3A_77, %ne3A_72 : i1
      %add3A_79 = arith.addi %rem3A_70, %select_n3A_69 : i32
      %select_n3A_80 = arith.select %and3A_78, %add3A_79, %rem3A_70 : i32
      %eq3A_81 = arith.constant 1 : i32
      %eq3A_82 = arith.cmpi eq, %select_n3A_80, %eq3A_81 : i32
      %convert_element_type3A_83 = arith.extui %eq3A_82 : i1 to i32
      %cond3A_84 = arith.constant 0 : i32
      %cond3A_85 = arith.cmpi ne, %convert_element_type3A_83, %cond3A_84 : i32
      scf.if %cond3A_85 {
        %add3A_86 = arith.constant 1 : i32
        %add3A_87 = arith.addi %add3A_52, %add3A_86 : i32
        %lt3A_88 = arith.constant 250 : i32
        %lt3A_89 = arith.cmpi slt, %add3A_87, %lt3A_88 : i32
        %convert_element_type3A_90 = arith.extui %lt3A_89 : i1 to i32
        %cond3A_91 = arith.constant 0 : i32
        %cond3A_92 = arith.cmpi ne, %convert_element_type3A_90, %cond3A_91 : i32
        scf.if %cond3A_92 {
          %add3A_148 = arith.constant 1 : i32
          %add3A_149 = arith.addi %add3A_52, %add3A_148 : i32
          %mul3A_150 = arith.constant 80 : i32
          %mul3A_151 = arith.muli %add3A_149, %mul3A_150 : i32
          %add3A_152 = arith.addi %mul3A_2, %mul3A_151 : i32
          "tpu.region"() ({
            %run_scoped3A = tpu.sem_alloc : memref<!tpu.dma_semaphore, #tpu.memory_space<semaphore_mem>>
            %dma_start3A_186 = tpu.memref_slice %arg5[%add3A_152] : memref<320000xi32, #tpu.memory_space<hbm>> -> memref<80xi32, #tpu.memory_space<hbm>>
            %dma_start3A_187 = tpu.memref_slice %arg5[%add3A_152] : memref<320000xi32, #tpu.memory_space<hbm>> -> memref<80xi32, #tpu.memory_space<hbm>>
            tpu.enqueue_dma source(%dma_start3A_187 : memref<80xi32, #tpu.memory_space<hbm>>) target(%arg10 : memref<80xi32, #tpu.memory_space<vmem>>) target_semaphore(%run_scoped3A : memref<!tpu.dma_semaphore, #tpu.memory_space<semaphore_mem>>)
            %dma_wait3A_188 = tpu.memref_slice %arg5[%add3A_152] : memref<320000xi32, #tpu.memory_space<hbm>> -> memref<80xi32, #tpu.memory_space<hbm>>
            %dma_wait3A_189 = tpu.memref_slice %arg5[%add3A_152] : memref<320000xi32, #tpu.memory_space<hbm>> -> memref<80xi32, #tpu.memory_space<hbm>>
            tpu.wait_dma2 semaphore(%run_scoped3A : memref<!tpu.dma_semaphore, #tpu.memory_space<semaphore_mem>>) src(%dma_wait3A_189 : memref<80xi32, #tpu.memory_space<hbm>>) dst(%arg10 : memref<80xi32, #tpu.memory_space<vmem>>)
            tpu.yield
          }) : () -> ()
          "tpu.region"() ({
            %run_scoped3A = tpu.sem_alloc : memref<!tpu.dma_semaphore, #tpu.memory_space<semaphore_mem>>
            %dma_start3A_186 = tpu.memref_slice %arg6[%add3A_152] : memref<320000xi32, #tpu.memory_space<hbm>> -> memref<80xi32, #tpu.memory_space<hbm>>
            %dma_start3A_187 = tpu.memref_slice %arg6[%add3A_152] : memref<320000xi32, #tpu.memory_space<hbm>> -> memref<80xi32, #tpu.memory_space<hbm>>
            tpu.enqueue_dma source(%dma_start3A_187 : memref<80xi32, #tpu.memory_space<hbm>>) target(%arg12 : memref<80xi32, #tpu.memory_space<vmem>>) target_semaphore(%run_scoped3A : memref<!tpu.dma_semaphore, #tpu.memory_space<semaphore_mem>>)
            %dma_wait3A_188 = tpu.memref_slice %arg6[%add3A_152] : memref<320000xi32, #tpu.memory_space<hbm>> -> memref<80xi32, #tpu.memory_space<hbm>>
            %dma_wait3A_189 = tpu.memref_slice %arg6[%add3A_152] : memref<320000xi32, #tpu.memory_space<hbm>> -> memref<80xi32, #tpu.memory_space<hbm>>
            tpu.wait_dma2 semaphore(%run_scoped3A : memref<!tpu.dma_semaphore, #tpu.memory_space<semaphore_mem>>) src(%dma_wait3A_189 : memref<80xi32, #tpu.memory_space<hbm>>) dst(%arg12 : memref<80xi32, #tpu.memory_space<vmem>>)
            tpu.yield
          }) : () -> ()
          %get3A_153 = arith.constant 0 : index
          %get3A_154 = tpu.vector_load %arg10[%get3A_153] {strides = array<i32>} : memref<80xi32, #tpu.memory_space<vmem>>, vector<16xi32>,
          %add3A_155 = vector.broadcast %mul3A_0 : i32 to vector<16xi32>
          %add3A_156 = arith.addi %get3A_154, %add3A_155 : vector<16xi32>
          %swap3A_157 = arith.constant 0 : index
          %swap3A_158 = tpu.vector_load %arg10[%swap3A_157] {strides = array<i32>} : memref<80xi32, #tpu.memory_space<vmem>>, vector<16xi32>,
          tpu.vector_store %arg10[%swap3A_157], %add3A_156 {strides = array<i32>} : memref<80xi32, #tpu.memory_space<vmem>>, vector<16xi32>,
          %get3A_159 = arith.constant 16 : index
          %get3A_160 = tpu.vector_load %arg10[%get3A_159] {strides = array<i32>} : memref<80xi32, #tpu.memory_space<vmem>>, vector<16xi32>,
          %add3A_161 = vector.broadcast %mul3A_0 : i32 to vector<16xi32>
          %add3A_162 = arith.addi %get3A_160, %add3A_161 : vector<16xi32>
          %swap3A_163 = arith.constant 16 : index
          %swap3A_164 = tpu.vector_load %arg10[%swap3A_163] {strides = array<i32>} : memref<80xi32, #tpu.memory_space<vmem>>, vector<16xi32>,
          tpu.vector_store %arg10[%swap3A_163], %add3A_162 {strides = array<i32>} : memref<80xi32, #tpu.memory_space<vmem>>, vector<16xi32>,
          %get3A_165 = arith.constant 32 : index
          %get3A_166 = tpu.vector_load %arg10[%get3A_165] {strides = array<i32>} : memref<80xi32, #tpu.memory_space<vmem>>, vector<16xi32>,
          %add3A_167 = vector.broadcast %mul3A_0 : i32 to vector<16xi32>
          %add3A_168 = arith.addi %get3A_166, %add3A_167 : vector<16xi32>
          %swap3A_169 = arith.constant 32 : index
          %swap3A_170 = tpu.vector_load %arg10[%swap3A_169] {strides = array<i32>} : memref<80xi32, #tpu.memory_space<vmem>>, vector<16xi32>,
          tpu.vector_store %arg10[%swap3A_169], %add3A_168 {strides = array<i32>} : memref<80xi32, #tpu.memory_space<vmem>>, vector<16xi32>,
          %get3A_171 = arith.constant 48 : index
          %get3A_172 = tpu.vector_load %arg10[%get3A_171] {strides = array<i32>} : memref<80xi32, #tpu.memory_space<vmem>>, vector<16xi32>,
          %add3A_173 = vector.broadcast %mul3A_0 : i32 to vector<16xi32>
          %add3A_174 = arith.addi %get3A_172, %add3A_173 : vector<16xi32>
          %swap3A_175 = arith.constant 48 : index
          %swap3A_176 = tpu.vector_load %arg10[%swap3A_175] {strides = array<i32>} : memref<80xi32, #tpu.memory_space<vmem>>, vector<16xi32>,
          tpu.vector_store %arg10[%swap3A_175], %add3A_174 {strides = array<i32>} : memref<80xi32, #tpu.memory_space<vmem>>, vector<16xi32>,
          %get3A_177 = arith.constant 64 : index
          %get3A_178 = tpu.vector_load %arg10[%get3A_177] {strides = array<i32>} : memref<80xi32, #tpu.memory_space<vmem>>, vector<16xi32>,
          %add3A_179 = vector.broadcast %mul3A_0 : i32 to vector<16xi32>
          %add3A_180 = arith.addi %get3A_178, %add3A_179 : vector<16xi32>
          %swap3A_181 = arith.constant 64 : index
          %swap3A_182 = tpu.vector_load %arg10[%swap3A_181] {strides = array<i32>} : memref<80xi32, #tpu.memory_space<vmem>>, vector<16xi32>,
          tpu.vector_store %arg10[%swap3A_181], %add3A_180 {strides = array<i32>} : memref<80xi32, #tpu.memory_space<vmem>>, vector<16xi32>,
          %dma_start3A_183 = arith.constant 0 : i32
          %dma_start3A_184 = arith.constant 0 : i32
          %dma_start3A_185 = tpu.memref_slice %arg2[%dma_start3A_183, %dma_start3A_184] : memref<20000x128xf32, #tpu.memory_space<hbm>> -> memref<20000x128xf32, #tpu.memory_space<hbm>>
          tpu.enqueue_indirect_dma source(%dma_start3A_185 : memref<20000x128xf32, #tpu.memory_space<hbm>>) target(%arg16 : memref<80x128xf32, #tpu.memory_space<vmem>>) offsets(%arg10 : memref<80xi32, #tpu.memory_space<vmem>>) semaphore(%arg19 : memref<!tpu.dma_semaphore, #tpu.memory_space<semaphore_mem>>)
        } else {
        }
        %dma_wait3A = arith.constant 0 : i32
        %dma_wait3A_93 = arith.constant 0 : i32
        %dma_wait3A_94 = tpu.memref_slice %arg2[%dma_wait3A, %dma_wait3A_93] : memref<20000x128xf32, #tpu.memory_space<hbm>> -> memref<20000x128xf32, #tpu.memory_space<hbm>>
        tpu.wait_indirect_dma semaphore(%arg20 : memref<!tpu.dma_semaphore, #tpu.memory_space<semaphore_mem>>) src(%dma_wait3A_94 : memref<20000x128xf32, #tpu.memory_space<hbm>>) dst(%arg17 : memref<80x128xf32, #tpu.memory_space<vmem>>)
        %mul3A_95 = arith.constant 320000 : i32
        %mul3A_96 = arith.muli %arg0, %mul3A_95 : i32
        %add3A_97 = arith.addi %mul3A_96, %mul3A_2 : i32
        %mul3A_98 = arith.constant 80 : i32
        %mul3A_99 = arith.muli %add3A_52, %mul3A_98 : i32
        %add3A_100 = arith.addi %add3A_97, %mul3A_99 : i32
        "tpu.region"() ({
          %run_scoped3A = tpu.sem_alloc : memref<!tpu.dma_semaphore, #tpu.memory_space<semaphore_mem>>
          %dma_start3A_148 = tpu.memref_slice %arg3[%add3A_100] : memref<640000xf32, #tpu.memory_space<hbm>> -> memref<80xf32, #tpu.memory_space<hbm>>
          %dma_start3A_149 = tpu.memref_slice %arg3[%add3A_100] : memref<640000xf32, #tpu.memory_space<hbm>> -> memref<80xf32, #tpu.memory_space<hbm>>
          tpu.enqueue_dma source(%dma_start3A_149 : memref<80xf32, #tpu.memory_space<hbm>>) target(%arg14 : memref<80xf32, #tpu.memory_space<vmem>>) target_semaphore(%run_scoped3A : memref<!tpu.dma_semaphore, #tpu.memory_space<semaphore_mem>>)
          %dma_wait3A_150 = tpu.memref_slice %arg3[%add3A_100] : memref<640000xf32, #tpu.memory_space<hbm>> -> memref<80xf32, #tpu.memory_space<hbm>>
          %dma_wait3A_151 = tpu.memref_slice %arg3[%add3A_100] : memref<640000xf32, #tpu.memory_space<hbm>> -> memref<80xf32, #tpu.memory_space<hbm>>
          tpu.wait_dma2 semaphore(%run_scoped3A : memref<!tpu.dma_semaphore, #tpu.memory_space<semaphore_mem>>) src(%dma_wait3A_151 : memref<80xf32, #tpu.memory_space<hbm>>) dst(%arg14 : memref<80xf32, #tpu.memory_space<vmem>>)
          tpu.yield
        }) : () -> ()
        %get3A_101 = arith.constant 0 : index
        %get3A_102 = tpu.vector_load %arg13[%get3A_101] {strides = array<i32>} : memref<80xi32, #tpu.memory_space<vmem>>, vector<16xi32>,
        %gather3A = tpu.vector_load_idx %arg9[%get3A_102] : memref<10000xf32, #tpu.memory_space<vmem>>[vector<16xi32>], vector<16xf32>,
        %get3A_103 = arith.constant 0 : index
        %get3A_104 = tpu.vector_load %arg14[%get3A_103] {strides = array<i32>} : memref<80xf32, #tpu.memory_space<vmem>>, vector<16xf32>,
        %sub3A = arith.subf %get3A_104, %gather3A : vector<16xf32>
        %exp3A = math.exp %sub3A : vector<16xf32>
        %swap3A_105 = arith.constant 0 : index
        %swap3A_106 = tpu.vector_load %arg15[%swap3A_105] {strides = array<i32>} : memref<80xf32, #tpu.memory_space<vmem>>, vector<16xf32>,
        tpu.vector_store %arg15[%swap3A_105], %exp3A {strides = array<i32>} : memref<80xf32, #tpu.memory_space<vmem>>, vector<16xf32>,
        %get3A_107 = arith.constant 16 : index
        %get3A_108 = tpu.vector_load %arg13[%get3A_107] {strides = array<i32>} : memref<80xi32, #tpu.memory_space<vmem>>, vector<16xi32>,
        %gather3A_109 = tpu.vector_load_idx %arg9[%get3A_108] : memref<10000xf32, #tpu.memory_space<vmem>>[vector<16xi32>], vector<16xf32>,
        %get3A_110 = arith.constant 16 : index
        %get3A_111 = tpu.vector_load %arg14[%get3A_110] {strides = array<i32>} : memref<80xf32, #tpu.memory_space<vmem>>, vector<16xf32>,
        %sub3A_112 = arith.subf %get3A_111, %gather3A_109 : vector<16xf32>
        %exp3A_113 = math.exp %sub3A_112 : vector<16xf32>
        %swap3A_114 = arith.constant 16 : index
        %swap3A_115 = tpu.vector_load %arg15[%swap3A_114] {strides = array<i32>} : memref<80xf32, #tpu.memory_space<vmem>>, vector<16xf32>,
        tpu.vector_store %arg15[%swap3A_114], %exp3A_113 {strides = array<i32>} : memref<80xf32, #tpu.memory_space<vmem>>, vector<16xf32>,
        %get3A_116 = arith.constant 32 : index
        %get3A_117 = tpu.vector_load %arg13[%get3A_116] {strides = array<i32>} : memref<80xi32, #tpu.memory_space<vmem>>, vector<16xi32>,
        %gather3A_118 = tpu.vector_load_idx %arg9[%get3A_117] : memref<10000xf32, #tpu.memory_space<vmem>>[vector<16xi32>], vector<16xf32>,
        %get3A_119 = arith.constant 32 : index
        %get3A_120 = tpu.vector_load %arg14[%get3A_119] {strides = array<i32>} : memref<80xf32, #tpu.memory_space<vmem>>, vector<16xf32>,
        %sub3A_121 = arith.subf %get3A_120, %gather3A_118 : vector<16xf32>
        %exp3A_122 = math.exp %sub3A_121 : vector<16xf32>
        %swap3A_123 = arith.constant 32 : index
        %swap3A_124 = tpu.vector_load %arg15[%swap3A_123] {strides = array<i32>} : memref<80xf32, #tpu.memory_space<vmem>>, vector<16xf32>,
        tpu.vector_store %arg15[%swap3A_123], %exp3A_122 {strides = array<i32>} : memref<80xf32, #tpu.memory_space<vmem>>, vector<16xf32>,
        %get3A_125 = arith.constant 48 : index
        %get3A_126 = tpu.vector_load %arg13[%get3A_125] {strides = array<i32>} : memref<80xi32, #tpu.memory_space<vmem>>, vector<16xi32>,
        %gather3A_127 = tpu.vector_load_idx %arg9[%get3A_126] : memref<10000xf32, #tpu.memory_space<vmem>>[vector<16xi32>], vector<16xf32>,
        %get3A_128 = arith.constant 48 : index
        %get3A_129 = tpu.vector_load %arg14[%get3A_128] {strides = array<i32>} : memref<80xf32, #tpu.memory_space<vmem>>, vector<16xf32>,
        %sub3A_130 = arith.subf %get3A_129, %gather3A_127 : vector<16xf32>
        %exp3A_131 = math.exp %sub3A_130 : vector<16xf32>
        %swap3A_132 = arith.constant 48 : index
        %swap3A_133 = tpu.vector_load %arg15[%swap3A_132] {strides = array<i32>} : memref<80xf32, #tpu.memory_space<vmem>>, vector<16xf32>,
        tpu.vector_store %arg15[%swap3A_132], %exp3A_131 {strides = array<i32>} : memref<80xf32, #tpu.memory_space<vmem>>, vector<16xf32>,
        %get3A_134 = arith.constant 64 : index
        %get3A_135 = tpu.vector_load %arg13[%get3A_134] {strides = array<i32>} : memref<80xi32, #tpu.memory_space<vmem>>, vector<16xi32>,
        %gather3A_136 = tpu.vector_load_idx %arg9[%get3A_135] : memref<10000xf32, #tpu.memory_space<vmem>>[vector<16xi32>], vector<16xf32>,
        %get3A_137 = arith.constant 64 : index
        %get3A_138 = tpu.vector_load %arg14[%get3A_137] {strides = array<i32>} : memref<80xf32, #tpu.memory_space<vmem>>, vector<16xf32>,
        %sub3A_139 = arith.subf %get3A_138, %gather3A_136 : vector<16xf32>
        %exp3A_140 = math.exp %sub3A_139 : vector<16xf32>
        %swap3A_141 = arith.constant 64 : index
        %swap3A_142 = tpu.vector_load %arg15[%swap3A_141] {strides = array<i32>} : memref<80xf32, #tpu.memory_space<vmem>>, vector<16xf32>,
        tpu.vector_store %arg15[%swap3A_141], %exp3A_140 {strides = array<i32>} : memref<80xf32, #tpu.memory_space<vmem>>, vector<16xf32>,
        %scan3A_143 = arith.constant 0 : i32
        %scan3A_144 = arith.constant 80 : i32
        %scan3A_145 = arith.addi %scan3A_143, %scan3A_144 : i32
        %scan3A_146 = arith.constant 1 : i32
        scf.for %scan3A_148 = %scan3A_143 to %scan3A_145 step %scan3A_146  : i32 {
          %mul3A_149 = arith.constant 1 : i32
          %mul3A_150 = arith.muli %scan3A_148, %mul3A_149 : i32
          %add3A_151 = arith.constant 0 : i32
          %add3A_152 = arith.addi %add3A_151, %mul3A_150 : i32
          %broadcast_in_dim3A = vector.broadcast %add3A_152 : i32 to vector<16xi32>
          %gather3A_153 = tpu.vector_load_idx %arg15[%broadcast_in_dim3A] : memref<80xf32, #tpu.memory_space<vmem>>[vector<16xi32>], vector<16xf32>,
          %get3A_154 = arith.index_cast %add3A_152 : i32 to index
          %get3A_155 = arith.constant 0 : index
          %get3A_156 = tpu.vector_load %arg17[%get3A_154, %get3A_155] {strides = array<i32>} : memref<80x128xf32, #tpu.memory_space<vmem>>, vector<16xf32>,
          %mul3A_157 = arith.mulf %get3A_156, %gather3A_153 : vector<16xf32>
          %swap3A_158 = arith.index_cast %add3A_152 : i32 to index
          %swap3A_159 = arith.constant 0 : index
          %swap3A_160 = tpu.vector_load %arg17[%swap3A_158, %swap3A_159] {strides = array<i32>} : memref<80x128xf32, #tpu.memory_space<vmem>>, vector<16xf32>,
          tpu.vector_store %arg17[%swap3A_158, %swap3A_159], %mul3A_157 {strides = array<i32>} : memref<80x128xf32, #tpu.memory_space<vmem>>, vector<16xf32>,
          %get3A_161 = arith.index_cast %add3A_152 : i32 to index
          %get3A_162 = arith.constant 16 : index
          %get3A_163 = tpu.vector_load %arg17[%get3A_161, %get3A_162] {strides = array<i32>} : memref<80x128xf32, #tpu.memory_space<vmem>>, vector<16xf32>,
          %mul3A_164 = arith.mulf %get3A_163, %gather3A_153 : vector<16xf32>
          %swap3A_165 = arith.index_cast %add3A_152 : i32 to index
          %swap3A_166 = arith.constant 16 : index
          %swap3A_167 = tpu.vector_load %arg17[%swap3A_165, %swap3A_166] {strides = array<i32>} : memref<80x128xf32, #tpu.memory_space<vmem>>, vector<16xf32>,
          tpu.vector_store %arg17[%swap3A_165, %swap3A_166], %mul3A_164 {strides = array<i32>} : memref<80x128xf32, #tpu.memory_space<vmem>>, vector<16xf32>,
          %get3A_168 = arith.index_cast %add3A_152 : i32 to index
          %get3A_169 = arith.constant 32 : index
          %get3A_170 = tpu.vector_load %arg17[%get3A_168, %get3A_169] {strides = array<i32>} : memref<80x128xf32, #tpu.memory_space<vmem>>, vector<16xf32>,
          %mul3A_171 = arith.mulf %get3A_170, %gather3A_153 : vector<16xf32>
          %swap3A_172 = arith.index_cast %add3A_152 : i32 to index
          %swap3A_173 = arith.constant 32 : index
          %swap3A_174 = tpu.vector_load %arg17[%swap3A_172, %swap3A_173] {strides = array<i32>} : memref<80x128xf32, #tpu.memory_space<vmem>>, vector<16xf32>,
          tpu.vector_store %arg17[%swap3A_172, %swap3A_173], %mul3A_171 {strides = array<i32>} : memref<80x128xf32, #tpu.memory_space<vmem>>, vector<16xf32>,
          %get3A_175 = arith.index_cast %add3A_152 : i32 to index
          %get3A_176 = arith.constant 48 : index
          %get3A_177 = tpu.vector_load %arg17[%get3A_175, %get3A_176] {strides = array<i32>} : memref<80x128xf32, #tpu.memory_space<vmem>>, vector<16xf32>,
          %mul3A_178 = arith.mulf %get3A_177, %gather3A_153 : vector<16xf32>
          %swap3A_179 = arith.index_cast %add3A_152 : i32 to index
          %swap3A_180 = arith.constant 48 : index
          %swap3A_181 = tpu.vector_load %arg17[%swap3A_179, %swap3A_180] {strides = array<i32>} : memref<80x128xf32, #tpu.memory_space<vmem>>, vector<16xf32>,
          tpu.vector_store %arg17[%swap3A_179, %swap3A_180], %mul3A_178 {strides = array<i32>} : memref<80x128xf32, #tpu.memory_space<vmem>>, vector<16xf32>,
          %get3A_182 = arith.index_cast %add3A_152 : i32 to index
          %get3A_183 = arith.constant 64 : index
          %get3A_184 = tpu.vector_load %arg17[%get3A_182, %get3A_183] {strides = array<i32>} : memref<80x128xf32, #tpu.memory_space<vmem>>, vector<16xf32>,
          %mul3A_185 = arith.mulf %get3A_184, %gather3A_153 : vector<16xf32>
          %swap3A_186 = arith.index_cast %add3A_152 : i32 to index
          %swap3A_187 = arith.constant 64 : index
          %swap3A_188 = tpu.vector_load %arg17[%swap3A_186, %swap3A_187] {strides = array<i32>} : memref<80x128xf32, #tpu.memory_space<vmem>>, vector<16xf32>,
          tpu.vector_store %arg17[%swap3A_186, %swap3A_187], %mul3A_185 {strides = array<i32>} : memref<80x128xf32, #tpu.memory_space<vmem>>, vector<16xf32>,
          %get3A_189 = arith.index_cast %add3A_152 : i32 to index
          %get3A_190 = arith.constant 80 : index
          %get3A_191 = tpu.vector_load %arg17[%get3A_189, %get3A_190] {strides = array<i32>} : memref<80x128xf32, #tpu.memory_space<vmem>>, vector<16xf32>,
          %mul3A_192 = arith.mulf %get3A_191, %gather3A_153 : vector<16xf32>
          %swap3A_193 = arith.index_cast %add3A_152 : i32 to index
          %swap3A_194 = arith.constant 80 : index
          %swap3A_195 = tpu.vector_load %arg17[%swap3A_193, %swap3A_194] {strides = array<i32>} : memref<80x128xf32, #tpu.memory_space<vmem>>, vector<16xf32>,
          tpu.vector_store %arg17[%swap3A_193, %swap3A_194], %mul3A_192 {strides = array<i32>} : memref<80x128xf32, #tpu.memory_space<vmem>>, vector<16xf32>,
          %get3A_196 = arith.index_cast %add3A_152 : i32 to index
          %get3A_197 = arith.constant 96 : index
          %get3A_198 = tpu.vector_load %arg17[%get3A_196, %get3A_197] {strides = array<i32>} : memref<80x128xf32, #tpu.memory_space<vmem>>, vector<16xf32>,
          %mul3A_199 = arith.mulf %get3A_198, %gather3A_153 : vector<16xf32>
          %swap3A_200 = arith.index_cast %add3A_152 : i32 to index
          %swap3A_201 = arith.constant 96 : index
          %swap3A_202 = tpu.vector_load %arg17[%swap3A_200, %swap3A_201] {strides = array<i32>} : memref<80x128xf32, #tpu.memory_space<vmem>>, vector<16xf32>,
          tpu.vector_store %arg17[%swap3A_200, %swap3A_201], %mul3A_199 {strides = array<i32>} : memref<80x128xf32, #tpu.memory_space<vmem>>, vector<16xf32>,
          %get3A_203 = arith.index_cast %add3A_152 : i32 to index
          %get3A_204 = arith.constant 112 : index
          %get3A_205 = tpu.vector_load %arg17[%get3A_203, %get3A_204] {strides = array<i32>} : memref<80x128xf32, #tpu.memory_space<vmem>>, vector<16xf32>,
          %mul3A_206 = arith.mulf %get3A_205, %gather3A_153 : vector<16xf32>
          %swap3A_207 = arith.index_cast %add3A_152 : i32 to index
          %swap3A_208 = arith.constant 112 : index
          %swap3A_209 = tpu.vector_load %arg17[%swap3A_207, %swap3A_208] {strides = array<i32>} : memref<80x128xf32, #tpu.memory_space<vmem>>, vector<16xf32>,
          tpu.vector_store %arg17[%swap3A_207, %swap3A_208], %mul3A_206 {strides = array<i32>} : memref<80x128xf32, #tpu.memory_space<vmem>>, vector<16xf32>,
        }
        %scan3A_147 = arith.constant 80 : i32
        "tpu.region"() ({
          %run_scoped3A = tpu.sem_alloc : memref<!tpu.dma_semaphore, #tpu.memory_space<semaphore_mem>>
          %dma_start3A_148 = arith.constant 0 : i32
          %dma_start3A_149 = arith.constant 0 : i32
          %dma_start3A_150 = tpu.memref_slice %arg18[%dma_start3A_148, %dma_start3A_149] : memref<10240x128xf32, #tpu.memory_space<vmem_shared>> -> memref<10240x128xf32, #tpu.memory_space<vmem_shared>>
          tpu.enqueue_indirect_dma source(%arg17 : memref<80x128xf32, #tpu.memory_space<vmem>>) target(%dma_start3A_150 : memref<10240x128xf32, #tpu.memory_space<vmem_shared>>) offsets(%arg13 : memref<80xi32, #tpu.memory_space<vmem>>) semaphore(%run_scoped3A : memref<!tpu.dma_semaphore, #tpu.memory_space<semaphore_mem>>) {add = true}
          %dma_wait3A_151 = arith.constant 0 : i32
          %dma_wait3A_152 = arith.constant 0 : i32
          %dma_wait3A_153 = tpu.memref_slice %arg18[%dma_wait3A_151, %dma_wait3A_152] : memref<10240x128xf32, #tpu.memory_space<vmem_shared>> -> memref<10240x128xf32, #tpu.memory_space<vmem_shared>>
          tpu.wait_indirect_dma semaphore(%run_scoped3A : memref<!tpu.dma_semaphore, #tpu.memory_space<semaphore_mem>>) src(%arg17 : memref<80x128xf32, #tpu.memory_space<vmem>>) dst(%dma_wait3A_153 : memref<10240x128xf32, #tpu.memory_space<vmem_shared>>)
          tpu.yield
        }) : () -> ()
      } else {
      }
    }
    %scan3A_39 = arith.constant 250 : i32
    %barrier3A_40 = arith.constant 0 : index
    tpu.barrier barrier_id(%barrier3A_40)
    %mul3A_41 = arith.constant 640 : i32
    %mul3A_42 = arith.muli %arg1, %mul3A_41 : i32
    %mul3A_43 = arith.constant 10240 : i32
    %mul3A_44 = arith.muli %arg0, %mul3A_43 : i32
    %mul3A_45 = arith.constant 640 : i32
    %mul3A_46 = arith.muli %arg1, %mul3A_45 : i32
    %add3A_47 = arith.addi %mul3A_44, %mul3A_46 : i32
    "tpu.region"() ({
      %run_scoped3A = tpu.sem_alloc : memref<!tpu.dma_semaphore, #tpu.memory_space<semaphore_mem>>
      %dma_start3A_48 = arith.constant 0 : i32
      %dma_start3A_49 = tpu.memref_slice %arg8[%add3A_47, %dma_start3A_48] : memref<20480x128xf32, #tpu.memory_space<hbm>> -> memref<640x128xf32, #tpu.memory_space<hbm>>
      %dma_start3A_50 = arith.constant 0 : i32
      %dma_start3A_51 = tpu.memref_slice %arg18[%mul3A_42, %dma_start3A_50] : memref<10240x128xf32, #tpu.memory_space<vmem_shared>> -> memref<640x128xf32, #tpu.memory_space<vmem_shared>>
      tpu.enqueue_dma source(%dma_start3A_51 : memref<640x128xf32, #tpu.memory_space<vmem_shared>>) target(%dma_start3A_49 : memref<640x128xf32, #tpu.memory_space<hbm>>) target_semaphore(%run_scoped3A : memref<!tpu.dma_semaphore, #tpu.memory_space<semaphore_mem>>)
      %dma_wait3A = arith.constant 0 : i32
      %dma_wait3A_52 = tpu.memref_slice %arg8[%add3A_47, %dma_wait3A] : memref<20480x128xf32, #tpu.memory_space<hbm>> -> memref<640x128xf32, #tpu.memory_space<hbm>>
      %dma_wait3A_53 = arith.constant 0 : i32
      %dma_wait3A_54 = tpu.memref_slice %arg18[%mul3A_42, %dma_wait3A_53] : memref<10240x128xf32, #tpu.memory_space<vmem_shared>> -> memref<640x128xf32, #tpu.memory_space<vmem_shared>>
      tpu.wait_dma2 semaphore(%run_scoped3A : memref<!tpu.dma_semaphore, #tpu.memory_space<semaphore_mem>>) src(%dma_wait3A_54 : memref<640x128xf32, #tpu.memory_space<vmem_shared>>) dst(%dma_wait3A_52 : memref<640x128xf32, #tpu.memory_space<hbm>>)
      tpu.yield
    }) : () -> ()
    return
  }
}

#map = affine_map<(d0, d1) -> (0)>
module attributes {stable_mosaic.version = 14 : i64} {
  func.func @_att_kernel(%arg0: i32, %arg1: i32, %arg2: memref<10000xf32, #tpu.memory_space<hbm>>, %arg3: memref<10000xf32, #tpu.memory_space<hbm>>, %arg4: memref<10000xf32, #tpu.memory_space<hbm>>, %arg5: memref<10000xf32, #tpu.memory_space<hbm>>, %arg6: memref<16xf32, #tpu.memory_space<hbm>>, %arg7: memref<16xf32, #tpu.memory_space<hbm>>, %arg8: memref<320000xi32, #tpu.memory_space<hbm>>, %arg9: memref<320000xi32, #tpu.memory_space<hbm>>, %arg10: memref<640xf32, #tpu.memory_space<hbm>>, %arg11: memref<320000xf32, #tpu.memory_space<hbm>>, %arg12: memref<320000xf32, #tpu.memory_space<hbm>>, %arg13: memref<20480xf32, #tpu.memory_space<hbm>>, %arg14: memref<20480xf32, #tpu.memory_space<hbm>>, %arg15: memref<10000xf32, #tpu.memory_space<vmem>>, %arg16: memref<10000xf32, #tpu.memory_space<vmem>>, %arg17: memref<10000xf32, #tpu.memory_space<vmem>>, %arg18: memref<10000xf32, #tpu.memory_space<vmem>>, %arg19: memref<16xf32, #tpu.memory_space<vmem>>, %arg20: memref<16xf32, #tpu.memory_space<vmem>>, %arg21: memref<80xi32, #tpu.memory_space<vmem>>, %arg22: memref<80xi32, #tpu.memory_space<vmem>>, %arg23: memref<80xf32, #tpu.memory_space<vmem>>, %arg24: memref<80xf32, #tpu.memory_space<vmem>>, %arg25: memref<80xf32, #tpu.memory_space<vmem>>, %arg26: memref<80xf32, #tpu.memory_space<vmem>>, %arg27: memref<10240xf32, #tpu.memory_space<vmem_shared>>, %arg28: memref<10240xf32, #tpu.memory_space<vmem_shared>>) attributes {dimension_semantics = [#tpu.dimension_semantics<core_parallel>, #tpu.dimension_semantics<subcore_parallel>], iteration_bounds = array<i64: 2, 16>, scalar_prefetch = 0 : i64, scratch_operands = 14 : i64, tpu.core_type = #tpu.core_type<sc_vector_subcore>, window_params = [{transform_indices = #map}, {transform_indices = #map}, {transform_indices = #map}, {transform_indices = #map}, {transform_indices = #map}, {transform_indices = #map}, {transform_indices = #map}, {transform_indices = #map}, {transform_indices = #map}, {transform_indices = #map}, {transform_indices = #map}, {transform_indices = #map}, {transform_indices = #map}]} {
    %mul3A = arith.constant 2 : i32
    %mul3A_0 = arith.muli %arg1, %mul3A : i32
    %add3A = arith.addi %mul3A_0, %arg0 : i32
    "tpu.region"() ({
      %run_scoped3A = tpu.sem_alloc : memref<!tpu.dma_semaphore, #tpu.memory_space<semaphore_mem>>
      tpu.enqueue_dma source(%arg2 : memref<10000xf32, #tpu.memory_space<hbm>>) target(%arg15 : memref<10000xf32, #tpu.memory_space<vmem>>) target_semaphore(%run_scoped3A : memref<!tpu.dma_semaphore, #tpu.memory_space<semaphore_mem>>)
      tpu.wait_dma2 semaphore(%run_scoped3A : memref<!tpu.dma_semaphore, #tpu.memory_space<semaphore_mem>>) src(%arg2 : memref<10000xf32, #tpu.memory_space<hbm>>) dst(%arg15 : memref<10000xf32, #tpu.memory_space<vmem>>)
      tpu.yield
    }) : () -> ()
    "tpu.region"() ({
      %run_scoped3A = tpu.sem_alloc : memref<!tpu.dma_semaphore, #tpu.memory_space<semaphore_mem>>
      tpu.enqueue_dma source(%arg3 : memref<10000xf32, #tpu.memory_space<hbm>>) target(%arg16 : memref<10000xf32, #tpu.memory_space<vmem>>) target_semaphore(%run_scoped3A : memref<!tpu.dma_semaphore, #tpu.memory_space<semaphore_mem>>)
      tpu.wait_dma2 semaphore(%run_scoped3A : memref<!tpu.dma_semaphore, #tpu.memory_space<semaphore_mem>>) src(%arg3 : memref<10000xf32, #tpu.memory_space<hbm>>) dst(%arg16 : memref<10000xf32, #tpu.memory_space<vmem>>)
      tpu.yield
    }) : () -> ()
    "tpu.region"() ({
      %run_scoped3A = tpu.sem_alloc : memref<!tpu.dma_semaphore, #tpu.memory_space<semaphore_mem>>
      tpu.enqueue_dma source(%arg4 : memref<10000xf32, #tpu.memory_space<hbm>>) target(%arg17 : memref<10000xf32, #tpu.memory_space<vmem>>) target_semaphore(%run_scoped3A : memref<!tpu.dma_semaphore, #tpu.memory_space<semaphore_mem>>)
      tpu.wait_dma2 semaphore(%run_scoped3A : memref<!tpu.dma_semaphore, #tpu.memory_space<semaphore_mem>>) src(%arg4 : memref<10000xf32, #tpu.memory_space<hbm>>) dst(%arg17 : memref<10000xf32, #tpu.memory_space<vmem>>)
      tpu.yield
    }) : () -> ()
    "tpu.region"() ({
      %run_scoped3A = tpu.sem_alloc : memref<!tpu.dma_semaphore, #tpu.memory_space<semaphore_mem>>
      tpu.enqueue_dma source(%arg5 : memref<10000xf32, #tpu.memory_space<hbm>>) target(%arg18 : memref<10000xf32, #tpu.memory_space<vmem>>) target_semaphore(%run_scoped3A : memref<!tpu.dma_semaphore, #tpu.memory_space<semaphore_mem>>)
      tpu.wait_dma2 semaphore(%run_scoped3A : memref<!tpu.dma_semaphore, #tpu.memory_space<semaphore_mem>>) src(%arg5 : memref<10000xf32, #tpu.memory_space<hbm>>) dst(%arg18 : memref<10000xf32, #tpu.memory_space<vmem>>)
      tpu.yield
    }) : () -> ()
    "tpu.region"() ({
      %run_scoped3A = tpu.sem_alloc : memref<!tpu.dma_semaphore, #tpu.memory_space<semaphore_mem>>
      tpu.enqueue_dma source(%arg6 : memref<16xf32, #tpu.memory_space<hbm>>) target(%arg19 : memref<16xf32, #tpu.memory_space<vmem>>) target_semaphore(%run_scoped3A : memref<!tpu.dma_semaphore, #tpu.memory_space<semaphore_mem>>)
      tpu.wait_dma2 semaphore(%run_scoped3A : memref<!tpu.dma_semaphore, #tpu.memory_space<semaphore_mem>>) src(%arg6 : memref<16xf32, #tpu.memory_space<hbm>>) dst(%arg19 : memref<16xf32, #tpu.memory_space<vmem>>)
      tpu.yield
    }) : () -> ()
    "tpu.region"() ({
      %run_scoped3A = tpu.sem_alloc : memref<!tpu.dma_semaphore, #tpu.memory_space<semaphore_mem>>
      tpu.enqueue_dma source(%arg7 : memref<16xf32, #tpu.memory_space<hbm>>) target(%arg20 : memref<16xf32, #tpu.memory_space<vmem>>) target_semaphore(%run_scoped3A : memref<!tpu.dma_semaphore, #tpu.memory_space<semaphore_mem>>)
      tpu.wait_dma2 semaphore(%run_scoped3A : memref<!tpu.dma_semaphore, #tpu.memory_space<semaphore_mem>>) src(%arg7 : memref<16xf32, #tpu.memory_space<hbm>>) dst(%arg20 : memref<16xf32, #tpu.memory_space<vmem>>)
      tpu.yield
    }) : () -> ()
    %mul3A_1 = arith.constant 640 : i32
    %mul3A_2 = arith.muli %arg1, %mul3A_1 : i32
    "tpu.region"() ({
      %run_scoped3A = tpu.sem_alloc : memref<!tpu.dma_semaphore, #tpu.memory_space<semaphore_mem>>
      %dma_start3A = tpu.memref_slice %arg27[%mul3A_2] : memref<10240xf32, #tpu.memory_space<vmem_shared>> -> memref<640xf32, #tpu.memory_space<vmem_shared>>
      tpu.enqueue_dma source(%arg10 : memref<640xf32, #tpu.memory_space<hbm>>) target(%dma_start3A : memref<640xf32, #tpu.memory_space<vmem_shared>>) target_semaphore(%run_scoped3A : memref<!tpu.dma_semaphore, #tpu.memory_space<semaphore_mem>>)
      %dma_wait3A = tpu.memref_slice %arg27[%mul3A_2] : memref<10240xf32, #tpu.memory_space<vmem_shared>> -> memref<640xf32, #tpu.memory_space<vmem_shared>>
      tpu.wait_dma2 semaphore(%run_scoped3A : memref<!tpu.dma_semaphore, #tpu.memory_space<semaphore_mem>>) src(%arg10 : memref<640xf32, #tpu.memory_space<hbm>>) dst(%dma_wait3A : memref<640xf32, #tpu.memory_space<vmem_shared>>)
      tpu.yield
    }) : () -> ()
    %mul3A_3 = arith.constant 640 : i32
    %mul3A_4 = arith.muli %arg1, %mul3A_3 : i32
    "tpu.region"() ({
      %run_scoped3A = tpu.sem_alloc : memref<!tpu.dma_semaphore, #tpu.memory_space<semaphore_mem>>
      %dma_start3A = tpu.memref_slice %arg28[%mul3A_4] : memref<10240xf32, #tpu.memory_space<vmem_shared>> -> memref<640xf32, #tpu.memory_space<vmem_shared>>
      tpu.enqueue_dma source(%arg10 : memref<640xf32, #tpu.memory_space<hbm>>) target(%dma_start3A : memref<640xf32, #tpu.memory_space<vmem_shared>>) target_semaphore(%run_scoped3A : memref<!tpu.dma_semaphore, #tpu.memory_space<semaphore_mem>>)
      %dma_wait3A = tpu.memref_slice %arg28[%mul3A_4] : memref<10240xf32, #tpu.memory_space<vmem_shared>> -> memref<640xf32, #tpu.memory_space<vmem_shared>>
      tpu.wait_dma2 semaphore(%run_scoped3A : memref<!tpu.dma_semaphore, #tpu.memory_space<semaphore_mem>>) src(%arg10 : memref<640xf32, #tpu.memory_space<hbm>>) dst(%dma_wait3A : memref<640xf32, #tpu.memory_space<vmem_shared>>)
      tpu.yield
    }) : () -> ()
    %barrier3A = arith.constant 0 : index
    tpu.barrier barrier_id(%barrier3A)
    %get3A = arith.constant 0 : index
    %get3A_5 = tpu.vector_load %arg19[%get3A] {strides = array<i32>} : memref<16xf32, #tpu.memory_space<vmem>>, vector<16xf32>,
    %get3A_6 = arith.constant 0 : index
    %get3A_7 = tpu.vector_load %arg20[%get3A_6] {strides = array<i32>} : memref<16xf32, #tpu.memory_space<vmem>>, vector<16xf32>,
    %scan3A = arith.constant 0 : i32
    %scan3A_8 = arith.constant 125 : i32
    %scan3A_9 = arith.addi %scan3A, %scan3A_8 : i32
    %scan3A_10 = arith.constant 1 : i32
    scf.for %scan3A_27 = %scan3A to %scan3A_9 step %scan3A_10  : i32 {
      %mul3A_28 = arith.constant 1 : i32
      %mul3A_29 = arith.muli %scan3A_27, %mul3A_28 : i32
      %add3A_30 = arith.constant 0 : i32
      %add3A_31 = arith.addi %add3A_30, %mul3A_29 : i32
      %mul3A_32 = arith.constant 10000 : i32
      %mul3A_33 = arith.muli %add3A, %mul3A_32 : i32
      %mul3A_34 = arith.constant 80 : i32
      %mul3A_35 = arith.muli %add3A_31, %mul3A_34 : i32
      %add3A_36 = arith.addi %mul3A_33, %mul3A_35 : i32
      "tpu.region"() ({
        %run_scoped3A = tpu.sem_alloc : memref<!tpu.dma_semaphore, #tpu.memory_space<semaphore_mem>>
        %dma_start3A = tpu.memref_slice %arg8[%add3A_36] : memref<320000xi32, #tpu.memory_space<hbm>> -> memref<80xi32, #tpu.memory_space<hbm>>
        %dma_start3A_211 = tpu.memref_slice %arg8[%add3A_36] : memref<320000xi32, #tpu.memory_space<hbm>> -> memref<80xi32, #tpu.memory_space<hbm>>
        tpu.enqueue_dma source(%dma_start3A_211 : memref<80xi32, #tpu.memory_space<hbm>>) target(%arg21 : memref<80xi32, #tpu.memory_space<vmem>>) target_semaphore(%run_scoped3A : memref<!tpu.dma_semaphore, #tpu.memory_space<semaphore_mem>>)
        %dma_wait3A = tpu.memref_slice %arg8[%add3A_36] : memref<320000xi32, #tpu.memory_space<hbm>> -> memref<80xi32, #tpu.memory_space<hbm>>
        %dma_wait3A_212 = tpu.memref_slice %arg8[%add3A_36] : memref<320000xi32, #tpu.memory_space<hbm>> -> memref<80xi32, #tpu.memory_space<hbm>>
        tpu.wait_dma2 semaphore(%run_scoped3A : memref<!tpu.dma_semaphore, #tpu.memory_space<semaphore_mem>>) src(%dma_wait3A_212 : memref<80xi32, #tpu.memory_space<hbm>>) dst(%arg21 : memref<80xi32, #tpu.memory_space<vmem>>)
        tpu.yield
      }) : () -> ()
      "tpu.region"() ({
        %run_scoped3A = tpu.sem_alloc : memref<!tpu.dma_semaphore, #tpu.memory_space<semaphore_mem>>
        %dma_start3A = tpu.memref_slice %arg9[%add3A_36] : memref<320000xi32, #tpu.memory_space<hbm>> -> memref<80xi32, #tpu.memory_space<hbm>>
        %dma_start3A_211 = tpu.memref_slice %arg9[%add3A_36] : memref<320000xi32, #tpu.memory_space<hbm>> -> memref<80xi32, #tpu.memory_space<hbm>>
        tpu.enqueue_dma source(%dma_start3A_211 : memref<80xi32, #tpu.memory_space<hbm>>) target(%arg22 : memref<80xi32, #tpu.memory_space<vmem>>) target_semaphore(%run_scoped3A : memref<!tpu.dma_semaphore, #tpu.memory_space<semaphore_mem>>)
        %dma_wait3A = tpu.memref_slice %arg9[%add3A_36] : memref<320000xi32, #tpu.memory_space<hbm>> -> memref<80xi32, #tpu.memory_space<hbm>>
        %dma_wait3A_212 = tpu.memref_slice %arg9[%add3A_36] : memref<320000xi32, #tpu.memory_space<hbm>> -> memref<80xi32, #tpu.memory_space<hbm>>
        tpu.wait_dma2 semaphore(%run_scoped3A : memref<!tpu.dma_semaphore, #tpu.memory_space<semaphore_mem>>) src(%dma_wait3A_212 : memref<80xi32, #tpu.memory_space<hbm>>) dst(%arg22 : memref<80xi32, #tpu.memory_space<vmem>>)
        tpu.yield
      }) : () -> ()
      %get3A_37 = arith.constant 0 : index
      %get3A_38 = tpu.vector_load %arg21[%get3A_37] {strides = array<i32>} : memref<80xi32, #tpu.memory_space<vmem>>, vector<16xi32>,
      %get3A_39 = arith.constant 0 : index
      %get3A_40 = tpu.vector_load %arg22[%get3A_39] {strides = array<i32>} : memref<80xi32, #tpu.memory_space<vmem>>, vector<16xi32>,
      %gather3A = tpu.vector_load_idx %arg15[%get3A_38] : memref<10000xf32, #tpu.memory_space<vmem>>[vector<16xi32>], vector<16xf32>,
      %gather3A_41 = tpu.vector_load_idx %arg17[%get3A_40] : memref<10000xf32, #tpu.memory_space<vmem>>[vector<16xi32>], vector<16xf32>,
      %add3A_42 = arith.addf %gather3A, %gather3A_41 : vector<16xf32>
      %gt3A = arith.constant 0.000000e+00 : f32
      %gt3A_43 = vector.broadcast %gt3A : f32 to vector<16xf32>
      %gt3A_44 = arith.cmpf ogt, %add3A_42, %gt3A_43 : vector<16xf32>
      %mul3A_45 = arith.constant 2.000000e-01 : f32
      %mul3A_46 = vector.broadcast %mul3A_45 : f32 to vector<16xf32>
      %mul3A_47 = arith.mulf %mul3A_46, %add3A_42 : vector<16xf32>
      %select_n3A = arith.select %gt3A_44, %add3A_42, %mul3A_47 : vector<16xi1>, vector<16xf32>
      %gather3A_48 = tpu.vector_load_idx %arg16[%get3A_38] : memref<10000xf32, #tpu.memory_space<vmem>>[vector<16xi32>], vector<16xf32>,
      %gather3A_49 = tpu.vector_load_idx %arg18[%get3A_40] : memref<10000xf32, #tpu.memory_space<vmem>>[vector<16xi32>], vector<16xf32>,
      %add3A_50 = arith.addf %gather3A_48, %gather3A_49 : vector<16xf32>
      %gt3A_51 = arith.constant 0.000000e+00 : f32
      %gt3A_52 = vector.broadcast %gt3A_51 : f32 to vector<16xf32>
      %gt3A_53 = arith.cmpf ogt, %add3A_50, %gt3A_52 : vector<16xf32>
      %mul3A_54 = arith.constant 2.000000e-01 : f32
      %mul3A_55 = vector.broadcast %mul3A_54 : f32 to vector<16xf32>
      %mul3A_56 = arith.mulf %mul3A_55, %add3A_50 : vector<16xf32>
      %select_n3A_57 = arith.select %gt3A_53, %add3A_50, %mul3A_56 : vector<16xi1>, vector<16xf32>
      %swap3A = arith.constant 0 : index
      %swap3A_58 = tpu.vector_load %arg23[%swap3A] {strides = array<i32>} : memref<80xf32, #tpu.memory_space<vmem>>, vector<16xf32>,
      tpu.vector_store %arg23[%swap3A], %select_n3A {strides = array<i32>} : memref<80xf32, #tpu.memory_space<vmem>>, vector<16xf32>,
      %swap3A_59 = arith.constant 0 : index
      %swap3A_60 = tpu.vector_load %arg24[%swap3A_59] {strides = array<i32>} : memref<80xf32, #tpu.memory_space<vmem>>, vector<16xf32>,
      tpu.vector_store %arg24[%swap3A_59], %select_n3A_57 {strides = array<i32>} : memref<80xf32, #tpu.memory_space<vmem>>, vector<16xf32>,
      %sub3A = arith.subf %select_n3A, %get3A_5 : vector<16xf32>
      %exp3A = math.exp %sub3A : vector<16xf32>
      %swap3A_61 = arith.constant 0 : index
      %swap3A_62 = tpu.vector_load %arg25[%swap3A_61] {strides = array<i32>} : memref<80xf32, #tpu.memory_space<vmem>>, vector<16xf32>,
      tpu.vector_store %arg25[%swap3A_61], %exp3A {strides = array<i32>} : memref<80xf32, #tpu.memory_space<vmem>>, vector<16xf32>,
      %sub3A_63 = arith.subf %select_n3A_57, %get3A_7 : vector<16xf32>
      %exp3A_64 = math.exp %sub3A_63 : vector<16xf32>
      %swap3A_65 = arith.constant 0 : index
      %swap3A_66 = tpu.vector_load %arg26[%swap3A_65] {strides = array<i32>} : memref<80xf32, #tpu.memory_space<vmem>>, vector<16xf32>,
      tpu.vector_store %arg26[%swap3A_65], %exp3A_64 {strides = array<i32>} : memref<80xf32, #tpu.memory_space<vmem>>, vector<16xf32>,
      %get3A_67 = arith.constant 16 : index
      %get3A_68 = tpu.vector_load %arg21[%get3A_67] {strides = array<i32>} : memref<80xi32, #tpu.memory_space<vmem>>, vector<16xi32>,
      %get3A_69 = arith.constant 16 : index
      %get3A_70 = tpu.vector_load %arg22[%get3A_69] {strides = array<i32>} : memref<80xi32, #tpu.memory_space<vmem>>, vector<16xi32>,
      %gather3A_71 = tpu.vector_load_idx %arg15[%get3A_68] : memref<10000xf32, #tpu.memory_space<vmem>>[vector<16xi32>], vector<16xf32>,
      %gather3A_72 = tpu.vector_load_idx %arg17[%get3A_70] : memref<10000xf32, #tpu.memory_space<vmem>>[vector<16xi32>], vector<16xf32>,
      %add3A_73 = arith.addf %gather3A_71, %gather3A_72 : vector<16xf32>
      %gt3A_74 = arith.constant 0.000000e+00 : f32
      %gt3A_75 = vector.broadcast %gt3A_74 : f32 to vector<16xf32>
      %gt3A_76 = arith.cmpf ogt, %add3A_73, %gt3A_75 : vector<16xf32>
      %mul3A_77 = arith.constant 2.000000e-01 : f32
      %mul3A_78 = vector.broadcast %mul3A_77 : f32 to vector<16xf32>
      %mul3A_79 = arith.mulf %mul3A_78, %add3A_73 : vector<16xf32>
      %select_n3A_80 = arith.select %gt3A_76, %add3A_73, %mul3A_79 : vector<16xi1>, vector<16xf32>
      %gather3A_81 = tpu.vector_load_idx %arg16[%get3A_68] : memref<10000xf32, #tpu.memory_space<vmem>>[vector<16xi32>], vector<16xf32>,
      %gather3A_82 = tpu.vector_load_idx %arg18[%get3A_70] : memref<10000xf32, #tpu.memory_space<vmem>>[vector<16xi32>], vector<16xf32>,
      %add3A_83 = arith.addf %gather3A_81, %gather3A_82 : vector<16xf32>
      %gt3A_84 = arith.constant 0.000000e+00 : f32
      %gt3A_85 = vector.broadcast %gt3A_84 : f32 to vector<16xf32>
      %gt3A_86 = arith.cmpf ogt, %add3A_83, %gt3A_85 : vector<16xf32>
      %mul3A_87 = arith.constant 2.000000e-01 : f32
      %mul3A_88 = vector.broadcast %mul3A_87 : f32 to vector<16xf32>
      %mul3A_89 = arith.mulf %mul3A_88, %add3A_83 : vector<16xf32>
      %select_n3A_90 = arith.select %gt3A_86, %add3A_83, %mul3A_89 : vector<16xi1>, vector<16xf32>
      %swap3A_91 = arith.constant 16 : index
      %swap3A_92 = tpu.vector_load %arg23[%swap3A_91] {strides = array<i32>} : memref<80xf32, #tpu.memory_space<vmem>>, vector<16xf32>,
      tpu.vector_store %arg23[%swap3A_91], %select_n3A_80 {strides = array<i32>} : memref<80xf32, #tpu.memory_space<vmem>>, vector<16xf32>,
      %swap3A_93 = arith.constant 16 : index
      %swap3A_94 = tpu.vector_load %arg24[%swap3A_93] {strides = array<i32>} : memref<80xf32, #tpu.memory_space<vmem>>, vector<16xf32>,
      tpu.vector_store %arg24[%swap3A_93], %select_n3A_90 {strides = array<i32>} : memref<80xf32, #tpu.memory_space<vmem>>, vector<16xf32>,
      %sub3A_95 = arith.subf %select_n3A_80, %get3A_5 : vector<16xf32>
      %exp3A_96 = math.exp %sub3A_95 : vector<16xf32>
      %swap3A_97 = arith.constant 16 : index
      %swap3A_98 = tpu.vector_load %arg25[%swap3A_97] {strides = array<i32>} : memref<80xf32, #tpu.memory_space<vmem>>, vector<16xf32>,
      tpu.vector_store %arg25[%swap3A_97], %exp3A_96 {strides = array<i32>} : memref<80xf32, #tpu.memory_space<vmem>>, vector<16xf32>,
      %sub3A_99 = arith.subf %select_n3A_90, %get3A_7 : vector<16xf32>
      %exp3A_100 = math.exp %sub3A_99 : vector<16xf32>
      %swap3A_101 = arith.constant 16 : index
      %swap3A_102 = tpu.vector_load %arg26[%swap3A_101] {strides = array<i32>} : memref<80xf32, #tpu.memory_space<vmem>>, vector<16xf32>,
      tpu.vector_store %arg26[%swap3A_101], %exp3A_100 {strides = array<i32>} : memref<80xf32, #tpu.memory_space<vmem>>, vector<16xf32>,
      %get3A_103 = arith.constant 32 : index
      %get3A_104 = tpu.vector_load %arg21[%get3A_103] {strides = array<i32>} : memref<80xi32, #tpu.memory_space<vmem>>, vector<16xi32>,
      %get3A_105 = arith.constant 32 : index
      %get3A_106 = tpu.vector_load %arg22[%get3A_105] {strides = array<i32>} : memref<80xi32, #tpu.memory_space<vmem>>, vector<16xi32>,
      %gather3A_107 = tpu.vector_load_idx %arg15[%get3A_104] : memref<10000xf32, #tpu.memory_space<vmem>>[vector<16xi32>], vector<16xf32>,
      %gather3A_108 = tpu.vector_load_idx %arg17[%get3A_106] : memref<10000xf32, #tpu.memory_space<vmem>>[vector<16xi32>], vector<16xf32>,
      %add3A_109 = arith.addf %gather3A_107, %gather3A_108 : vector<16xf32>
      %gt3A_110 = arith.constant 0.000000e+00 : f32
      %gt3A_111 = vector.broadcast %gt3A_110 : f32 to vector<16xf32>
      %gt3A_112 = arith.cmpf ogt, %add3A_109, %gt3A_111 : vector<16xf32>
      %mul3A_113 = arith.constant 2.000000e-01 : f32
      %mul3A_114 = vector.broadcast %mul3A_113 : f32 to vector<16xf32>
      %mul3A_115 = arith.mulf %mul3A_114, %add3A_109 : vector<16xf32>
      %select_n3A_116 = arith.select %gt3A_112, %add3A_109, %mul3A_115 : vector<16xi1>, vector<16xf32>
      %gather3A_117 = tpu.vector_load_idx %arg16[%get3A_104] : memref<10000xf32, #tpu.memory_space<vmem>>[vector<16xi32>], vector<16xf32>,
      %gather3A_118 = tpu.vector_load_idx %arg18[%get3A_106] : memref<10000xf32, #tpu.memory_space<vmem>>[vector<16xi32>], vector<16xf32>,
      %add3A_119 = arith.addf %gather3A_117, %gather3A_118 : vector<16xf32>
      %gt3A_120 = arith.constant 0.000000e+00 : f32
      %gt3A_121 = vector.broadcast %gt3A_120 : f32 to vector<16xf32>
      %gt3A_122 = arith.cmpf ogt, %add3A_119, %gt3A_121 : vector<16xf32>
      %mul3A_123 = arith.constant 2.000000e-01 : f32
      %mul3A_124 = vector.broadcast %mul3A_123 : f32 to vector<16xf32>
      %mul3A_125 = arith.mulf %mul3A_124, %add3A_119 : vector<16xf32>
      %select_n3A_126 = arith.select %gt3A_122, %add3A_119, %mul3A_125 : vector<16xi1>, vector<16xf32>
      %swap3A_127 = arith.constant 32 : index
      %swap3A_128 = tpu.vector_load %arg23[%swap3A_127] {strides = array<i32>} : memref<80xf32, #tpu.memory_space<vmem>>, vector<16xf32>,
      tpu.vector_store %arg23[%swap3A_127], %select_n3A_116 {strides = array<i32>} : memref<80xf32, #tpu.memory_space<vmem>>, vector<16xf32>,
      %swap3A_129 = arith.constant 32 : index
      %swap3A_130 = tpu.vector_load %arg24[%swap3A_129] {strides = array<i32>} : memref<80xf32, #tpu.memory_space<vmem>>, vector<16xf32>,
      tpu.vector_store %arg24[%swap3A_129], %select_n3A_126 {strides = array<i32>} : memref<80xf32, #tpu.memory_space<vmem>>, vector<16xf32>,
      %sub3A_131 = arith.subf %select_n3A_116, %get3A_5 : vector<16xf32>
      %exp3A_132 = math.exp %sub3A_131 : vector<16xf32>
      %swap3A_133 = arith.constant 32 : index
      %swap3A_134 = tpu.vector_load %arg25[%swap3A_133] {strides = array<i32>} : memref<80xf32, #tpu.memory_space<vmem>>, vector<16xf32>,
      tpu.vector_store %arg25[%swap3A_133], %exp3A_132 {strides = array<i32>} : memref<80xf32, #tpu.memory_space<vmem>>, vector<16xf32>,
      %sub3A_135 = arith.subf %select_n3A_126, %get3A_7 : vector<16xf32>
      %exp3A_136 = math.exp %sub3A_135 : vector<16xf32>
      %swap3A_137 = arith.constant 32 : index
      %swap3A_138 = tpu.vector_load %arg26[%swap3A_137] {strides = array<i32>} : memref<80xf32, #tpu.memory_space<vmem>>, vector<16xf32>,
      tpu.vector_store %arg26[%swap3A_137], %exp3A_136 {strides = array<i32>} : memref<80xf32, #tpu.memory_space<vmem>>, vector<16xf32>,
      %get3A_139 = arith.constant 48 : index
      %get3A_140 = tpu.vector_load %arg21[%get3A_139] {strides = array<i32>} : memref<80xi32, #tpu.memory_space<vmem>>, vector<16xi32>,
      %get3A_141 = arith.constant 48 : index
      %get3A_142 = tpu.vector_load %arg22[%get3A_141] {strides = array<i32>} : memref<80xi32, #tpu.memory_space<vmem>>, vector<16xi32>,
      %gather3A_143 = tpu.vector_load_idx %arg15[%get3A_140] : memref<10000xf32, #tpu.memory_space<vmem>>[vector<16xi32>], vector<16xf32>,
      %gather3A_144 = tpu.vector_load_idx %arg17[%get3A_142] : memref<10000xf32, #tpu.memory_space<vmem>>[vector<16xi32>], vector<16xf32>,
      %add3A_145 = arith.addf %gather3A_143, %gather3A_144 : vector<16xf32>
      %gt3A_146 = arith.constant 0.000000e+00 : f32
      %gt3A_147 = vector.broadcast %gt3A_146 : f32 to vector<16xf32>
      %gt3A_148 = arith.cmpf ogt, %add3A_145, %gt3A_147 : vector<16xf32>
      %mul3A_149 = arith.constant 2.000000e-01 : f32
      %mul3A_150 = vector.broadcast %mul3A_149 : f32 to vector<16xf32>
      %mul3A_151 = arith.mulf %mul3A_150, %add3A_145 : vector<16xf32>
      %select_n3A_152 = arith.select %gt3A_148, %add3A_145, %mul3A_151 : vector<16xi1>, vector<16xf32>
      %gather3A_153 = tpu.vector_load_idx %arg16[%get3A_140] : memref<10000xf32, #tpu.memory_space<vmem>>[vector<16xi32>], vector<16xf32>,
      %gather3A_154 = tpu.vector_load_idx %arg18[%get3A_142] : memref<10000xf32, #tpu.memory_space<vmem>>[vector<16xi32>], vector<16xf32>,
      %add3A_155 = arith.addf %gather3A_153, %gather3A_154 : vector<16xf32>
      %gt3A_156 = arith.constant 0.000000e+00 : f32
      %gt3A_157 = vector.broadcast %gt3A_156 : f32 to vector<16xf32>
      %gt3A_158 = arith.cmpf ogt, %add3A_155, %gt3A_157 : vector<16xf32>
      %mul3A_159 = arith.constant 2.000000e-01 : f32
      %mul3A_160 = vector.broadcast %mul3A_159 : f32 to vector<16xf32>
      %mul3A_161 = arith.mulf %mul3A_160, %add3A_155 : vector<16xf32>
      %select_n3A_162 = arith.select %gt3A_158, %add3A_155, %mul3A_161 : vector<16xi1>, vector<16xf32>
      %swap3A_163 = arith.constant 48 : index
      %swap3A_164 = tpu.vector_load %arg23[%swap3A_163] {strides = array<i32>} : memref<80xf32, #tpu.memory_space<vmem>>, vector<16xf32>,
      tpu.vector_store %arg23[%swap3A_163], %select_n3A_152 {strides = array<i32>} : memref<80xf32, #tpu.memory_space<vmem>>, vector<16xf32>,
      %swap3A_165 = arith.constant 48 : index
      %swap3A_166 = tpu.vector_load %arg24[%swap3A_165] {strides = array<i32>} : memref<80xf32, #tpu.memory_space<vmem>>, vector<16xf32>,
      tpu.vector_store %arg24[%swap3A_165], %select_n3A_162 {strides = array<i32>} : memref<80xf32, #tpu.memory_space<vmem>>, vector<16xf32>,
      %sub3A_167 = arith.subf %select_n3A_152, %get3A_5 : vector<16xf32>
      %exp3A_168 = math.exp %sub3A_167 : vector<16xf32>
      %swap3A_169 = arith.constant 48 : index
      %swap3A_170 = tpu.vector_load %arg25[%swap3A_169] {strides = array<i32>} : memref<80xf32, #tpu.memory_space<vmem>>, vector<16xf32>,
      tpu.vector_store %arg25[%swap3A_169], %exp3A_168 {strides = array<i32>} : memref<80xf32, #tpu.memory_space<vmem>>, vector<16xf32>,
      %sub3A_171 = arith.subf %select_n3A_162, %get3A_7 : vector<16xf32>
      %exp3A_172 = math.exp %sub3A_171 : vector<16xf32>
      %swap3A_173 = arith.constant 48 : index
      %swap3A_174 = tpu.vector_load %arg26[%swap3A_173] {strides = array<i32>} : memref<80xf32, #tpu.memory_space<vmem>>, vector<16xf32>,
      tpu.vector_store %arg26[%swap3A_173], %exp3A_172 {strides = array<i32>} : memref<80xf32, #tpu.memory_space<vmem>>, vector<16xf32>,
      %get3A_175 = arith.constant 64 : index
      %get3A_176 = tpu.vector_load %arg21[%get3A_175] {strides = array<i32>} : memref<80xi32, #tpu.memory_space<vmem>>, vector<16xi32>,
      %get3A_177 = arith.constant 64 : index
      %get3A_178 = tpu.vector_load %arg22[%get3A_177] {strides = array<i32>} : memref<80xi32, #tpu.memory_space<vmem>>, vector<16xi32>,
      %gather3A_179 = tpu.vector_load_idx %arg15[%get3A_176] : memref<10000xf32, #tpu.memory_space<vmem>>[vector<16xi32>], vector<16xf32>,
      %gather3A_180 = tpu.vector_load_idx %arg17[%get3A_178] : memref<10000xf32, #tpu.memory_space<vmem>>[vector<16xi32>], vector<16xf32>,
      %add3A_181 = arith.addf %gather3A_179, %gather3A_180 : vector<16xf32>
      %gt3A_182 = arith.constant 0.000000e+00 : f32
      %gt3A_183 = vector.broadcast %gt3A_182 : f32 to vector<16xf32>
      %gt3A_184 = arith.cmpf ogt, %add3A_181, %gt3A_183 : vector<16xf32>
      %mul3A_185 = arith.constant 2.000000e-01 : f32
      %mul3A_186 = vector.broadcast %mul3A_185 : f32 to vector<16xf32>
      %mul3A_187 = arith.mulf %mul3A_186, %add3A_181 : vector<16xf32>
      %select_n3A_188 = arith.select %gt3A_184, %add3A_181, %mul3A_187 : vector<16xi1>, vector<16xf32>
      %gather3A_189 = tpu.vector_load_idx %arg16[%get3A_176] : memref<10000xf32, #tpu.memory_space<vmem>>[vector<16xi32>], vector<16xf32>,
      %gather3A_190 = tpu.vector_load_idx %arg18[%get3A_178] : memref<10000xf32, #tpu.memory_space<vmem>>[vector<16xi32>], vector<16xf32>,
      %add3A_191 = arith.addf %gather3A_189, %gather3A_190 : vector<16xf32>
      %gt3A_192 = arith.constant 0.000000e+00 : f32
      %gt3A_193 = vector.broadcast %gt3A_192 : f32 to vector<16xf32>
      %gt3A_194 = arith.cmpf ogt, %add3A_191, %gt3A_193 : vector<16xf32>
      %mul3A_195 = arith.constant 2.000000e-01 : f32
      %mul3A_196 = vector.broadcast %mul3A_195 : f32 to vector<16xf32>
      %mul3A_197 = arith.mulf %mul3A_196, %add3A_191 : vector<16xf32>
      %select_n3A_198 = arith.select %gt3A_194, %add3A_191, %mul3A_197 : vector<16xi1>, vector<16xf32>
      %swap3A_199 = arith.constant 64 : index
      %swap3A_200 = tpu.vector_load %arg23[%swap3A_199] {strides = array<i32>} : memref<80xf32, #tpu.memory_space<vmem>>, vector<16xf32>,
      tpu.vector_store %arg23[%swap3A_199], %select_n3A_188 {strides = array<i32>} : memref<80xf32, #tpu.memory_space<vmem>>, vector<16xf32>,
      %swap3A_201 = arith.constant 64 : index
      %swap3A_202 = tpu.vector_load %arg24[%swap3A_201] {strides = array<i32>} : memref<80xf32, #tpu.memory_space<vmem>>, vector<16xf32>,
      tpu.vector_store %arg24[%swap3A_201], %select_n3A_198 {strides = array<i32>} : memref<80xf32, #tpu.memory_space<vmem>>, vector<16xf32>,
      %sub3A_203 = arith.subf %select_n3A_188, %get3A_5 : vector<16xf32>
      %exp3A_204 = math.exp %sub3A_203 : vector<16xf32>
      %swap3A_205 = arith.constant 64 : index
      %swap3A_206 = tpu.vector_load %arg25[%swap3A_205] {strides = array<i32>} : memref<80xf32, #tpu.memory_space<vmem>>, vector<16xf32>,
      tpu.vector_store %arg25[%swap3A_205], %exp3A_204 {strides = array<i32>} : memref<80xf32, #tpu.memory_space<vmem>>, vector<16xf32>,
      %sub3A_207 = arith.subf %select_n3A_198, %get3A_7 : vector<16xf32>
      %exp3A_208 = math.exp %sub3A_207 : vector<16xf32>
      %swap3A_209 = arith.constant 64 : index
      %swap3A_210 = tpu.vector_load %arg26[%swap3A_209] {strides = array<i32>} : memref<80xf32, #tpu.memory_space<vmem>>, vector<16xf32>,
      tpu.vector_store %arg26[%swap3A_209], %exp3A_208 {strides = array<i32>} : memref<80xf32, #tpu.memory_space<vmem>>, vector<16xf32>,
      "tpu.region"() ({
        %run_scoped3A = tpu.sem_alloc : memref<!tpu.dma_semaphore, #tpu.memory_space<semaphore_mem>>
        %dma_start3A = tpu.memref_slice %arg11[%add3A_36] : memref<320000xf32, #tpu.memory_space<hbm>> -> memref<80xf32, #tpu.memory_space<hbm>>
        %dma_start3A_211 = tpu.memref_slice %arg11[%add3A_36] : memref<320000xf32, #tpu.memory_space<hbm>> -> memref<80xf32, #tpu.memory_space<hbm>>
        tpu.enqueue_dma source(%arg23 : memref<80xf32, #tpu.memory_space<vmem>>) target(%dma_start3A_211 : memref<80xf32, #tpu.memory_space<hbm>>) target_semaphore(%run_scoped3A : memref<!tpu.dma_semaphore, #tpu.memory_space<semaphore_mem>>)
        %dma_wait3A = tpu.memref_slice %arg11[%add3A_36] : memref<320000xf32, #tpu.memory_space<hbm>> -> memref<80xf32, #tpu.memory_space<hbm>>
        %dma_wait3A_212 = tpu.memref_slice %arg11[%add3A_36] : memref<320000xf32, #tpu.memory_space<hbm>> -> memref<80xf32, #tpu.memory_space<hbm>>
        tpu.wait_dma2 semaphore(%run_scoped3A : memref<!tpu.dma_semaphore, #tpu.memory_space<semaphore_mem>>) src(%arg23 : memref<80xf32, #tpu.memory_space<vmem>>) dst(%dma_wait3A_212 : memref<80xf32, #tpu.memory_space<hbm>>)
        tpu.yield
      }) : () -> ()
      "tpu.region"() ({
        %run_scoped3A = tpu.sem_alloc : memref<!tpu.dma_semaphore, #tpu.memory_space<semaphore_mem>>
        %dma_start3A = tpu.memref_slice %arg12[%add3A_36] : memref<320000xf32, #tpu.memory_space<hbm>> -> memref<80xf32, #tpu.memory_space<hbm>>
        %dma_start3A_211 = tpu.memref_slice %arg12[%add3A_36] : memref<320000xf32, #tpu.memory_space<hbm>> -> memref<80xf32, #tpu.memory_space<hbm>>
        tpu.enqueue_dma source(%arg24 : memref<80xf32, #tpu.memory_space<vmem>>) target(%dma_start3A_211 : memref<80xf32, #tpu.memory_space<hbm>>) target_semaphore(%run_scoped3A : memref<!tpu.dma_semaphore, #tpu.memory_space<semaphore_mem>>)
        %dma_wait3A = tpu.memref_slice %arg12[%add3A_36] : memref<320000xf32, #tpu.memory_space<hbm>> -> memref<80xf32, #tpu.memory_space<hbm>>
        %dma_wait3A_212 = tpu.memref_slice %arg12[%add3A_36] : memref<320000xf32, #tpu.memory_space<hbm>> -> memref<80xf32, #tpu.memory_space<hbm>>
        tpu.wait_dma2 semaphore(%run_scoped3A : memref<!tpu.dma_semaphore, #tpu.memory_space<semaphore_mem>>) src(%arg24 : memref<80xf32, #tpu.memory_space<vmem>>) dst(%dma_wait3A_212 : memref<80xf32, #tpu.memory_space<hbm>>)
        tpu.yield
      }) : () -> ()
      "tpu.region"() ({
        %run_scoped3A = tpu.sem_alloc : memref<!tpu.dma_semaphore, #tpu.memory_space<semaphore_mem>>
        %dma_start3A = arith.constant 0 : i32
        %dma_start3A_211 = tpu.memref_slice %arg27[%dma_start3A] : memref<10240xf32, #tpu.memory_space<vmem_shared>> -> memref<10240xf32, #tpu.memory_space<vmem_shared>>
        tpu.enqueue_indirect_dma source(%arg25 : memref<80xf32, #tpu.memory_space<vmem>>) target(%dma_start3A_211 : memref<10240xf32, #tpu.memory_space<vmem_shared>>) offsets(%arg22 : memref<80xi32, #tpu.memory_space<vmem>>) semaphore(%run_scoped3A : memref<!tpu.dma_semaphore, #tpu.memory_space<semaphore_mem>>) {add = true}
        %dma_wait3A = arith.constant 0 : i32
        %dma_wait3A_212 = tpu.memref_slice %arg27[%dma_wait3A] : memref<10240xf32, #tpu.memory_space<vmem_shared>> -> memref<10240xf32, #tpu.memory_space<vmem_shared>>
        tpu.wait_indirect_dma semaphore(%run_scoped3A : memref<!tpu.dma_semaphore, #tpu.memory_space<semaphore_mem>>) src(%arg25 : memref<80xf32, #tpu.memory_space<vmem>>) dst(%dma_wait3A_212 : memref<10240xf32, #tpu.memory_space<vmem_shared>>)
        tpu.yield
      }) : () -> ()
      "tpu.region"() ({
        %run_scoped3A = tpu.sem_alloc : memref<!tpu.dma_semaphore, #tpu.memory_space<semaphore_mem>>
        %dma_start3A = arith.constant 0 : i32
        %dma_start3A_211 = tpu.memref_slice %arg28[%dma_start3A] : memref<10240xf32, #tpu.memory_space<vmem_shared>> -> memref<10240xf32, #tpu.memory_space<vmem_shared>>
        tpu.enqueue_indirect_dma source(%arg26 : memref<80xf32, #tpu.memory_space<vmem>>) target(%dma_start3A_211 : memref<10240xf32, #tpu.memory_space<vmem_shared>>) offsets(%arg22 : memref<80xi32, #tpu.memory_space<vmem>>) semaphore(%run_scoped3A : memref<!tpu.dma_semaphore, #tpu.memory_space<semaphore_mem>>) {add = true}
        %dma_wait3A = arith.constant 0 : i32
        %dma_wait3A_212 = tpu.memref_slice %arg28[%dma_wait3A] : memref<10240xf32, #tpu.memory_space<vmem_shared>> -> memref<10240xf32, #tpu.memory_space<vmem_shared>>
        tpu.wait_indirect_dma semaphore(%run_scoped3A : memref<!tpu.dma_semaphore, #tpu.memory_space<semaphore_mem>>) src(%arg26 : memref<80xf32, #tpu.memory_space<vmem>>) dst(%dma_wait3A_212 : memref<10240xf32, #tpu.memory_space<vmem_shared>>)
        tpu.yield
      }) : () -> ()
    }
    %scan3A_11 = arith.constant 125 : i32
    %barrier3A_12 = arith.constant 0 : index
    tpu.barrier barrier_id(%barrier3A_12)
    %mul3A_13 = arith.constant 640 : i32
    %mul3A_14 = arith.muli %arg1, %mul3A_13 : i32
    %mul3A_15 = arith.constant 10240 : i32
    %mul3A_16 = arith.muli %arg0, %mul3A_15 : i32
    %mul3A_17 = arith.constant 640 : i32
    %mul3A_18 = arith.muli %arg1, %mul3A_17 : i32
    %add3A_19 = arith.addi %mul3A_16, %mul3A_18 : i32
    "tpu.region"() ({
      %run_scoped3A = tpu.sem_alloc : memref<!tpu.dma_semaphore, #tpu.memory_space<semaphore_mem>>
      %dma_start3A = tpu.memref_slice %arg13[%add3A_19] : memref<20480xf32, #tpu.memory_space<hbm>> -> memref<640xf32, #tpu.memory_space<hbm>>
      %dma_start3A_27 = tpu.memref_slice %arg27[%mul3A_14] : memref<10240xf32, #tpu.memory_space<vmem_shared>> -> memref<640xf32, #tpu.memory_space<vmem_shared>>
      tpu.enqueue_dma source(%dma_start3A_27 : memref<640xf32, #tpu.memory_space<vmem_shared>>) target(%dma_start3A : memref<640xf32, #tpu.memory_space<hbm>>) target_semaphore(%run_scoped3A : memref<!tpu.dma_semaphore, #tpu.memory_space<semaphore_mem>>)
      %dma_wait3A = tpu.memref_slice %arg13[%add3A_19] : memref<20480xf32, #tpu.memory_space<hbm>> -> memref<640xf32, #tpu.memory_space<hbm>>
      %dma_wait3A_28 = tpu.memref_slice %arg27[%mul3A_14] : memref<10240xf32, #tpu.memory_space<vmem_shared>> -> memref<640xf32, #tpu.memory_space<vmem_shared>>
      tpu.wait_dma2 semaphore(%run_scoped3A : memref<!tpu.dma_semaphore, #tpu.memory_space<semaphore_mem>>) src(%dma_wait3A_28 : memref<640xf32, #tpu.memory_space<vmem_shared>>) dst(%dma_wait3A : memref<640xf32, #tpu.memory_space<hbm>>)
      tpu.yield
    }) : () -> ()
    %mul3A_20 = arith.constant 640 : i32
    %mul3A_21 = arith.muli %arg1, %mul3A_20 : i32
    %mul3A_22 = arith.constant 10240 : i32
    %mul3A_23 = arith.muli %arg0, %mul3A_22 : i32
    %mul3A_24 = arith.constant 640 : i32
    %mul3A_25 = arith.muli %arg1, %mul3A_24 : i32
    %add3A_26 = arith.addi %mul3A_23, %mul3A_25 : i32
    "tpu.region"() ({
      %run_scoped3A = tpu.sem_alloc : memref<!tpu.dma_semaphore, #tpu.memory_space<semaphore_mem>>
      %dma_start3A = tpu.memref_slice %arg14[%add3A_26] : memref<20480xf32, #tpu.memory_space<hbm>> -> memref<640xf32, #tpu.memory_space<hbm>>
      %dma_start3A_27 = tpu.memref_slice %arg28[%mul3A_21] : memref<10240xf32, #tpu.memory_space<vmem_shared>> -> memref<640xf32, #tpu.memory_space<vmem_shared>>
      tpu.enqueue_dma source(%dma_start3A_27 : memref<640xf32, #tpu.memory_space<vmem_shared>>) target(%dma_start3A : memref<640xf32, #tpu.memory_space<hbm>>) target_semaphore(%run_scoped3A : memref<!tpu.dma_semaphore, #tpu.memory_space<semaphore_mem>>)
      %dma_wait3A = tpu.memref_slice %arg14[%add3A_26] : memref<20480xf32, #tpu.memory_space<hbm>> -> memref<640xf32, #tpu.memory_space<hbm>>
      %dma_wait3A_28 = tpu.memref_slice %arg28[%mul3A_21] : memref<10240xf32, #tpu.memory_space<vmem_shared>> -> memref<640xf32, #tpu.memory_space<vmem_shared>>
      tpu.wait_dma2 semaphore(%run_scoped3A : memref<!tpu.dma_semaphore, #tpu.memory_space<semaphore_mem>>) src(%dma_wait3A_28 : memref<640xf32, #tpu.memory_space<vmem_shared>>) dst(%dma_wait3A : memref<640xf32, #tpu.memory_space<hbm>>)
      tpu.yield
    }) : () -> ()
    return
  }
}

#map = affine_map<(d0, d1) -> (0, 0)>
#map1 = affine_map<(d0, d1) -> (0)>
module attributes {stable_mosaic.version = 14 : i64} {
  func.func @_gcn_msg_kernel(%arg0: i32, %arg1: i32, %arg2: memref<10000x128xf32, #tpu.memory_space<hbm>>, %arg3: memref<320000xi32, #tpu.memory_space<hbm>>, %arg4: memref<320000xi32, #tpu.memory_space<hbm>>, %arg5: memref<320000xf32, #tpu.memory_space<hbm>>, %arg6: memref<640x128xf32, #tpu.memory_space<hbm>>, %arg7: memref<20480x128xf32, #tpu.memory_space<hbm>>, %arg8: memref<80xi32, #tpu.memory_space<vmem>>, %arg9: memref<80xi32, #tpu.memory_space<vmem>>, %arg10: memref<80xi32, #tpu.memory_space<vmem>>, %arg11: memref<80xi32, #tpu.memory_space<vmem>>, %arg12: memref<80xf32, #tpu.memory_space<vmem>>, %arg13: memref<80xf32, #tpu.memory_space<vmem>>, %arg14: memref<80x128xf32, #tpu.memory_space<vmem>>, %arg15: memref<80x128xf32, #tpu.memory_space<vmem>>, %arg16: memref<10240x128xf32, #tpu.memory_space<vmem_shared>>, %arg17: memref<!tpu.dma_semaphore, #tpu.memory_space<semaphore_mem>>, %arg18: memref<!tpu.dma_semaphore, #tpu.memory_space<semaphore_mem>>) attributes {dimension_semantics = [#tpu.dimension_semantics<core_parallel>, #tpu.dimension_semantics<subcore_parallel>], iteration_bounds = array<i64: 2, 16>, scalar_prefetch = 0 : i64, scratch_operands = 11 : i64, tpu.core_type = #tpu.core_type<sc_vector_subcore>, window_params = [{transform_indices = #map}, {transform_indices = #map1}, {transform_indices = #map1}, {transform_indices = #map1}, {transform_indices = #map}, {transform_indices = #map}]} {
    %mul3A = arith.constant 2 : i32
    %mul3A_0 = arith.muli %arg1, %mul3A : i32
    %add3A = arith.addi %mul3A_0, %arg0 : i32
    %mul3A_1 = arith.constant 10000 : i32
    %mul3A_2 = arith.muli %add3A, %mul3A_1 : i32
    %mul3A_3 = arith.constant 640 : i32
    %mul3A_4 = arith.muli %arg1, %mul3A_3 : i32
    "tpu.region"() ({
      %run_scoped3A = tpu.sem_alloc : memref<!tpu.dma_semaphore, #tpu.memory_space<semaphore_mem>>
      %dma_start3A_19 = arith.constant 0 : i32
      %dma_start3A_20 = tpu.memref_slice %arg16[%mul3A_4, %dma_start3A_19] : memref<10240x128xf32, #tpu.memory_space<vmem_shared>> -> memref<640x128xf32, #tpu.memory_space<vmem_shared>>
      tpu.enqueue_dma source(%arg6 : memref<640x128xf32, #tpu.memory_space<hbm>>) target(%dma_start3A_20 : memref<640x128xf32, #tpu.memory_space<vmem_shared>>) target_semaphore(%run_scoped3A : memref<!tpu.dma_semaphore, #tpu.memory_space<semaphore_mem>>)
      %dma_wait3A = arith.constant 0 : i32
      %dma_wait3A_21 = tpu.memref_slice %arg16[%mul3A_4, %dma_wait3A] : memref<10240x128xf32, #tpu.memory_space<vmem_shared>> -> memref<640x128xf32, #tpu.memory_space<vmem_shared>>
      tpu.wait_dma2 semaphore(%run_scoped3A : memref<!tpu.dma_semaphore, #tpu.memory_space<semaphore_mem>>) src(%arg6 : memref<640x128xf32, #tpu.memory_space<hbm>>) dst(%dma_wait3A_21 : memref<640x128xf32, #tpu.memory_space<vmem_shared>>)
      tpu.yield
    }) : () -> ()
    %barrier3A = arith.constant 0 : index
    tpu.barrier barrier_id(%barrier3A)
    "tpu.region"() ({
      %run_scoped3A = tpu.sem_alloc : memref<!tpu.dma_semaphore, #tpu.memory_space<semaphore_mem>>
      %dma_start3A_19 = tpu.memref_slice %arg3[%mul3A_2] : memref<320000xi32, #tpu.memory_space<hbm>> -> memref<80xi32, #tpu.memory_space<hbm>>
      %dma_start3A_20 = tpu.memref_slice %arg3[%mul3A_2] : memref<320000xi32, #tpu.memory_space<hbm>> -> memref<80xi32, #tpu.memory_space<hbm>>
      tpu.enqueue_dma source(%dma_start3A_20 : memref<80xi32, #tpu.memory_space<hbm>>) target(%arg8 : memref<80xi32, #tpu.memory_space<vmem>>) target_semaphore(%run_scoped3A : memref<!tpu.dma_semaphore, #tpu.memory_space<semaphore_mem>>)
      %dma_wait3A = tpu.memref_slice %arg3[%mul3A_2] : memref<320000xi32, #tpu.memory_space<hbm>> -> memref<80xi32, #tpu.memory_space<hbm>>
      %dma_wait3A_21 = tpu.memref_slice %arg3[%mul3A_2] : memref<320000xi32, #tpu.memory_space<hbm>> -> memref<80xi32, #tpu.memory_space<hbm>>
      tpu.wait_dma2 semaphore(%run_scoped3A : memref<!tpu.dma_semaphore, #tpu.memory_space<semaphore_mem>>) src(%dma_wait3A_21 : memref<80xi32, #tpu.memory_space<hbm>>) dst(%arg8 : memref<80xi32, #tpu.memory_space<vmem>>)
      tpu.yield
    }) : () -> ()
    "tpu.region"() ({
      %run_scoped3A = tpu.sem_alloc : memref<!tpu.dma_semaphore, #tpu.memory_space<semaphore_mem>>
      %dma_start3A_19 = tpu.memref_slice %arg4[%mul3A_2] : memref<320000xi32, #tpu.memory_space<hbm>> -> memref<80xi32, #tpu.memory_space<hbm>>
      %dma_start3A_20 = tpu.memref_slice %arg4[%mul3A_2] : memref<320000xi32, #tpu.memory_space<hbm>> -> memref<80xi32, #tpu.memory_space<hbm>>
      tpu.enqueue_dma source(%dma_start3A_20 : memref<80xi32, #tpu.memory_space<hbm>>) target(%arg10 : memref<80xi32, #tpu.memory_space<vmem>>) target_semaphore(%run_scoped3A : memref<!tpu.dma_semaphore, #tpu.memory_space<semaphore_mem>>)
      %dma_wait3A = tpu.memref_slice %arg4[%mul3A_2] : memref<320000xi32, #tpu.memory_space<hbm>> -> memref<80xi32, #tpu.memory_space<hbm>>
      %dma_wait3A_21 = tpu.memref_slice %arg4[%mul3A_2] : memref<320000xi32, #tpu.memory_space<hbm>> -> memref<80xi32, #tpu.memory_space<hbm>>
      tpu.wait_dma2 semaphore(%run_scoped3A : memref<!tpu.dma_semaphore, #tpu.memory_space<semaphore_mem>>) src(%dma_wait3A_21 : memref<80xi32, #tpu.memory_space<hbm>>) dst(%arg10 : memref<80xi32, #tpu.memory_space<vmem>>)
      tpu.yield
    }) : () -> ()
    "tpu.region"() ({
      %run_scoped3A = tpu.sem_alloc : memref<!tpu.dma_semaphore, #tpu.memory_space<semaphore_mem>>
      %dma_start3A_19 = tpu.memref_slice %arg5[%mul3A_2] : memref<320000xf32, #tpu.memory_space<hbm>> -> memref<80xf32, #tpu.memory_space<hbm>>
      %dma_start3A_20 = tpu.memref_slice %arg5[%mul3A_2] : memref<320000xf32, #tpu.memory_space<hbm>> -> memref<80xf32, #tpu.memory_space<hbm>>
      tpu.enqueue_dma source(%dma_start3A_20 : memref<80xf32, #tpu.memory_space<hbm>>) target(%arg12 : memref<80xf32, #tpu.memory_space<vmem>>) target_semaphore(%run_scoped3A : memref<!tpu.dma_semaphore, #tpu.memory_space<semaphore_mem>>)
      %dma_wait3A = tpu.memref_slice %arg5[%mul3A_2] : memref<320000xf32, #tpu.memory_space<hbm>> -> memref<80xf32, #tpu.memory_space<hbm>>
      %dma_wait3A_21 = tpu.memref_slice %arg5[%mul3A_2] : memref<320000xf32, #tpu.memory_space<hbm>> -> memref<80xf32, #tpu.memory_space<hbm>>
      tpu.wait_dma2 semaphore(%run_scoped3A : memref<!tpu.dma_semaphore, #tpu.memory_space<semaphore_mem>>) src(%dma_wait3A_21 : memref<80xf32, #tpu.memory_space<hbm>>) dst(%arg12 : memref<80xf32, #tpu.memory_space<vmem>>)
      tpu.yield
    }) : () -> ()
    %dma_start3A = arith.constant 0 : i32
    %dma_start3A_5 = arith.constant 0 : i32
    %dma_start3A_6 = tpu.memref_slice %arg2[%dma_start3A, %dma_start3A_5] : memref<10000x128xf32, #tpu.memory_space<hbm>> -> memref<10000x128xf32, #tpu.memory_space<hbm>>
    tpu.enqueue_indirect_dma source(%dma_start3A_6 : memref<10000x128xf32, #tpu.memory_space<hbm>>) target(%arg14 : memref<80x128xf32, #tpu.memory_space<vmem>>) offsets(%arg8 : memref<80xi32, #tpu.memory_space<vmem>>) semaphore(%arg17 : memref<!tpu.dma_semaphore, #tpu.memory_space<semaphore_mem>>)
    %scan3A = arith.constant 0 : i32
    %scan3A_7 = arith.constant 125 : i32
    %scan3A_8 = arith.addi %scan3A, %scan3A_7 : i32
    %scan3A_9 = arith.constant 1 : i32
    scf.for %scan3A_19 = %scan3A to %scan3A_8 step %scan3A_9  : i32 {
      %mul3A_20 = arith.constant 1 : i32
      %mul3A_21 = arith.muli %scan3A_19, %mul3A_20 : i32
      %add3A_22 = arith.constant 0 : i32
      %add3A_23 = arith.addi %add3A_22, %mul3A_21 : i32
      %jit3A = arith.constant 2 : i32
      %eq3A = arith.constant 0 : i32
      %eq3A_24 = arith.cmpi eq, %jit3A, %eq3A : i32
      %jit3A_25 = arith.constant 1 : i32
      %select_n3A = arith.select %eq3A_24, %jit3A_25, %jit3A : i32
      %rem3A = arith.remsi %add3A_23, %select_n3A : i32
      %ne3A = arith.constant 0 : i32
      %ne3A_26 = arith.cmpi ne, %rem3A, %ne3A : i32
      %lt3A = arith.constant 0 : i32
      %lt3A_27 = arith.cmpi slt, %rem3A, %lt3A : i32
      %lt3A_28 = arith.constant 0 : i32
      %lt3A_29 = arith.cmpi slt, %select_n3A, %lt3A_28 : i32
      %ne3A_30 = arith.xori %lt3A_27, %lt3A_29 : i1
      %and3A = arith.andi %ne3A_30, %ne3A_26 : i1
      %add3A_31 = arith.addi %rem3A, %select_n3A : i32
      %select_n3A_32 = arith.select %and3A, %add3A_31, %rem3A : i32
      %eq3A_33 = arith.constant 0 : i32
      %eq3A_34 = arith.cmpi eq, %select_n3A_32, %eq3A_33 : i32
      %convert_element_type3A = arith.extui %eq3A_34 : i1 to i32
      %cond3A = arith.constant 0 : i32
      %cond3A_35 = arith.cmpi ne, %convert_element_type3A, %cond3A : i32
      scf.if %cond3A_35 {
        %add3A_57 = arith.constant 1 : i32
        %add3A_58 = arith.addi %add3A_23, %add3A_57 : i32
        %lt3A_59 = arith.constant 125 : i32
        %lt3A_60 = arith.cmpi slt, %add3A_58, %lt3A_59 : i32
        %convert_element_type3A_61 = arith.extui %lt3A_60 : i1 to i32
        %cond3A_62 = arith.constant 0 : i32
        %cond3A_63 = arith.cmpi ne, %convert_element_type3A_61, %cond3A_62 : i32
        scf.if %cond3A_63 {
          %add3A_71 = arith.constant 1 : i32
          %add3A_72 = arith.addi %add3A_23, %add3A_71 : i32
          %mul3A_73 = arith.constant 80 : i32
          %mul3A_74 = arith.muli %add3A_72, %mul3A_73 : i32
          %add3A_75 = arith.addi %mul3A_2, %mul3A_74 : i32
          "tpu.region"() ({
            %run_scoped3A = tpu.sem_alloc : memref<!tpu.dma_semaphore, #tpu.memory_space<semaphore_mem>>
            %dma_start3A_79 = tpu.memref_slice %arg3[%add3A_75] : memref<320000xi32, #tpu.memory_space<hbm>> -> memref<80xi32, #tpu.memory_space<hbm>>
            %dma_start3A_80 = tpu.memref_slice %arg3[%add3A_75] : memref<320000xi32, #tpu.memory_space<hbm>> -> memref<80xi32, #tpu.memory_space<hbm>>
            tpu.enqueue_dma source(%dma_start3A_80 : memref<80xi32, #tpu.memory_space<hbm>>) target(%arg9 : memref<80xi32, #tpu.memory_space<vmem>>) target_semaphore(%run_scoped3A : memref<!tpu.dma_semaphore, #tpu.memory_space<semaphore_mem>>)
            %dma_wait3A_81 = tpu.memref_slice %arg3[%add3A_75] : memref<320000xi32, #tpu.memory_space<hbm>> -> memref<80xi32, #tpu.memory_space<hbm>>
            %dma_wait3A_82 = tpu.memref_slice %arg3[%add3A_75] : memref<320000xi32, #tpu.memory_space<hbm>> -> memref<80xi32, #tpu.memory_space<hbm>>
            tpu.wait_dma2 semaphore(%run_scoped3A : memref<!tpu.dma_semaphore, #tpu.memory_space<semaphore_mem>>) src(%dma_wait3A_82 : memref<80xi32, #tpu.memory_space<hbm>>) dst(%arg9 : memref<80xi32, #tpu.memory_space<vmem>>)
            tpu.yield
          }) : () -> ()
          "tpu.region"() ({
            %run_scoped3A = tpu.sem_alloc : memref<!tpu.dma_semaphore, #tpu.memory_space<semaphore_mem>>
            %dma_start3A_79 = tpu.memref_slice %arg4[%add3A_75] : memref<320000xi32, #tpu.memory_space<hbm>> -> memref<80xi32, #tpu.memory_space<hbm>>
            %dma_start3A_80 = tpu.memref_slice %arg4[%add3A_75] : memref<320000xi32, #tpu.memory_space<hbm>> -> memref<80xi32, #tpu.memory_space<hbm>>
            tpu.enqueue_dma source(%dma_start3A_80 : memref<80xi32, #tpu.memory_space<hbm>>) target(%arg11 : memref<80xi32, #tpu.memory_space<vmem>>) target_semaphore(%run_scoped3A : memref<!tpu.dma_semaphore, #tpu.memory_space<semaphore_mem>>)
            %dma_wait3A_81 = tpu.memref_slice %arg4[%add3A_75] : memref<320000xi32, #tpu.memory_space<hbm>> -> memref<80xi32, #tpu.memory_space<hbm>>
            %dma_wait3A_82 = tpu.memref_slice %arg4[%add3A_75] : memref<320000xi32, #tpu.memory_space<hbm>> -> memref<80xi32, #tpu.memory_space<hbm>>
            tpu.wait_dma2 semaphore(%run_scoped3A : memref<!tpu.dma_semaphore, #tpu.memory_space<semaphore_mem>>) src(%dma_wait3A_82 : memref<80xi32, #tpu.memory_space<hbm>>) dst(%arg11 : memref<80xi32, #tpu.memory_space<vmem>>)
            tpu.yield
          }) : () -> ()
          "tpu.region"() ({
            %run_scoped3A = tpu.sem_alloc : memref<!tpu.dma_semaphore, #tpu.memory_space<semaphore_mem>>
            %dma_start3A_79 = tpu.memref_slice %arg5[%add3A_75] : memref<320000xf32, #tpu.memory_space<hbm>> -> memref<80xf32, #tpu.memory_space<hbm>>
            %dma_start3A_80 = tpu.memref_slice %arg5[%add3A_75] : memref<320000xf32, #tpu.memory_space<hbm>> -> memref<80xf32, #tpu.memory_space<hbm>>
            tpu.enqueue_dma source(%dma_start3A_80 : memref<80xf32, #tpu.memory_space<hbm>>) target(%arg13 : memref<80xf32, #tpu.memory_space<vmem>>) target_semaphore(%run_scoped3A : memref<!tpu.dma_semaphore, #tpu.memory_space<semaphore_mem>>)
            %dma_wait3A_81 = tpu.memref_slice %arg5[%add3A_75] : memref<320000xf32, #tpu.memory_space<hbm>> -> memref<80xf32, #tpu.memory_space<hbm>>
            %dma_wait3A_82 = tpu.memref_slice %arg5[%add3A_75] : memref<320000xf32, #tpu.memory_space<hbm>> -> memref<80xf32, #tpu.memory_space<hbm>>
            tpu.wait_dma2 semaphore(%run_scoped3A : memref<!tpu.dma_semaphore, #tpu.memory_space<semaphore_mem>>) src(%dma_wait3A_82 : memref<80xf32, #tpu.memory_space<hbm>>) dst(%arg13 : memref<80xf32, #tpu.memory_space<vmem>>)
            tpu.yield
          }) : () -> ()
          %dma_start3A_76 = arith.constant 0 : i32
          %dma_start3A_77 = arith.constant 0 : i32
          %dma_start3A_78 = tpu.memref_slice %arg2[%dma_start3A_76, %dma_start3A_77] : memref<10000x128xf32, #tpu.memory_space<hbm>> -> memref<10000x128xf32, #tpu.memory_space<hbm>>
          tpu.enqueue_indirect_dma source(%dma_start3A_78 : memref<10000x128xf32, #tpu.memory_space<hbm>>) target(%arg15 : memref<80x128xf32, #tpu.memory_space<vmem>>) offsets(%arg9 : memref<80xi32, #tpu.memory_space<vmem>>) semaphore(%arg18 : memref<!tpu.dma_semaphore, #tpu.memory_space<semaphore_mem>>)
        } else {
        }
        %dma_wait3A = arith.constant 0 : i32
        %dma_wait3A_64 = arith.constant 0 : i32
        %dma_wait3A_65 = tpu.memref_slice %arg2[%dma_wait3A, %dma_wait3A_64] : memref<10000x128xf32, #tpu.memory_space<hbm>> -> memref<10000x128xf32, #tpu.memory_space<hbm>>
        tpu.wait_indirect_dma semaphore(%arg17 : memref<!tpu.dma_semaphore, #tpu.memory_space<semaphore_mem>>) src(%dma_wait3A_65 : memref<10000x128xf32, #tpu.memory_space<hbm>>) dst(%arg14 : memref<80x128xf32, #tpu.memory_space<vmem>>)
        %scan3A_66 = arith.constant 0 : i32
        %scan3A_67 = arith.constant 80 : i32
        %scan3A_68 = arith.addi %scan3A_66, %scan3A_67 : i32
        %scan3A_69 = arith.constant 1 : i32
        scf.for %scan3A_71 = %scan3A_66 to %scan3A_68 step %scan3A_69  : i32 {
          %mul3A_72 = arith.constant 1 : i32
          %mul3A_73 = arith.muli %scan3A_71, %mul3A_72 : i32
          %add3A_74 = arith.constant 0 : i32
          %add3A_75 = arith.addi %add3A_74, %mul3A_73 : i32
          %broadcast_in_dim3A = vector.broadcast %add3A_75 : i32 to vector<16xi32>
          %gather3A = tpu.vector_load_idx %arg12[%broadcast_in_dim3A] : memref<80xf32, #tpu.memory_space<vmem>>[vector<16xi32>], vector<16xf32>,
          %get3A = arith.index_cast %add3A_75 : i32 to index
          %get3A_76 = arith.constant 0 : index
          %get3A_77 = tpu.vector_load %arg14[%get3A, %get3A_76] {strides = array<i32>} : memref<80x128xf32, #tpu.memory_space<vmem>>, vector<16xf32>,
          %mul3A_78 = arith.mulf %get3A_77, %gather3A : vector<16xf32>
          %swap3A = arith.index_cast %add3A_75 : i32 to index
          %swap3A_79 = arith.constant 0 : index
          %swap3A_80 = tpu.vector_load %arg14[%swap3A, %swap3A_79] {strides = array<i32>} : memref<80x128xf32, #tpu.memory_space<vmem>>, vector<16xf32>,
          tpu.vector_store %arg14[%swap3A, %swap3A_79], %mul3A_78 {strides = array<i32>} : memref<80x128xf32, #tpu.memory_space<vmem>>, vector<16xf32>,
          %get3A_81 = arith.index_cast %add3A_75 : i32 to index
          %get3A_82 = arith.constant 16 : index
          %get3A_83 = tpu.vector_load %arg14[%get3A_81, %get3A_82] {strides = array<i32>} : memref<80x128xf32, #tpu.memory_space<vmem>>, vector<16xf32>,
          %mul3A_84 = arith.mulf %get3A_83, %gather3A : vector<16xf32>
          %swap3A_85 = arith.index_cast %add3A_75 : i32 to index
          %swap3A_86 = arith.constant 16 : index
          %swap3A_87 = tpu.vector_load %arg14[%swap3A_85, %swap3A_86] {strides = array<i32>} : memref<80x128xf32, #tpu.memory_space<vmem>>, vector<16xf32>,
          tpu.vector_store %arg14[%swap3A_85, %swap3A_86], %mul3A_84 {strides = array<i32>} : memref<80x128xf32, #tpu.memory_space<vmem>>, vector<16xf32>,
          %get3A_88 = arith.index_cast %add3A_75 : i32 to index
          %get3A_89 = arith.constant 32 : index
          %get3A_90 = tpu.vector_load %arg14[%get3A_88, %get3A_89] {strides = array<i32>} : memref<80x128xf32, #tpu.memory_space<vmem>>, vector<16xf32>,
          %mul3A_91 = arith.mulf %get3A_90, %gather3A : vector<16xf32>
          %swap3A_92 = arith.index_cast %add3A_75 : i32 to index
          %swap3A_93 = arith.constant 32 : index
          %swap3A_94 = tpu.vector_load %arg14[%swap3A_92, %swap3A_93] {strides = array<i32>} : memref<80x128xf32, #tpu.memory_space<vmem>>, vector<16xf32>,
          tpu.vector_store %arg14[%swap3A_92, %swap3A_93], %mul3A_91 {strides = array<i32>} : memref<80x128xf32, #tpu.memory_space<vmem>>, vector<16xf32>,
          %get3A_95 = arith.index_cast %add3A_75 : i32 to index
          %get3A_96 = arith.constant 48 : index
          %get3A_97 = tpu.vector_load %arg14[%get3A_95, %get3A_96] {strides = array<i32>} : memref<80x128xf32, #tpu.memory_space<vmem>>, vector<16xf32>,
          %mul3A_98 = arith.mulf %get3A_97, %gather3A : vector<16xf32>
          %swap3A_99 = arith.index_cast %add3A_75 : i32 to index
          %swap3A_100 = arith.constant 48 : index
          %swap3A_101 = tpu.vector_load %arg14[%swap3A_99, %swap3A_100] {strides = array<i32>} : memref<80x128xf32, #tpu.memory_space<vmem>>, vector<16xf32>,
          tpu.vector_store %arg14[%swap3A_99, %swap3A_100], %mul3A_98 {strides = array<i32>} : memref<80x128xf32, #tpu.memory_space<vmem>>, vector<16xf32>,
          %get3A_102 = arith.index_cast %add3A_75 : i32 to index
          %get3A_103 = arith.constant 64 : index
          %get3A_104 = tpu.vector_load %arg14[%get3A_102, %get3A_103] {strides = array<i32>} : memref<80x128xf32, #tpu.memory_space<vmem>>, vector<16xf32>,
          %mul3A_105 = arith.mulf %get3A_104, %gather3A : vector<16xf32>
          %swap3A_106 = arith.index_cast %add3A_75 : i32 to index
          %swap3A_107 = arith.constant 64 : index
          %swap3A_108 = tpu.vector_load %arg14[%swap3A_106, %swap3A_107] {strides = array<i32>} : memref<80x128xf32, #tpu.memory_space<vmem>>, vector<16xf32>,
          tpu.vector_store %arg14[%swap3A_106, %swap3A_107], %mul3A_105 {strides = array<i32>} : memref<80x128xf32, #tpu.memory_space<vmem>>, vector<16xf32>,
          %get3A_109 = arith.index_cast %add3A_75 : i32 to index
          %get3A_110 = arith.constant 80 : index
          %get3A_111 = tpu.vector_load %arg14[%get3A_109, %get3A_110] {strides = array<i32>} : memref<80x128xf32, #tpu.memory_space<vmem>>, vector<16xf32>,
          %mul3A_112 = arith.mulf %get3A_111, %gather3A : vector<16xf32>
          %swap3A_113 = arith.index_cast %add3A_75 : i32 to index
          %swap3A_114 = arith.constant 80 : index
          %swap3A_115 = tpu.vector_load %arg14[%swap3A_113, %swap3A_114] {strides = array<i32>} : memref<80x128xf32, #tpu.memory_space<vmem>>, vector<16xf32>,
          tpu.vector_store %arg14[%swap3A_113, %swap3A_114], %mul3A_112 {strides = array<i32>} : memref<80x128xf32, #tpu.memory_space<vmem>>, vector<16xf32>,
          %get3A_116 = arith.index_cast %add3A_75 : i32 to index
          %get3A_117 = arith.constant 96 : index
          %get3A_118 = tpu.vector_load %arg14[%get3A_116, %get3A_117] {strides = array<i32>} : memref<80x128xf32, #tpu.memory_space<vmem>>, vector<16xf32>,
          %mul3A_119 = arith.mulf %get3A_118, %gather3A : vector<16xf32>
          %swap3A_120 = arith.index_cast %add3A_75 : i32 to index
          %swap3A_121 = arith.constant 96 : index
          %swap3A_122 = tpu.vector_load %arg14[%swap3A_120, %swap3A_121] {strides = array<i32>} : memref<80x128xf32, #tpu.memory_space<vmem>>, vector<16xf32>,
          tpu.vector_store %arg14[%swap3A_120, %swap3A_121], %mul3A_119 {strides = array<i32>} : memref<80x128xf32, #tpu.memory_space<vmem>>, vector<16xf32>,
          %get3A_123 = arith.index_cast %add3A_75 : i32 to index
          %get3A_124 = arith.constant 112 : index
          %get3A_125 = tpu.vector_load %arg14[%get3A_123, %get3A_124] {strides = array<i32>} : memref<80x128xf32, #tpu.memory_space<vmem>>, vector<16xf32>,
          %mul3A_126 = arith.mulf %get3A_125, %gather3A : vector<16xf32>
          %swap3A_127 = arith.index_cast %add3A_75 : i32 to index
          %swap3A_128 = arith.constant 112 : index
          %swap3A_129 = tpu.vector_load %arg14[%swap3A_127, %swap3A_128] {strides = array<i32>} : memref<80x128xf32, #tpu.memory_space<vmem>>, vector<16xf32>,
          tpu.vector_store %arg14[%swap3A_127, %swap3A_128], %mul3A_126 {strides = array<i32>} : memref<80x128xf32, #tpu.memory_space<vmem>>, vector<16xf32>,
        }
        %scan3A_70 = arith.constant 80 : i32
        "tpu.region"() ({
          %run_scoped3A = tpu.sem_alloc : memref<!tpu.dma_semaphore, #tpu.memory_space<semaphore_mem>>
          %dma_start3A_71 = arith.constant 0 : i32
          %dma_start3A_72 = arith.constant 0 : i32
          %dma_start3A_73 = tpu.memref_slice %arg16[%dma_start3A_71, %dma_start3A_72] : memref<10240x128xf32, #tpu.memory_space<vmem_shared>> -> memref<10240x128xf32, #tpu.memory_space<vmem_shared>>
          tpu.enqueue_indirect_dma source(%arg14 : memref<80x128xf32, #tpu.memory_space<vmem>>) target(%dma_start3A_73 : memref<10240x128xf32, #tpu.memory_space<vmem_shared>>) offsets(%arg10 : memref<80xi32, #tpu.memory_space<vmem>>) semaphore(%run_scoped3A : memref<!tpu.dma_semaphore, #tpu.memory_space<semaphore_mem>>) {add = true}
          %dma_wait3A_74 = arith.constant 0 : i32
          %dma_wait3A_75 = arith.constant 0 : i32
          %dma_wait3A_76 = tpu.memref_slice %arg16[%dma_wait3A_74, %dma_wait3A_75] : memref<10240x128xf32, #tpu.memory_space<vmem_shared>> -> memref<10240x128xf32, #tpu.memory_space<vmem_shared>>
          tpu.wait_indirect_dma semaphore(%run_scoped3A : memref<!tpu.dma_semaphore, #tpu.memory_space<semaphore_mem>>) src(%arg14 : memref<80x128xf32, #tpu.memory_space<vmem>>) dst(%dma_wait3A_76 : memref<10240x128xf32, #tpu.memory_space<vmem_shared>>)
          tpu.yield
        }) : () -> ()
      } else {
      }
      %jit3A_36 = arith.constant 2 : i32
      %eq3A_37 = arith.constant 0 : i32
      %eq3A_38 = arith.cmpi eq, %jit3A_36, %eq3A_37 : i32
      %jit3A_39 = arith.constant 1 : i32
      %select_n3A_40 = arith.select %eq3A_38, %jit3A_39, %jit3A_36 : i32
      %rem3A_41 = arith.remsi %add3A_23, %select_n3A_40 : i32
      %ne3A_42 = arith.constant 0 : i32
      %ne3A_43 = arith.cmpi ne, %rem3A_41, %ne3A_42 : i32
      %lt3A_44 = arith.constant 0 : i32
      %lt3A_45 = arith.cmpi slt, %rem3A_41, %lt3A_44 : i32
      %lt3A_46 = arith.constant 0 : i32
      %lt3A_47 = arith.cmpi slt, %select_n3A_40, %lt3A_46 : i32
      %ne3A_48 = arith.xori %lt3A_45, %lt3A_47 : i1
      %and3A_49 = arith.andi %ne3A_48, %ne3A_43 : i1
      %add3A_50 = arith.addi %rem3A_41, %select_n3A_40 : i32
      %select_n3A_51 = arith.select %and3A_49, %add3A_50, %rem3A_41 : i32
      %eq3A_52 = arith.constant 1 : i32
      %eq3A_53 = arith.cmpi eq, %select_n3A_51, %eq3A_52 : i32
      %convert_element_type3A_54 = arith.extui %eq3A_53 : i1 to i32
      %cond3A_55 = arith.constant 0 : i32
      %cond3A_56 = arith.cmpi ne, %convert_element_type3A_54, %cond3A_55 : i32
      scf.if %cond3A_56 {
        %add3A_57 = arith.constant 1 : i32
        %add3A_58 = arith.addi %add3A_23, %add3A_57 : i32
        %lt3A_59 = arith.constant 125 : i32
        %lt3A_60 = arith.cmpi slt, %add3A_58, %lt3A_59 : i32
        %convert_element_type3A_61 = arith.extui %lt3A_60 : i1 to i32
        %cond3A_62 = arith.constant 0 : i32
        %cond3A_63 = arith.cmpi ne, %convert_element_type3A_61, %cond3A_62 : i32
        scf.if %cond3A_63 {
          %add3A_71 = arith.constant 1 : i32
          %add3A_72 = arith.addi %add3A_23, %add3A_71 : i32
          %mul3A_73 = arith.constant 80 : i32
          %mul3A_74 = arith.muli %add3A_72, %mul3A_73 : i32
          %add3A_75 = arith.addi %mul3A_2, %mul3A_74 : i32
          "tpu.region"() ({
            %run_scoped3A = tpu.sem_alloc : memref<!tpu.dma_semaphore, #tpu.memory_space<semaphore_mem>>
            %dma_start3A_79 = tpu.memref_slice %arg3[%add3A_75] : memref<320000xi32, #tpu.memory_space<hbm>> -> memref<80xi32, #tpu.memory_space<hbm>>
            %dma_start3A_80 = tpu.memref_slice %arg3[%add3A_75] : memref<320000xi32, #tpu.memory_space<hbm>> -> memref<80xi32, #tpu.memory_space<hbm>>
            tpu.enqueue_dma source(%dma_start3A_80 : memref<80xi32, #tpu.memory_space<hbm>>) target(%arg8 : memref<80xi32, #tpu.memory_space<vmem>>) target_semaphore(%run_scoped3A : memref<!tpu.dma_semaphore, #tpu.memory_space<semaphore_mem>>)
            %dma_wait3A_81 = tpu.memref_slice %arg3[%add3A_75] : memref<320000xi32, #tpu.memory_space<hbm>> -> memref<80xi32, #tpu.memory_space<hbm>>
            %dma_wait3A_82 = tpu.memref_slice %arg3[%add3A_75] : memref<320000xi32, #tpu.memory_space<hbm>> -> memref<80xi32, #tpu.memory_space<hbm>>
            tpu.wait_dma2 semaphore(%run_scoped3A : memref<!tpu.dma_semaphore, #tpu.memory_space<semaphore_mem>>) src(%dma_wait3A_82 : memref<80xi32, #tpu.memory_space<hbm>>) dst(%arg8 : memref<80xi32, #tpu.memory_space<vmem>>)
            tpu.yield
          }) : () -> ()
          "tpu.region"() ({
            %run_scoped3A = tpu.sem_alloc : memref<!tpu.dma_semaphore, #tpu.memory_space<semaphore_mem>>
            %dma_start3A_79 = tpu.memref_slice %arg4[%add3A_75] : memref<320000xi32, #tpu.memory_space<hbm>> -> memref<80xi32, #tpu.memory_space<hbm>>
            %dma_start3A_80 = tpu.memref_slice %arg4[%add3A_75] : memref<320000xi32, #tpu.memory_space<hbm>> -> memref<80xi32, #tpu.memory_space<hbm>>
            tpu.enqueue_dma source(%dma_start3A_80 : memref<80xi32, #tpu.memory_space<hbm>>) target(%arg10 : memref<80xi32, #tpu.memory_space<vmem>>) target_semaphore(%run_scoped3A : memref<!tpu.dma_semaphore, #tpu.memory_space<semaphore_mem>>)
            %dma_wait3A_81 = tpu.memref_slice %arg4[%add3A_75] : memref<320000xi32, #tpu.memory_space<hbm>> -> memref<80xi32, #tpu.memory_space<hbm>>
            %dma_wait3A_82 = tpu.memref_slice %arg4[%add3A_75] : memref<320000xi32, #tpu.memory_space<hbm>> -> memref<80xi32, #tpu.memory_space<hbm>>
            tpu.wait_dma2 semaphore(%run_scoped3A : memref<!tpu.dma_semaphore, #tpu.memory_space<semaphore_mem>>) src(%dma_wait3A_82 : memref<80xi32, #tpu.memory_space<hbm>>) dst(%arg10 : memref<80xi32, #tpu.memory_space<vmem>>)
            tpu.yield
          }) : () -> ()
          "tpu.region"() ({
            %run_scoped3A = tpu.sem_alloc : memref<!tpu.dma_semaphore, #tpu.memory_space<semaphore_mem>>
            %dma_start3A_79 = tpu.memref_slice %arg5[%add3A_75] : memref<320000xf32, #tpu.memory_space<hbm>> -> memref<80xf32, #tpu.memory_space<hbm>>
            %dma_start3A_80 = tpu.memref_slice %arg5[%add3A_75] : memref<320000xf32, #tpu.memory_space<hbm>> -> memref<80xf32, #tpu.memory_space<hbm>>
            tpu.enqueue_dma source(%dma_start3A_80 : memref<80xf32, #tpu.memory_space<hbm>>) target(%arg12 : memref<80xf32, #tpu.memory_space<vmem>>) target_semaphore(%run_scoped3A : memref<!tpu.dma_semaphore, #tpu.memory_space<semaphore_mem>>)
            %dma_wait3A_81 = tpu.memref_slice %arg5[%add3A_75] : memref<320000xf32, #tpu.memory_space<hbm>> -> memref<80xf32, #tpu.memory_space<hbm>>
            %dma_wait3A_82 = tpu.memref_slice %arg5[%add3A_75] : memref<320000xf32, #tpu.memory_space<hbm>> -> memref<80xf32, #tpu.memory_space<hbm>>
            tpu.wait_dma2 semaphore(%run_scoped3A : memref<!tpu.dma_semaphore, #tpu.memory_space<semaphore_mem>>) src(%dma_wait3A_82 : memref<80xf32, #tpu.memory_space<hbm>>) dst(%arg12 : memref<80xf32, #tpu.memory_space<vmem>>)
            tpu.yield
          }) : () -> ()
          %dma_start3A_76 = arith.constant 0 : i32
          %dma_start3A_77 = arith.constant 0 : i32
          %dma_start3A_78 = tpu.memref_slice %arg2[%dma_start3A_76, %dma_start3A_77] : memref<10000x128xf32, #tpu.memory_space<hbm>> -> memref<10000x128xf32, #tpu.memory_space<hbm>>
          tpu.enqueue_indirect_dma source(%dma_start3A_78 : memref<10000x128xf32, #tpu.memory_space<hbm>>) target(%arg14 : memref<80x128xf32, #tpu.memory_space<vmem>>) offsets(%arg8 : memref<80xi32, #tpu.memory_space<vmem>>) semaphore(%arg17 : memref<!tpu.dma_semaphore, #tpu.memory_space<semaphore_mem>>)
        } else {
        }
        %dma_wait3A = arith.constant 0 : i32
        %dma_wait3A_64 = arith.constant 0 : i32
        %dma_wait3A_65 = tpu.memref_slice %arg2[%dma_wait3A, %dma_wait3A_64] : memref<10000x128xf32, #tpu.memory_space<hbm>> -> memref<10000x128xf32, #tpu.memory_space<hbm>>
        tpu.wait_indirect_dma semaphore(%arg18 : memref<!tpu.dma_semaphore, #tpu.memory_space<semaphore_mem>>) src(%dma_wait3A_65 : memref<10000x128xf32, #tpu.memory_space<hbm>>) dst(%arg15 : memref<80x128xf32, #tpu.memory_space<vmem>>)
        %scan3A_66 = arith.constant 0 : i32
        %scan3A_67 = arith.constant 80 : i32
        %scan3A_68 = arith.addi %scan3A_66, %scan3A_67 : i32
        %scan3A_69 = arith.constant 1 : i32
        scf.for %scan3A_71 = %scan3A_66 to %scan3A_68 step %scan3A_69  : i32 {
          %mul3A_72 = arith.constant 1 : i32
          %mul3A_73 = arith.muli %scan3A_71, %mul3A_72 : i32
          %add3A_74 = arith.constant 0 : i32
          %add3A_75 = arith.addi %add3A_74, %mul3A_73 : i32
          %broadcast_in_dim3A = vector.broadcast %add3A_75 : i32 to vector<16xi32>
          %gather3A = tpu.vector_load_idx %arg13[%broadcast_in_dim3A] : memref<80xf32, #tpu.memory_space<vmem>>[vector<16xi32>], vector<16xf32>,
          %get3A = arith.index_cast %add3A_75 : i32 to index
          %get3A_76 = arith.constant 0 : index
          %get3A_77 = tpu.vector_load %arg15[%get3A, %get3A_76] {strides = array<i32>} : memref<80x128xf32, #tpu.memory_space<vmem>>, vector<16xf32>,
          %mul3A_78 = arith.mulf %get3A_77, %gather3A : vector<16xf32>
          %swap3A = arith.index_cast %add3A_75 : i32 to index
          %swap3A_79 = arith.constant 0 : index
          %swap3A_80 = tpu.vector_load %arg15[%swap3A, %swap3A_79] {strides = array<i32>} : memref<80x128xf32, #tpu.memory_space<vmem>>, vector<16xf32>,
          tpu.vector_store %arg15[%swap3A, %swap3A_79], %mul3A_78 {strides = array<i32>} : memref<80x128xf32, #tpu.memory_space<vmem>>, vector<16xf32>,
          %get3A_81 = arith.index_cast %add3A_75 : i32 to index
          %get3A_82 = arith.constant 16 : index
          %get3A_83 = tpu.vector_load %arg15[%get3A_81, %get3A_82] {strides = array<i32>} : memref<80x128xf32, #tpu.memory_space<vmem>>, vector<16xf32>,
          %mul3A_84 = arith.mulf %get3A_83, %gather3A : vector<16xf32>
          %swap3A_85 = arith.index_cast %add3A_75 : i32 to index
          %swap3A_86 = arith.constant 16 : index
          %swap3A_87 = tpu.vector_load %arg15[%swap3A_85, %swap3A_86] {strides = array<i32>} : memref<80x128xf32, #tpu.memory_space<vmem>>, vector<16xf32>,
          tpu.vector_store %arg15[%swap3A_85, %swap3A_86], %mul3A_84 {strides = array<i32>} : memref<80x128xf32, #tpu.memory_space<vmem>>, vector<16xf32>,
          %get3A_88 = arith.index_cast %add3A_75 : i32 to index
          %get3A_89 = arith.constant 32 : index
          %get3A_90 = tpu.vector_load %arg15[%get3A_88, %get3A_89] {strides = array<i32>} : memref<80x128xf32, #tpu.memory_space<vmem>>, vector<16xf32>,
          %mul3A_91 = arith.mulf %get3A_90, %gather3A : vector<16xf32>
          %swap3A_92 = arith.index_cast %add3A_75 : i32 to index
          %swap3A_93 = arith.constant 32 : index
          %swap3A_94 = tpu.vector_load %arg15[%swap3A_92, %swap3A_93] {strides = array<i32>} : memref<80x128xf32, #tpu.memory_space<vmem>>, vector<16xf32>,
          tpu.vector_store %arg15[%swap3A_92, %swap3A_93], %mul3A_91 {strides = array<i32>} : memref<80x128xf32, #tpu.memory_space<vmem>>, vector<16xf32>,
          %get3A_95 = arith.index_cast %add3A_75 : i32 to index
          %get3A_96 = arith.constant 48 : index
          %get3A_97 = tpu.vector_load %arg15[%get3A_95, %get3A_96] {strides = array<i32>} : memref<80x128xf32, #tpu.memory_space<vmem>>, vector<16xf32>,
          %mul3A_98 = arith.mulf %get3A_97, %gather3A : vector<16xf32>
          %swap3A_99 = arith.index_cast %add3A_75 : i32 to index
          %swap3A_100 = arith.constant 48 : index
          %swap3A_101 = tpu.vector_load %arg15[%swap3A_99, %swap3A_100] {strides = array<i32>} : memref<80x128xf32, #tpu.memory_space<vmem>>, vector<16xf32>,
          tpu.vector_store %arg15[%swap3A_99, %swap3A_100], %mul3A_98 {strides = array<i32>} : memref<80x128xf32, #tpu.memory_space<vmem>>, vector<16xf32>,
          %get3A_102 = arith.index_cast %add3A_75 : i32 to index
          %get3A_103 = arith.constant 64 : index
          %get3A_104 = tpu.vector_load %arg15[%get3A_102, %get3A_103] {strides = array<i32>} : memref<80x128xf32, #tpu.memory_space<vmem>>, vector<16xf32>,
          %mul3A_105 = arith.mulf %get3A_104, %gather3A : vector<16xf32>
          %swap3A_106 = arith.index_cast %add3A_75 : i32 to index
          %swap3A_107 = arith.constant 64 : index
          %swap3A_108 = tpu.vector_load %arg15[%swap3A_106, %swap3A_107] {strides = array<i32>} : memref<80x128xf32, #tpu.memory_space<vmem>>, vector<16xf32>,
          tpu.vector_store %arg15[%swap3A_106, %swap3A_107], %mul3A_105 {strides = array<i32>} : memref<80x128xf32, #tpu.memory_space<vmem>>, vector<16xf32>,
          %get3A_109 = arith.index_cast %add3A_75 : i32 to index
          %get3A_110 = arith.constant 80 : index
          %get3A_111 = tpu.vector_load %arg15[%get3A_109, %get3A_110] {strides = array<i32>} : memref<80x128xf32, #tpu.memory_space<vmem>>, vector<16xf32>,
          %mul3A_112 = arith.mulf %get3A_111, %gather3A : vector<16xf32>
          %swap3A_113 = arith.index_cast %add3A_75 : i32 to index
          %swap3A_114 = arith.constant 80 : index
          %swap3A_115 = tpu.vector_load %arg15[%swap3A_113, %swap3A_114] {strides = array<i32>} : memref<80x128xf32, #tpu.memory_space<vmem>>, vector<16xf32>,
          tpu.vector_store %arg15[%swap3A_113, %swap3A_114], %mul3A_112 {strides = array<i32>} : memref<80x128xf32, #tpu.memory_space<vmem>>, vector<16xf32>,
          %get3A_116 = arith.index_cast %add3A_75 : i32 to index
          %get3A_117 = arith.constant 96 : index
          %get3A_118 = tpu.vector_load %arg15[%get3A_116, %get3A_117] {strides = array<i32>} : memref<80x128xf32, #tpu.memory_space<vmem>>, vector<16xf32>,
          %mul3A_119 = arith.mulf %get3A_118, %gather3A : vector<16xf32>
          %swap3A_120 = arith.index_cast %add3A_75 : i32 to index
          %swap3A_121 = arith.constant 96 : index
          %swap3A_122 = tpu.vector_load %arg15[%swap3A_120, %swap3A_121] {strides = array<i32>} : memref<80x128xf32, #tpu.memory_space<vmem>>, vector<16xf32>,
          tpu.vector_store %arg15[%swap3A_120, %swap3A_121], %mul3A_119 {strides = array<i32>} : memref<80x128xf32, #tpu.memory_space<vmem>>, vector<16xf32>,
          %get3A_123 = arith.index_cast %add3A_75 : i32 to index
          %get3A_124 = arith.constant 112 : index
          %get3A_125 = tpu.vector_load %arg15[%get3A_123, %get3A_124] {strides = array<i32>} : memref<80x128xf32, #tpu.memory_space<vmem>>, vector<16xf32>,
          %mul3A_126 = arith.mulf %get3A_125, %gather3A : vector<16xf32>
          %swap3A_127 = arith.index_cast %add3A_75 : i32 to index
          %swap3A_128 = arith.constant 112 : index
          %swap3A_129 = tpu.vector_load %arg15[%swap3A_127, %swap3A_128] {strides = array<i32>} : memref<80x128xf32, #tpu.memory_space<vmem>>, vector<16xf32>,
          tpu.vector_store %arg15[%swap3A_127, %swap3A_128], %mul3A_126 {strides = array<i32>} : memref<80x128xf32, #tpu.memory_space<vmem>>, vector<16xf32>,
        }
        %scan3A_70 = arith.constant 80 : i32
        "tpu.region"() ({
          %run_scoped3A = tpu.sem_alloc : memref<!tpu.dma_semaphore, #tpu.memory_space<semaphore_mem>>
          %dma_start3A_71 = arith.constant 0 : i32
          %dma_start3A_72 = arith.constant 0 : i32
          %dma_start3A_73 = tpu.memref_slice %arg16[%dma_start3A_71, %dma_start3A_72] : memref<10240x128xf32, #tpu.memory_space<vmem_shared>> -> memref<10240x128xf32, #tpu.memory_space<vmem_shared>>
          tpu.enqueue_indirect_dma source(%arg15 : memref<80x128xf32, #tpu.memory_space<vmem>>) target(%dma_start3A_73 : memref<10240x128xf32, #tpu.memory_space<vmem_shared>>) offsets(%arg11 : memref<80xi32, #tpu.memory_space<vmem>>) semaphore(%run_scoped3A : memref<!tpu.dma_semaphore, #tpu.memory_space<semaphore_mem>>) {add = true}
          %dma_wait3A_74 = arith.constant 0 : i32
          %dma_wait3A_75 = arith.constant 0 : i32
          %dma_wait3A_76 = tpu.memref_slice %arg16[%dma_wait3A_74, %dma_wait3A_75] : memref<10240x128xf32, #tpu.memory_space<vmem_shared>> -> memref<10240x128xf32, #tpu.memory_space<vmem_shared>>
          tpu.wait_indirect_dma semaphore(%run_scoped3A : memref<!tpu.dma_semaphore, #tpu.memory_space<semaphore_mem>>) src(%arg15 : memref<80x128xf32, #tpu.memory_space<vmem>>) dst(%dma_wait3A_76 : memref<10240x128xf32, #tpu.memory_space<vmem_shared>>)
          tpu.yield
        }) : () -> ()
      } else {
      }
    }
    %scan3A_10 = arith.constant 125 : i32
    %barrier3A_11 = arith.constant 0 : index
    tpu.barrier barrier_id(%barrier3A_11)
    %mul3A_12 = arith.constant 640 : i32
    %mul3A_13 = arith.muli %arg1, %mul3A_12 : i32
    %mul3A_14 = arith.constant 10240 : i32
    %mul3A_15 = arith.muli %arg0, %mul3A_14 : i32
    %mul3A_16 = arith.constant 640 : i32
    %mul3A_17 = arith.muli %arg1, %mul3A_16 : i32
    %add3A_18 = arith.addi %mul3A_15, %mul3A_17 : i32
    "tpu.region"() ({
      %run_scoped3A = tpu.sem_alloc : memref<!tpu.dma_semaphore, #tpu.memory_space<semaphore_mem>>
      %dma_start3A_19 = arith.constant 0 : i32
      %dma_start3A_20 = tpu.memref_slice %arg7[%add3A_18, %dma_start3A_19] : memref<20480x128xf32, #tpu.memory_space<hbm>> -> memref<640x128xf32, #tpu.memory_space<hbm>>
      %dma_start3A_21 = arith.constant 0 : i32
      %dma_start3A_22 = tpu.memref_slice %arg16[%mul3A_13, %dma_start3A_21] : memref<10240x128xf32, #tpu.memory_space<vmem_shared>> -> memref<640x128xf32, #tpu.memory_space<vmem_shared>>
      tpu.enqueue_dma source(%dma_start3A_22 : memref<640x128xf32, #tpu.memory_space<vmem_shared>>) target(%dma_start3A_20 : memref<640x128xf32, #tpu.memory_space<hbm>>) target_semaphore(%run_scoped3A : memref<!tpu.dma_semaphore, #tpu.memory_space<semaphore_mem>>)
      %dma_wait3A = arith.constant 0 : i32
      %dma_wait3A_23 = tpu.memref_slice %arg7[%add3A_18, %dma_wait3A] : memref<20480x128xf32, #tpu.memory_space<hbm>> -> memref<640x128xf32, #tpu.memory_space<hbm>>
      %dma_wait3A_24 = arith.constant 0 : i32
      %dma_wait3A_25 = tpu.memref_slice %arg16[%mul3A_13, %dma_wait3A_24] : memref<10240x128xf32, #tpu.memory_space<vmem_shared>> -> memref<640x128xf32, #tpu.memory_space<vmem_shared>>
      tpu.wait_dma2 semaphore(%run_scoped3A : memref<!tpu.dma_semaphore, #tpu.memory_space<semaphore_mem>>) src(%dma_wait3A_25 : memref<640x128xf32, #tpu.memory_space<vmem_shared>>) dst(%dma_wait3A_23 : memref<640x128xf32, #tpu.memory_space<hbm>>)
      tpu.yield
    }) : () -> ()
    return
  }
}

module attributes {stable_mosaic.version = 14 : i64} {
  func.func @_deginv_body(%arg0: memref<160x128xf32, #tpu.memory_space<vmem>>, %arg1: memref<80x128xf32, #tpu.memory_space<vmem>>) attributes {dimension_semantics = [], scalar_prefetch = 0 : i64, scratch_operands = 0 : i64, tpu.core_type = #tpu.core_type<tc>} {
    %get3A = arith.constant 0 : index
    %get3A_0 = arith.constant 0 : index
    %get3A_1 = vector.load %arg0[%get3A, %get3A_0] : memref<160x128xf32, #tpu.memory_space<vmem>>, vector<80x128xf32>
    %get3A_2 = arith.constant 80 : index
    %get3A_3 = arith.constant 0 : index
    %get3A_4 = vector.load %arg0[%get3A_2, %get3A_3] : memref<160x128xf32, #tpu.memory_space<vmem>>, vector<80x128xf32>
    %add3A = arith.addf %get3A_1, %get3A_4 : vector<80x128xf32>
    %add3A_5 = arith.constant 1.000000e+00 : f32
    %add3A_6 = vector.broadcast %add3A_5 : f32 to vector<80x128xf32>
    %add3A_7 = arith.addf %add3A, %add3A_6 : vector<80x128xf32>
    %rsqrt3A = math.rsqrt %add3A_7 : vector<80x128xf32>
    %swap3A = arith.constant 0 : index
    %swap3A_8 = arith.constant 0 : index
    %swap3A_9 = vector.load %arg1[%swap3A, %swap3A_8] : memref<80x128xf32, #tpu.memory_space<vmem>>, vector<80x128xf32>
    tpu.vector_store %arg1[%swap3A, %swap3A_8], %rsqrt3A {strides = array<i32>} : memref<80x128xf32, #tpu.memory_space<vmem>>, vector<80x128xf32>,
    return
  }
}

module attributes {stable_mosaic.version = 14 : i64} {
  func.func @_dense1_body(%arg0: memref<10000x128xf32, #tpu.memory_space<vmem>>, %arg1: memref<128x128xf32, #tpu.memory_space<vmem>>, %arg2: memref<10000x1xf32, #tpu.memory_space<vmem>>, %arg3: memref<10000x128xf32, #tpu.memory_space<vmem>>, %arg4: memref<10000x128xf32, #tpu.memory_space<vmem>>) attributes {dimension_semantics = [], scalar_prefetch = 0 : i64, scratch_operands = 0 : i64, tpu.core_type = #tpu.core_type<tc>} {
    %get3A = arith.constant 0 : index
    %get3A_0 = arith.constant 0 : index
    %get3A_1 = vector.load %arg0[%get3A, %get3A_0] : memref<10000x128xf32, #tpu.memory_space<vmem>>, vector<10000x128xf32>
    %get3A_2 = arith.constant 0 : index
    %get3A_3 = arith.constant 0 : index
    %get3A_4 = vector.load %arg1[%get3A_2, %get3A_3] : memref<128x128xf32, #tpu.memory_space<vmem>>, vector<128x128xf32>
    %dot_general3A = arith.constant dense<0.000000e+00> : vector<10000x128xf32>
    %dot_general3A_5 = tpu.matmul %get3A_1, %get3A_4, %dot_general3A {dimension_numbers = #tpu.dot_dimension_numbers<[1], [0], [0], [1], [0, 0, 1, 1], [], []>, transpose_lhs_hint = false} : vector<10000x128xf32>, vector<128x128xf32>, vector<10000x128xf32> -> vector<10000x128xf32>
    %swap3A = arith.constant 0 : index
    %swap3A_6 = arith.constant 0 : index
    %swap3A_7 = vector.load %arg3[%swap3A, %swap3A_6] : memref<10000x128xf32, #tpu.memory_space<vmem>>, vector<10000x128xf32>
    tpu.vector_store %arg3[%swap3A, %swap3A_6], %dot_general3A_5 {strides = array<i32>} : memref<10000x128xf32, #tpu.memory_space<vmem>>, vector<10000x128xf32>,
    %get3A_8 = arith.constant 0 : index
    %get3A_9 = arith.constant 0 : index
    %get3A_10 = vector.load %arg2[%get3A_8, %get3A_9] : memref<10000x1xf32, #tpu.memory_space<vmem>>, vector<10000x1xf32>
    %mul3A = vector.broadcast %get3A_10 : vector<10000x1xf32> to vector<10000x128xf32>
    %mul3A_11 = arith.mulf %dot_general3A_5, %mul3A : vector<10000x128xf32>
    %swap3A_12 = arith.constant 0 : index
    %swap3A_13 = arith.constant 0 : index
    %swap3A_14 = vector.load %arg4[%swap3A_12, %swap3A_13] : memref<10000x128xf32, #tpu.memory_space<vmem>>, vector<10000x128xf32>
    tpu.vector_store %arg4[%swap3A_12, %swap3A_13], %mul3A_11 {strides = array<i32>} : memref<10000x128xf32, #tpu.memory_space<vmem>>, vector<10000x128xf32>,
    return
  }
}

module attributes {stable_mosaic.version = 14 : i64} {
  func.func @_relu1_body(%arg0: memref<20480x128xf32, #tpu.memory_space<vmem>>, %arg1: memref<10000x128xf32, #tpu.memory_space<vmem>>, %arg2: memref<10000x1xf32, #tpu.memory_space<vmem>>, %arg3: memref<1x128xf32, #tpu.memory_space<vmem>>, %arg4: memref<10000x128xf32, #tpu.memory_space<vmem>>) attributes {dimension_semantics = [], scalar_prefetch = 0 : i64, scratch_operands = 0 : i64, tpu.core_type = #tpu.core_type<tc>} {
    %get3A = arith.constant 0 : index
    %get3A_0 = arith.constant 0 : index
    %get3A_1 = vector.load %arg2[%get3A, %get3A_0] : memref<10000x1xf32, #tpu.memory_space<vmem>>, vector<10000x1xf32>
    %get3A_2 = arith.constant 0 : index
    %get3A_3 = arith.constant 0 : index
    %get3A_4 = vector.load %arg0[%get3A_2, %get3A_3] : memref<20480x128xf32, #tpu.memory_space<vmem>>, vector<10000x128xf32>
    %get3A_5 = arith.constant 10240 : index
    %get3A_6 = arith.constant 0 : index
    %get3A_7 = vector.load %arg0[%get3A_5, %get3A_6] : memref<20480x128xf32, #tpu.memory_space<vmem>>, vector<10000x128xf32>
    %add3A = arith.addf %get3A_4, %get3A_7 : vector<10000x128xf32>
    %mul3A = vector.broadcast %get3A_1 : vector<10000x1xf32> to vector<10000x128xf32>
    %mul3A_8 = arith.mulf %mul3A, %add3A : vector<10000x128xf32>
    %mul3A_9 = arith.mulf %get3A_1, %get3A_1 : vector<10000x1xf32>
    %get3A_10 = arith.constant 0 : index
    %get3A_11 = arith.constant 0 : index
    %get3A_12 = vector.load %arg1[%get3A_10, %get3A_11] : memref<10000x128xf32, #tpu.memory_space<vmem>>, vector<10000x128xf32>
    %mul3A_13 = vector.broadcast %mul3A_9 : vector<10000x1xf32> to vector<10000x128xf32>
    %mul3A_14 = arith.mulf %mul3A_13, %get3A_12 : vector<10000x128xf32>
    %add3A_15 = arith.addf %mul3A_8, %mul3A_14 : vector<10000x128xf32>
    %get3A_16 = arith.constant 0 : index
    %get3A_17 = arith.constant 0 : index
    %get3A_18 = vector.load %arg3[%get3A_16, %get3A_17] : memref<1x128xf32, #tpu.memory_space<vmem>>, vector<1x128xf32>
    %add3A_19 = vector.broadcast %get3A_18 : vector<1x128xf32> to vector<10000x128xf32>
    %add3A_20 = arith.addf %add3A_15, %add3A_19 : vector<10000x128xf32>
    %max3A = arith.constant 0.000000e+00 : f32
    %max3A_21 = vector.broadcast %max3A : f32 to vector<10000x128xf32>
    %max3A_22 = arith.maximumf %add3A_20, %max3A_21 : vector<10000x128xf32>
    %swap3A = arith.constant 0 : index
    %swap3A_23 = arith.constant 0 : index
    %swap3A_24 = vector.load %arg4[%swap3A, %swap3A_23] : memref<10000x128xf32, #tpu.memory_space<vmem>>, vector<10000x128xf32>
    tpu.vector_store %arg4[%swap3A, %swap3A_23], %max3A_22 {strides = array<i32>} : memref<10000x128xf32, #tpu.memory_space<vmem>>, vector<10000x128xf32>,
    return
  }
}

module attributes {stable_mosaic.version = 14 : i64} {
  func.func @_proj2_body(%arg0: memref<10000x128xf32, #tpu.memory_space<vmem>>, %arg1: memref<128x256xf32, #tpu.memory_space<vmem>>, %arg2: memref<10000x128xf32, #tpu.memory_space<vmem>>, %arg3: memref<10000x128xf32, #tpu.memory_space<vmem>>) attributes {dimension_semantics = [], scalar_prefetch = 0 : i64, scratch_operands = 0 : i64, tpu.core_type = #tpu.core_type<tc>} {
    %get3A = arith.constant 0 : index
    %get3A_0 = arith.constant 0 : index
    %get3A_1 = vector.load %arg0[%get3A, %get3A_0] : memref<10000x128xf32, #tpu.memory_space<vmem>>, vector<10000x128xf32>
    %get3A_2 = arith.constant 0 : index
    %get3A_3 = arith.constant 0 : index
    %get3A_4 = vector.load %arg1[%get3A_2, %get3A_3] : memref<128x256xf32, #tpu.memory_space<vmem>>, vector<128x128xf32>
    %dot_general3A = arith.constant dense<0.000000e+00> : vector<10000x128xf32>
    %dot_general3A_5 = tpu.matmul %get3A_1, %get3A_4, %dot_general3A {dimension_numbers = #tpu.dot_dimension_numbers<[1], [0], [0], [1], [0, 0, 1, 1], [], []>, transpose_lhs_hint = false} : vector<10000x128xf32>, vector<128x128xf32>, vector<10000x128xf32> -> vector<10000x128xf32>
    %swap3A = arith.constant 0 : index
    %swap3A_6 = arith.constant 0 : index
    %swap3A_7 = vector.load %arg2[%swap3A, %swap3A_6] : memref<10000x128xf32, #tpu.memory_space<vmem>>, vector<10000x128xf32>
    tpu.vector_store %arg2[%swap3A, %swap3A_6], %dot_general3A_5 {strides = array<i32>} : memref<10000x128xf32, #tpu.memory_space<vmem>>, vector<10000x128xf32>,
    %get3A_8 = arith.constant 0 : index
    %get3A_9 = arith.constant 128 : index
    %get3A_10 = vector.load %arg1[%get3A_8, %get3A_9] : memref<128x256xf32, #tpu.memory_space<vmem>>, vector<128x128xf32>
    %dot_general3A_11 = arith.constant dense<0.000000e+00> : vector<10000x128xf32>
    %dot_general3A_12 = tpu.matmul %get3A_1, %get3A_10, %dot_general3A_11 {dimension_numbers = #tpu.dot_dimension_numbers<[1], [0], [0], [1], [0, 0, 1, 1], [], []>, transpose_lhs_hint = false} : vector<10000x128xf32>, vector<128x128xf32>, vector<10000x128xf32> -> vector<10000x128xf32>
    %swap3A_13 = arith.constant 0 : index
    %swap3A_14 = arith.constant 0 : index
    %swap3A_15 = vector.load %arg3[%swap3A_13, %swap3A_14] : memref<10000x128xf32, #tpu.memory_space<vmem>>, vector<10000x128xf32>
    tpu.vector_store %arg3[%swap3A_13, %swap3A_14], %dot_general3A_12 {strides = array<i32>} : memref<10000x128xf32, #tpu.memory_space<vmem>>, vector<10000x128xf32>,
    return
  }
}

module attributes {stable_mosaic.version = 14 : i64} {
  func.func @_attproj_body(%arg0: memref<10000x128xf32, #tpu.memory_space<vmem>>, %arg1: memref<10000x128xf32, #tpu.memory_space<vmem>>, %arg2: memref<2x128xf32, #tpu.memory_space<vmem>>, %arg3: memref<2x128xf32, #tpu.memory_space<vmem>>, %arg4: memref<10000x1xf32, #tpu.memory_space<vmem>>, %arg5: memref<10000x1xf32, #tpu.memory_space<vmem>>, %arg6: memref<10000x1xf32, #tpu.memory_space<vmem>>, %arg7: memref<10000x1xf32, #tpu.memory_space<vmem>>, %arg8: memref<8x128xf32, #tpu.memory_space<vmem>>, %arg9: memref<8x128xf32, #tpu.memory_space<vmem>>) attributes {dimension_semantics = [], scalar_prefetch = 0 : i64, scratch_operands = 0 : i64, tpu.core_type = #tpu.core_type<tc>} {
    %get3A = arith.constant 0 : index
    %get3A_0 = arith.constant 0 : index
    %get3A_1 = vector.load %arg0[%get3A, %get3A_0] : memref<10000x128xf32, #tpu.memory_space<vmem>>, vector<10000x128xf32>
    %get3A_2 = arith.constant 0 : index
    %get3A_3 = arith.constant 0 : index
    %get3A_4 = vector.load %arg1[%get3A_2, %get3A_3] : memref<10000x128xf32, #tpu.memory_space<vmem>>, vector<10000x128xf32>
    %get3A_5 = arith.constant 0 : index
    %get3A_6 = arith.constant 0 : index
    %get3A_7 = vector.load %arg2[%get3A_5, %get3A_6] : memref<2x128xf32, #tpu.memory_space<vmem>>, vector<1x128xf32>
    %mul3A = vector.broadcast %get3A_7 : vector<1x128xf32> to vector<10000x128xf32>
    %mul3A_8 = arith.mulf %get3A_1, %mul3A : vector<10000x128xf32>
    %reduce_sum3A = arith.constant dense<0.000000e+00> : vector<10000xf32>
    %reduce_sum3A_9 = vector.multi_reduction <add>, %mul3A_8, %reduce_sum3A [1] : vector<10000x128xf32> to vector<10000xf32>
    %broadcast_in_dim3A = vector.shape_cast %reduce_sum3A_9 : vector<10000xf32> to vector<10000x1xf32>
    %get3A_10 = arith.constant 1 : index
    %get3A_11 = arith.constant 0 : index
    %get3A_12 = vector.load %arg2[%get3A_10, %get3A_11] : memref<2x128xf32, #tpu.memory_space<vmem>>, vector<1x128xf32>
    %mul3A_13 = vector.broadcast %get3A_12 : vector<1x128xf32> to vector<10000x128xf32>
    %mul3A_14 = arith.mulf %get3A_4, %mul3A_13 : vector<10000x128xf32>
    %reduce_sum3A_15 = arith.constant dense<0.000000e+00> : vector<10000xf32>
    %reduce_sum3A_16 = vector.multi_reduction <add>, %mul3A_14, %reduce_sum3A_15 [1] : vector<10000x128xf32> to vector<10000xf32>
    %broadcast_in_dim3A_17 = vector.shape_cast %reduce_sum3A_16 : vector<10000xf32> to vector<10000x1xf32>
    %get3A_18 = arith.constant 0 : index
    %get3A_19 = arith.constant 0 : index
    %get3A_20 = vector.load %arg3[%get3A_18, %get3A_19] : memref<2x128xf32, #tpu.memory_space<vmem>>, vector<1x128xf32>
    %mul3A_21 = vector.broadcast %get3A_20 : vector<1x128xf32> to vector<10000x128xf32>
    %mul3A_22 = arith.mulf %get3A_1, %mul3A_21 : vector<10000x128xf32>
    %reduce_sum3A_23 = arith.constant dense<0.000000e+00> : vector<10000xf32>
    %reduce_sum3A_24 = vector.multi_reduction <add>, %mul3A_22, %reduce_sum3A_23 [1] : vector<10000x128xf32> to vector<10000xf32>
    %broadcast_in_dim3A_25 = vector.shape_cast %reduce_sum3A_24 : vector<10000xf32> to vector<10000x1xf32>
    %get3A_26 = arith.constant 1 : index
    %get3A_27 = arith.constant 0 : index
    %get3A_28 = vector.load %arg3[%get3A_26, %get3A_27] : memref<2x128xf32, #tpu.memory_space<vmem>>, vector<1x128xf32>
    %mul3A_29 = vector.broadcast %get3A_28 : vector<1x128xf32> to vector<10000x128xf32>
    %mul3A_30 = arith.mulf %get3A_4, %mul3A_29 : vector<10000x128xf32>
    %reduce_sum3A_31 = arith.constant dense<0.000000e+00> : vector<10000xf32>
    %reduce_sum3A_32 = vector.multi_reduction <add>, %mul3A_30, %reduce_sum3A_31 [1] : vector<10000x128xf32> to vector<10000xf32>
    %broadcast_in_dim3A_33 = vector.shape_cast %reduce_sum3A_32 : vector<10000xf32> to vector<10000x1xf32>
    %swap3A = arith.constant 0 : index
    %swap3A_34 = arith.constant 0 : index
    %swap3A_35 = vector.load %arg4[%swap3A, %swap3A_34] : memref<10000x1xf32, #tpu.memory_space<vmem>>, vector<10000x1xf32>
    tpu.vector_store %arg4[%swap3A, %swap3A_34], %broadcast_in_dim3A {strides = array<i32>} : memref<10000x1xf32, #tpu.memory_space<vmem>>, vector<10000x1xf32>,
    %swap3A_36 = arith.constant 0 : index
    %swap3A_37 = arith.constant 0 : index
    %swap3A_38 = vector.load %arg5[%swap3A_36, %swap3A_37] : memref<10000x1xf32, #tpu.memory_space<vmem>>, vector<10000x1xf32>
    tpu.vector_store %arg5[%swap3A_36, %swap3A_37], %broadcast_in_dim3A_17 {strides = array<i32>} : memref<10000x1xf32, #tpu.memory_space<vmem>>, vector<10000x1xf32>,
    %swap3A_39 = arith.constant 0 : index
    %swap3A_40 = arith.constant 0 : index
    %swap3A_41 = vector.load %arg6[%swap3A_39, %swap3A_40] : memref<10000x1xf32, #tpu.memory_space<vmem>>, vector<10000x1xf32>
    tpu.vector_store %arg6[%swap3A_39, %swap3A_40], %broadcast_in_dim3A_25 {strides = array<i32>} : memref<10000x1xf32, #tpu.memory_space<vmem>>, vector<10000x1xf32>,
    %swap3A_42 = arith.constant 0 : index
    %swap3A_43 = arith.constant 0 : index
    %swap3A_44 = vector.load %arg7[%swap3A_42, %swap3A_43] : memref<10000x1xf32, #tpu.memory_space<vmem>>, vector<10000x1xf32>
    tpu.vector_store %arg7[%swap3A_42, %swap3A_43], %broadcast_in_dim3A_33 {strides = array<i32>} : memref<10000x1xf32, #tpu.memory_space<vmem>>, vector<10000x1xf32>,
    %reduce_max3A = vector.shape_cast %broadcast_in_dim3A : vector<10000x1xf32> to vector<1x10000x1xf32>
    %reduce_max3A_45 = arith.constant dense<0xFF800000> : vector<1xf32>
    %reduce_max3A_46 = vector.multi_reduction <maximumf>, %reduce_max3A, %reduce_max3A_45 [1, 2] : vector<1x10000x1xf32> to vector<1xf32>
    %reduce_max3A_47 = vector.shape_cast %reduce_max3A_46 : vector<1xf32> to vector<1x1x1xf32>
    %reduce_max3A_48 = vector.extract %reduce_max3A_47[0, 0, 0] : f32 from vector<1x1x1xf32>
    %reduce_max3A_49 = vector.shape_cast %broadcast_in_dim3A_25 : vector<10000x1xf32> to vector<1x10000x1xf32>
    %reduce_max3A_50 = arith.constant dense<0xFF800000> : vector<1xf32>
    %reduce_max3A_51 = vector.multi_reduction <maximumf>, %reduce_max3A_49, %reduce_max3A_50 [1, 2] : vector<1x10000x1xf32> to vector<1xf32>
    %reduce_max3A_52 = vector.shape_cast %reduce_max3A_51 : vector<1xf32> to vector<1x1x1xf32>
    %reduce_max3A_53 = vector.extract %reduce_max3A_52[0, 0, 0] : f32 from vector<1x1x1xf32>
    %add3A = arith.addf %reduce_max3A_48, %reduce_max3A_53 : f32
    %reduce_max3A_54 = vector.shape_cast %broadcast_in_dim3A_17 : vector<10000x1xf32> to vector<1x10000x1xf32>
    %reduce_max3A_55 = arith.constant dense<0xFF800000> : vector<1xf32>
    %reduce_max3A_56 = vector.multi_reduction <maximumf>, %reduce_max3A_54, %reduce_max3A_55 [1, 2] : vector<1x10000x1xf32> to vector<1xf32>
    %reduce_max3A_57 = vector.shape_cast %reduce_max3A_56 : vector<1xf32> to vector<1x1x1xf32>
    %reduce_max3A_58 = vector.extract %reduce_max3A_57[0, 0, 0] : f32 from vector<1x1x1xf32>
    %reduce_max3A_59 = vector.shape_cast %broadcast_in_dim3A_33 : vector<10000x1xf32> to vector<1x10000x1xf32>
    %reduce_max3A_60 = arith.constant dense<0xFF800000> : vector<1xf32>
    %reduce_max3A_61 = vector.multi_reduction <maximumf>, %reduce_max3A_59, %reduce_max3A_60 [1, 2] : vector<1x10000x1xf32> to vector<1xf32>
    %reduce_max3A_62 = vector.shape_cast %reduce_max3A_61 : vector<1xf32> to vector<1x1x1xf32>
    %reduce_max3A_63 = vector.extract %reduce_max3A_62[0, 0, 0] : f32 from vector<1x1x1xf32>
    %add3A_64 = arith.addf %reduce_max3A_58, %reduce_max3A_63 : f32
    %gt3A = arith.constant 0.000000e+00 : f32
    %gt3A_65 = arith.cmpf ogt, %add3A, %gt3A : f32
    %mul3A_66 = arith.constant 2.000000e-01 : f32
    %mul3A_67 = arith.mulf %mul3A_66, %add3A : f32
    %select_n3A = arith.select %gt3A_65, %add3A, %mul3A_67 : f32
    %gt3A_68 = arith.constant 0.000000e+00 : f32
    %gt3A_69 = arith.cmpf ogt, %add3A_64, %gt3A_68 : f32
    %mul3A_70 = arith.constant 2.000000e-01 : f32
    %mul3A_71 = arith.mulf %mul3A_70, %add3A_64 : f32
    %select_n3A_72 = arith.select %gt3A_69, %add3A_64, %mul3A_71 : f32
    %broadcast_in_dim3A_73 = vector.broadcast %select_n3A : f32 to vector<8x128xf32>
    %swap3A_74 = arith.constant 0 : index
    %swap3A_75 = arith.constant 0 : index
    %swap3A_76 = vector.load %arg8[%swap3A_74, %swap3A_75] : memref<8x128xf32, #tpu.memory_space<vmem>>, vector<8x128xf32>
    tpu.vector_store %arg8[%swap3A_74, %swap3A_75], %broadcast_in_dim3A_73 {strides = array<i32>} : memref<8x128xf32, #tpu.memory_space<vmem>>, vector<8x128xf32>,
    %broadcast_in_dim3A_77 = vector.broadcast %select_n3A_72 : f32 to vector<8x128xf32>
    %swap3A_78 = arith.constant 0 : index
    %swap3A_79 = arith.constant 0 : index
    %swap3A_80 = vector.load %arg9[%swap3A_78, %swap3A_79] : memref<8x128xf32, #tpu.memory_space<vmem>>, vector<8x128xf32>
    tpu.vector_store %arg9[%swap3A_78, %swap3A_79], %broadcast_in_dim3A_77 {strides = array<i32>} : memref<8x128xf32, #tpu.memory_space<vmem>>, vector<8x128xf32>,
    return
  }
}

module attributes {stable_mosaic.version = 14 : i64} {
  func.func @_dense3_body(%arg0: memref<160x128xf32, #tpu.memory_space<vmem>>, %arg1: memref<160x128xf32, #tpu.memory_space<vmem>>, %arg2: memref<80x128xf32, #tpu.memory_space<vmem>>, %arg3: memref<80x128xf32, #tpu.memory_space<vmem>>, %arg4: memref<80x128xf32, #tpu.memory_space<vmem>>, %arg5: memref<80x128xf32, #tpu.memory_space<vmem>>, %arg6: memref<1x1xf32, #tpu.memory_space<vmem>>, %arg7: memref<1x1xf32, #tpu.memory_space<vmem>>, %arg8: memref<80x128xf32, #tpu.memory_space<vmem>>, %arg9: memref<80x128xf32, #tpu.memory_space<vmem>>, %arg10: memref<80x128xf32, #tpu.memory_space<vmem>>, %arg11: memref<80x128xf32, #tpu.memory_space<vmem>>) attributes {dimension_semantics = [], scalar_prefetch = 0 : i64, scratch_operands = 0 : i64, tpu.core_type = #tpu.core_type<tc>} {
    %get3A = arith.constant 0 : index
    %get3A_0 = arith.constant 0 : index
    %get3A_1 = vector.load %arg6[%get3A, %get3A_0] : memref<1x1xf32, #tpu.memory_space<vmem>>, vector<1x1xf32>
    %get3A_2 = arith.constant 0 : index
    %get3A_3 = arith.constant 0 : index
    %get3A_4 = vector.load %arg7[%get3A_2, %get3A_3] : memref<1x1xf32, #tpu.memory_space<vmem>>, vector<1x1xf32>
    %get3A_5 = arith.constant 0 : index
    %get3A_6 = arith.constant 0 : index
    %get3A_7 = vector.load %arg2[%get3A_5, %get3A_6] : memref<80x128xf32, #tpu.memory_space<vmem>>, vector<80x128xf32>
    %get3A_8 = arith.constant 0 : index
    %get3A_9 = arith.constant 0 : index
    %get3A_10 = vector.load %arg4[%get3A_8, %get3A_9] : memref<80x128xf32, #tpu.memory_space<vmem>>, vector<80x128xf32>
    %add3A = arith.addf %get3A_7, %get3A_10 : vector<80x128xf32>
    %gt3A = arith.constant 0.000000e+00 : f32
    %gt3A_11 = vector.broadcast %gt3A : f32 to vector<80x128xf32>
    %gt3A_12 = arith.cmpf ogt, %add3A, %gt3A_11 : vector<80x128xf32>
    %mul3A = arith.constant 2.000000e-01 : f32
    %mul3A_13 = vector.broadcast %mul3A : f32 to vector<80x128xf32>
    %mul3A_14 = arith.mulf %mul3A_13, %add3A : vector<80x128xf32>
    %select_n3A = arith.select %gt3A_12, %add3A, %mul3A_14 : vector<80x128xi1>, vector<80x128xf32>
    %sub3A = vector.broadcast %get3A_1 : vector<1x1xf32> to vector<80x128xf32>
    %sub3A_15 = arith.subf %select_n3A, %sub3A : vector<80x128xf32>
    %exp3A = math.exp %sub3A_15 : vector<80x128xf32>
    %get3A_16 = arith.constant 0 : index
    %get3A_17 = arith.constant 0 : index
    %get3A_18 = vector.load %arg3[%get3A_16, %get3A_17] : memref<80x128xf32, #tpu.memory_space<vmem>>, vector<80x128xf32>
    %get3A_19 = arith.constant 0 : index
    %get3A_20 = arith.constant 0 : index
    %get3A_21 = vector.load %arg5[%get3A_19, %get3A_20] : memref<80x128xf32, #tpu.memory_space<vmem>>, vector<80x128xf32>
    %add3A_22 = arith.addf %get3A_18, %get3A_21 : vector<80x128xf32>
    %gt3A_23 = arith.constant 0.000000e+00 : f32
    %gt3A_24 = vector.broadcast %gt3A_23 : f32 to vector<80x128xf32>
    %gt3A_25 = arith.cmpf ogt, %add3A_22, %gt3A_24 : vector<80x128xf32>
    %mul3A_26 = arith.constant 2.000000e-01 : f32
    %mul3A_27 = vector.broadcast %mul3A_26 : f32 to vector<80x128xf32>
    %mul3A_28 = arith.mulf %mul3A_27, %add3A_22 : vector<80x128xf32>
    %select_n3A_29 = arith.select %gt3A_25, %add3A_22, %mul3A_28 : vector<80x128xi1>, vector<80x128xf32>
    %sub3A_30 = vector.broadcast %get3A_4 : vector<1x1xf32> to vector<80x128xf32>
    %sub3A_31 = arith.subf %select_n3A_29, %sub3A_30 : vector<80x128xf32>
    %exp3A_32 = math.exp %sub3A_31 : vector<80x128xf32>
    %get3A_33 = arith.constant 0 : index
    %get3A_34 = arith.constant 0 : index
    %get3A_35 = vector.load %arg0[%get3A_33, %get3A_34] : memref<160x128xf32, #tpu.memory_space<vmem>>, vector<80x128xf32>
    %get3A_36 = arith.constant 80 : index
    %get3A_37 = arith.constant 0 : index
    %get3A_38 = vector.load %arg0[%get3A_36, %get3A_37] : memref<160x128xf32, #tpu.memory_space<vmem>>, vector<80x128xf32>
    %add3A_39 = arith.addf %get3A_35, %get3A_38 : vector<80x128xf32>
    %add3A_40 = arith.addf %add3A_39, %exp3A : vector<80x128xf32>
    %get3A_41 = arith.constant 0 : index
    %get3A_42 = arith.constant 0 : index
    %get3A_43 = vector.load %arg1[%get3A_41, %get3A_42] : memref<160x128xf32, #tpu.memory_space<vmem>>, vector<80x128xf32>
    %get3A_44 = arith.constant 80 : index
    %get3A_45 = arith.constant 0 : index
    %get3A_46 = vector.load %arg1[%get3A_44, %get3A_45] : memref<160x128xf32, #tpu.memory_space<vmem>>, vector<80x128xf32>
    %add3A_47 = arith.addf %get3A_43, %get3A_46 : vector<80x128xf32>
    %add3A_48 = arith.addf %add3A_47, %exp3A_32 : vector<80x128xf32>
    %log3A = math.log %add3A_40 : vector<80x128xf32>
    %add3A_49 = vector.broadcast %get3A_1 : vector<1x1xf32> to vector<80x128xf32>
    %add3A_50 = arith.addf %add3A_49, %log3A : vector<80x128xf32>
    %swap3A = arith.constant 0 : index
    %swap3A_51 = arith.constant 0 : index
    %swap3A_52 = vector.load %arg8[%swap3A, %swap3A_51] : memref<80x128xf32, #tpu.memory_space<vmem>>, vector<80x128xf32>
    tpu.vector_store %arg8[%swap3A, %swap3A_51], %add3A_50 {strides = array<i32>} : memref<80x128xf32, #tpu.memory_space<vmem>>, vector<80x128xf32>,
    %log3A_53 = math.log %add3A_48 : vector<80x128xf32>
    %add3A_54 = vector.broadcast %get3A_4 : vector<1x1xf32> to vector<80x128xf32>
    %add3A_55 = arith.addf %add3A_54, %log3A_53 : vector<80x128xf32>
    %swap3A_56 = arith.constant 0 : index
    %swap3A_57 = arith.constant 0 : index
    %swap3A_58 = vector.load %arg9[%swap3A_56, %swap3A_57] : memref<80x128xf32, #tpu.memory_space<vmem>>, vector<80x128xf32>
    tpu.vector_store %arg9[%swap3A_56, %swap3A_57], %add3A_55 {strides = array<i32>} : memref<80x128xf32, #tpu.memory_space<vmem>>, vector<80x128xf32>,
    %div3A = arith.divf %exp3A, %add3A_40 : vector<80x128xf32>
    %swap3A_59 = arith.constant 0 : index
    %swap3A_60 = arith.constant 0 : index
    %swap3A_61 = vector.load %arg10[%swap3A_59, %swap3A_60] : memref<80x128xf32, #tpu.memory_space<vmem>>, vector<80x128xf32>
    tpu.vector_store %arg10[%swap3A_59, %swap3A_60], %div3A {strides = array<i32>} : memref<80x128xf32, #tpu.memory_space<vmem>>, vector<80x128xf32>,
    %div3A_62 = arith.divf %exp3A_32, %add3A_48 : vector<80x128xf32>
    %swap3A_63 = arith.constant 0 : index
    %swap3A_64 = arith.constant 0 : index
    %swap3A_65 = vector.load %arg11[%swap3A_63, %swap3A_64] : memref<80x128xf32, #tpu.memory_space<vmem>>, vector<80x128xf32>
    tpu.vector_store %arg11[%swap3A_63, %swap3A_64], %div3A_62 {strides = array<i32>} : memref<80x128xf32, #tpu.memory_space<vmem>>, vector<80x128xf32>,
    return
  }
}

module attributes {stable_mosaic.version = 14 : i64} {
  func.func @_final_body(%arg0: memref<20480x128xf32, #tpu.memory_space<vmem>>, %arg1: memref<10000x128xf32, #tpu.memory_space<vmem>>, %arg2: memref<10000x128xf32, #tpu.memory_space<vmem>>, %arg3: memref<10000x1xf32, #tpu.memory_space<vmem>>, %arg4: memref<10000x1xf32, #tpu.memory_space<vmem>>, %arg5: memref<1x128xf32, #tpu.memory_space<vmem>>, %arg6: memref<10000x128xf32, #tpu.memory_space<vmem>>) attributes {dimension_semantics = [], scalar_prefetch = 0 : i64, scratch_operands = 0 : i64, tpu.core_type = #tpu.core_type<tc>} {
    %get3A = arith.constant 0 : index
    %get3A_0 = arith.constant 0 : index
    %get3A_1 = vector.load %arg0[%get3A, %get3A_0] : memref<20480x128xf32, #tpu.memory_space<vmem>>, vector<10000x128xf32>
    %get3A_2 = arith.constant 10240 : index
    %get3A_3 = arith.constant 0 : index
    %get3A_4 = vector.load %arg0[%get3A_2, %get3A_3] : memref<20480x128xf32, #tpu.memory_space<vmem>>, vector<10000x128xf32>
    %add3A = arith.addf %get3A_1, %get3A_4 : vector<10000x128xf32>
    %get3A_5 = arith.constant 0 : index
    %get3A_6 = arith.constant 0 : index
    %get3A_7 = vector.load %arg3[%get3A_5, %get3A_6] : memref<10000x1xf32, #tpu.memory_space<vmem>>, vector<10000x1xf32>
    %get3A_8 = arith.constant 0 : index
    %get3A_9 = arith.constant 0 : index
    %get3A_10 = vector.load %arg1[%get3A_8, %get3A_9] : memref<10000x128xf32, #tpu.memory_space<vmem>>, vector<10000x128xf32>
    %mul3A = vector.broadcast %get3A_7 : vector<10000x1xf32> to vector<10000x128xf32>
    %mul3A_11 = arith.mulf %mul3A, %get3A_10 : vector<10000x128xf32>
    %add3A_12 = arith.addf %add3A, %mul3A_11 : vector<10000x128xf32>
    %get3A_13 = arith.constant 0 : index
    %get3A_14 = arith.constant 0 : index
    %get3A_15 = vector.load %arg4[%get3A_13, %get3A_14] : memref<10000x1xf32, #tpu.memory_space<vmem>>, vector<10000x1xf32>
    %get3A_16 = arith.constant 0 : index
    %get3A_17 = arith.constant 0 : index
    %get3A_18 = vector.load %arg2[%get3A_16, %get3A_17] : memref<10000x128xf32, #tpu.memory_space<vmem>>, vector<10000x128xf32>
    %mul3A_19 = vector.broadcast %get3A_15 : vector<10000x1xf32> to vector<10000x128xf32>
    %mul3A_20 = arith.mulf %mul3A_19, %get3A_18 : vector<10000x128xf32>
    %add3A_21 = arith.addf %add3A_12, %mul3A_20 : vector<10000x128xf32>
    %mul3A_22 = arith.constant 5.000000e-01 : f32
    %mul3A_23 = vector.broadcast %mul3A_22 : f32 to vector<10000x128xf32>
    %mul3A_24 = arith.mulf %mul3A_23, %add3A_21 : vector<10000x128xf32>
    %get3A_25 = arith.constant 0 : index
    %get3A_26 = arith.constant 0 : index
    %get3A_27 = vector.load %arg5[%get3A_25, %get3A_26] : memref<1x128xf32, #tpu.memory_space<vmem>>, vector<1x128xf32>
    %add3A_28 = vector.broadcast %get3A_27 : vector<1x128xf32> to vector<10000x128xf32>
    %add3A_29 = arith.addf %mul3A_24, %add3A_28 : vector<10000x128xf32>
    %max3A = arith.constant 0.000000e+00 : f32
    %max3A_30 = vector.broadcast %max3A : f32 to vector<10000x128xf32>
    %max3A_31 = arith.maximumf %add3A_29, %max3A_30 : vector<10000x128xf32>
    %swap3A = arith.constant 0 : index
    %swap3A_32 = arith.constant 0 : index
    %swap3A_33 = vector.load %arg6[%swap3A, %swap3A_32] : memref<10000x128xf32, #tpu.memory_space<vmem>>, vector<10000x128xf32>
    tpu.vector_store %arg6[%swap3A, %swap3A_32], %max3A_31 {strides = array<i32>} : memref<10000x128xf32, #tpu.memory_space<vmem>>, vector<10000x128xf32>,
    return
  }
}

</mosaic_0001>

<sc_bundles>
// kernel: kernel.13.cloned.1.call-start
scs
__scs_entry_jumppad:
0x0: {  	(pc) =	sbr.rel $0x88, $3  }
0x1: {  	(tag) =	ssettag $0x0;
	lr =	simm.s32 $0x1  }
0x2: {  	[smem:$0x3F98] =	sst lr;
	_ =	strace $0xD0000000  }
0x3: {  	_ = 	snop  }
0x4: {  	_ = 	snop  }
0x5: {  	_ = 	snop  }
0x6: {  	_ = 	snop  }
0x7: {  	_ = 	snop  }
__scs_overlays_trampoline_lowered:
0x8: {  	[smem:$0x3FA7] =	sst s0  }
0x9: {  	[smem:$0x3FA8] =	sst s1  }
0xa: {  	[smem:$0x3FA9] =	sst s2  }
0xb: {  	[smem:$0x3FAA] =	sst s3  }
0xc: {  	[smem:$0x3FAB] =	sst s4  }
0xd: {  	[smem:$0x3FAC] =	sst s5  }
0xe: {  	[smem:$0x3FAD] =	sst s6  }
0xf: {  	[smem:$0x3FAE] =	sst s7  }
0x10: {  	[smem:$0x3FAF] =	sst s8  }
0x11: {  	[smem:$0x3FB0] =	sst s9;
	s0 =	simm.s32 @!p0 $0x0  }
0x12: {  	s1 =	sld [smem:$0x3F96];
	s0 =	simm.s32 @p0 $0x1  }
0x13: {  	[smem:$0x3FB1] =	sst s0;
	s0 =	simm.s32 @!p1 $0x0  }
0x14: {  	s2 =	sld [smem:$0x3F95];
	s0 =	simm.s32 @p1 $0x1  }
0x15: {  	[smem:$0x3FB2] =	sst s0;
	s0 =	simm.s32 @!p2 $0x0  }
0x16: {  	s3 =	sld [smem:$0x3FDB];
	s0 =	simm.s32 @p2 $0x1  }
0x17: {  	s4 =	simm.s32 $0x1BF5;
	[smem:$0x3FB4] =	sst s0  }
0x18: {  	s0 =	sld [smem:$0x3F97];
	_ =	swait.ge [sflag:s4], $0x0  }
0x19: {  	s7 =	sld [smem:$0x3F98]  }
0x1a: {  	s8 =	sadd.s32 $0xFFFFE003, lr  }
0x1b: {  	s9 =	sadd.s32 $0xFFFFFEF7, lr;
	s5 =	simm.s32 $0xFFFFFFFF;
	p2 =	slt.u32 s8, $0xFFFFF086  }
0x1c: {  	p1 =	slt.u32 s9, $0xF7A;
	s5 =	simm.s32 @!p2 $0x0  }
0x1d: {  	s5 =	simm.s32 @p1 $0x1;
	p0 =	seq.s32 s7, s2  }
0x1e: {  	s7 =	smul.u32 @!p0 $0xF7A, s2;
	p2 =	seq.s32 @!p0 s5, $0x0  }
0x1f: {  	s9 =	smul.u32 $0xF7A, s1;
	s8 =	simm.s32 @!p0 $0x1BF5;
	p2 =	por !p2, p0  }
0x20: {  	[sflag:s8] =	ssyncset.s32 @!p0 $0xFFFFF086;
	s6 =	sadd.s32 @!p0 s3, s7;
	s7 =	simm.s32 @!p0 $0x108  }
0x21: {  	s3 =	sadd.s32 s3, s9;
	s6 =	sadd.s32 @!p0 $0x88, s6;
	s7 =	simm.s32 @p2 $0x1082  }
0x22: {  	[simem:s7], [sflag:s8] =	dma.local @!p0 [hbm:s6], $0xF7A  }
0x23: {  	s9 =	sor.u32 $0xD0000000, s2;
	s6 =	simm.s32 $0x108;
	_ =	swait.ge @!p0 [sflag:s8], $0x0  }
0x24: {  	s3 =	sadd.s32 $0x88, s3;
	s6 =	simm.s32 @!p1 $0x1082;
	[sflag:s4] =	ssyncset.s32 $0xFFFFF086  }
0x25: {  	[simem:s6], [sflag:s4] =	dma.local [hbm:s3], $0xF7A  }
0x26: {  	[smem:$0x3F98] =	sst s1;
	(tag) =	ssettag s2;
	_ =	strace s9  }
0x27: {  	s1 =	sld [smem:$0x3FA8]  }
0x28: {  	s2 =	sld [smem:$0x3FA9]  }
0x29: {  	s4 =	sld [smem:$0x3FAB]  }
0x2a: {  	p0 =	seq.s32 s5, $0x0;
	s5 =	sld [smem:$0x3FAC]  }
0x2b: {  	s6 =	sld [smem:$0x3FAD]  }
0x2c: {  	s7 =	sld [smem:$0x3FAE]  }
0x2d: {  	s3 =	simm.s32 $0x108;
	s8 =	sld [smem:$0x3FAF]  }
0x2e: {  	s3 =	simm.s32 @!p0 $0x1082;
	s9 =	sld [smem:$0x3FB0]  }
0x2f: {  	lr =	sadd.s32 s0, s3;
	s0 =	sld [smem:$0x3FA7]  }
0x30: {  	s3 =	sld [smem:$0x3FAA]  }
0x31: {  	[smem:$0x3FB3] =	sst s10  }
0x32: {  	s10 =	sld [smem:$0x3FB1];
	_ =	sdelay $0x3  }
0x33: {  	p0 =	seq.s32 s10, $0x1;
	s10 =	sld [smem:$0x3FB3];
	_ =	sdelay $0x3  }
0x34: {  	[smem:$0x3FB3] =	sst s10  }
0x35: {  	s10 =	sld [smem:$0x3FB2];
	_ =	sdelay $0x3  }
0x36: {  	p1 =	seq.s32 s10, $0x1;
	s10 =	sld [smem:$0x3FB3];
	_ =	sdelay $0x3  }
0x37: {  	[smem:$0x3FB3] =	sst s10  }
0x38: {  	s10 =	sld [smem:$0x3FB4]  }
0x39: {  	_ = 	snop;
	(pc) =	sbr.ind lr, $3  }
0x3a: {  	_ = 	snop  }
0x3b: {  	_ = 	snop  }
0x3c: {  	p2 =	seq.s32 s10, $0x1;
	s10 =	sld [smem:$0x3FB3]  }
0x3d: {  	_ =	shalt  }
0x3e: {  	_ =	shalt  }
0x3f: {  	_ =	shalt  }
0x40: {  	_ =	shalt  }
0x41: {  	_ =	shalt  }
0x42: {  	_ =	shalt  }
0x43: {  	_ =	shalt  }
0x44: {  	_ =	shalt  }
0x45: {  	_ =	shalt  }
0x46: {  	_ =	shalt  }
0x47: {  	_ =	shalt  }
0x48: {  	_ =	shalt  }
0x49: {  	_ =	shalt  }
0x4a: {  	_ =	shalt  }
0x4b: {  	_ =	shalt  }
0x4c: {  	_ =	shalt  }
0x4d: {  	_ =	shalt  }
0x4e: {  	_ =	shalt  }
0x4f: {  	_ =	shalt  }
0x50: {  	_ =	shalt  }
0x51: {  	_ =	shalt  }
0x52: {  	_ =	shalt  }
0x53: {  	_ =	shalt  }
0x54: {  	_ =	shalt  }
0x55: {  	_ =	shalt  }
0x56: {  	_ =	shalt  }
0x57: {  	_ =	shalt  }
0x58: {  	_ =	shalt  }
0x59: {  	_ =	shalt  }
0x5a: {  	_ =	shalt  }
0x5b: {  	_ =	shalt  }
0x5c: {  	_ =	shalt  }
0x5d: {  	_ =	shalt  }
0x5e: {  	_ =	shalt  }
0x5f: {  	_ =	shalt  }
0x60: {  	_ =	shalt  }
0x61: {  	_ =	shalt  }
0x62: {  	_ =	shalt  }
0x63: {  	_ =	shalt  }
0x64: {  	_ =	shalt  }
0x65: {  	_ =	shalt  }
0x66: {  	_ =	shalt  }
0x67: {  	_ =	shalt  }
0x68: {  	_ =	shalt  }
0x69: {  	_ =	shalt  }
0x6a: {  	_ =	shalt  }
0x6b: {  	_ =	shalt  }
0x6c: {  	_ =	shalt  }
0x6d: {  	_ =	shalt  }
0x6e: {  	_ =	shalt  }
0x6f: {  	_ =	shalt  }
0x70: {  	_ =	shalt  }
0x71: {  	_ =	shalt  }
0x72: {  	_ =	shalt  }
0x73: {  	_ =	shalt  }
0x74: {  	_ =	shalt  }
0x75: {  	_ =	shalt  }
0x76: {  	_ =	shalt  }
0x77: {  	_ =	shalt  }
0x78: {  	_ =	shalt  }
0x79: {  	_ =	shalt  }
0x7a: {  	_ =	shalt  }
0x7b: {  	_ =	shalt  }
0x7c: {  	_ =	shalt  }
0x7d: {  	_ =	shalt  }
0x7e: {  	_ =	shalt  }
0x7f: {  	_ =	shalt  }
0x80: {  	_ =	shalt  }
0x81: {  	_ =	shalt  }
0x82: {  	_ =	shalt  }
0x83: {  	_ =	shalt  }
0x84: {  	_ =	shalt  }
0x85: {  	_ =	shalt  }
0x86: {  	_ =	shalt  }
0x87: {  	_ =	shalt  }
.Lfunc_end0:
.L_simem_size_0:
called_computation_lowered:
.L_overlay_start_0:
0x88: {  	s2 =	sld [smem:$0x3FD9]  }
0x89: {  	s3 =	sld [smem:$0x3FFE];
	_ =	sdelay $0x1  }
0x8a: {  	s1 =	srdreg.scid  }
0x8b: {  	s0 =	sand.u32 $0x1, s1  }
0x8c: {  	s17 =	sshll.u32 s0, $0xA;
	s2 =	sadd.s32 s3, s2  }
0x8d: {  	s2 =	sadd.s32 s2, s17  }
0x8e: {  	[smem:$0x3FBF] =	sst s2  }
0x8f: {  	_ = 	snop  }
0x90: {  	s2 =	sld [smem:$0x3FC7]  }
0x91: {  	s18 =	sld [smem:$0x3FD0];
	(tm) =	ssettm $0x1  }
0x92: {  	s4 =	sld [smem:$0x3FFB];
	_ =	sdelay $0x3  }
0x93: {  	_ =	strace s4  }
0x94: {  	s4 =	sld [smem:$0x3FFC];
	_ =	sdelay $0x3  }
0x95: {  	_ =	strace s4  }
0x96: {  	s4 =	sld [smem:$0x3FFD];
	_ =	sdelay $0x3  }
0x97: {  	_ =	strace s4  }
0x98: {  	_ =	strace $0x8FFFFFFF  }
0x99: {  	s19 =	sld [smem:$0x3FDB];
	_ =	sdelay $0x1  }
0x9a: {  	s5 =	simm.s32 $_scs_section_size  }
0x9b: {  	s6 =	simm.s32 $_size__tile_overlayer_lowered;
	s7 =	simm.s32 $_tile_overlayer_lowered  }
0x9c: {  	s22 =	simm.s32 $0x1BFF;
	s21 =	sshll.u32 s7, $0x1;
	s4 =	sadd.s32 s5, s19  }
0x9d: {  	s8 =	simm.s32 $0x0;
	s20 =	sshll.u32 s6, $0x1;
	s6 =	sadd.s32 s21, s4  }
0x9e: {  	[timem:s8], [sflag:s22] =	dma.local [hbm:s6], s20  }
0x9f: {  	_ =	swait.ge [sflag:s22], s20  }
0xa0: {  	s5 =	ssub.s32 $0x0, s20;
	[sflag:s22] =	ssyncset.done $0x0  }
0xa1: {  	[sflag:s22] =	ssyncadd.s32 s5;
	_ =	sdelay $0x1  }
0xa2: {  	s23 =	simm.s32 $0x1B8B  }
0xa3: {  	_ =	swait.ge [sflag:s23], $0x1  }
0xa4: {  	[sflag:s23] =	ssyncset.done $0x0  }
0xa5: {  	s25 =	simm.s32 $0x1B8E;
	s24 =	sld [smem:$0x3FFE];
	[sflag:s23] =	ssyncadd.s32 $0xFFFFFFFF  }
0xa6: {  	s26 =	simm.s32 $execute0_lowered;
	[smem:$0x3FD2] =	sst s25  }
0xa7: {  	s6 =	sshll.u32 s26, $0x1;
	_ =	strace $0x80000046;
	[dreg:$0x1] =	wrdreg $0xFFFFFFFF  }
0xa8: {  	s28 =	simm.s32 $_size_execute0_lowered;
	s4 =	sadd.s32 s4, s6;
	[dreg:$0x0] =	wrdreg $0x0  }
0xa9: {  	s6 =	sshll.u32 s28, $0x1;
	[dreg:$0x2] =	wrdreg s4  }
0xaa: {  	[dreg:$0x3] =	wrdreg s6  }
0xab: {  	[dreg:$0x4] =	wrdreg $0xC0  }
0xac: {  	_ =	task [dreg:s8], $0x5FFFF  }
0xad: {  	[dreg:$0x1] =	wrdreg $0xFFFFFFFF  }
0xae: {  	[dreg:$0x0] =	wrdreg $0x60  }
0xaf: {  	[dreg:$0x2] =	wrdreg s24  }
0xb0: {  	[dreg:$0x3] =	wrdreg s2  }
0xb1: {  	[dreg:$0x4] =	wrdreg s18  }
0xb2: {  	[dreg:$0x5] =	wrdreg $0x1000  }
0xb3: {  	[dreg:$0x6] =	wrdreg $0x9  }
0xb4: {  	_ =	task.clear_ibuf [dreg:s8], $0x7FFFF;
	_ =	strace $0x90000046  }
0xb5: {  	s29 =	simm.s32 $0x9;
	_ =	strace $0x80000048  }
0xb6: {  	_ =	swait.ge [sflag:s29], $0x1  }
0xb7: {  	[sflag:s29] =	ssyncadd.s32 $0xFFFFFFFF  }
0xb8: {  	_ =	strace $0x90000048  }
0xb9: {  	_ =	sfence  }
0xba: {  	s30 =	sld [smem:$0x0];
	_ =	sdelay $0x2  }
0xbb: {  	s31 =	sshll.u32 s1, $0xD;
	s1 =	sshrl.u32 s1, $0x2  }
0xbc: {  	s3 =	sand.u32 $0x4000, s31;
	s1 =	sadd.s32 s1, s30  }
0xbd: {  	s0 =	sor.u32 s3, s0;
	s1 =	sshll.u32 s1, $0x11  }
0xbe: {  	s0 =	sor.u32 s1, s0  }
0xbf: {  	s0 =	sadd.s32 $0x8F2B, s0  }
0xc0: {  	[sflag:s0] =	ssyncadd.remote.s32 $0x1  }
0xc1: {  	_ =	sfence.sel $0xFFFF  }
0xc2: {  	[dreg:$0x0] =	wrdreg $0xFFFFFFFF;
	(pc) =	sbr.abs _section_cstart, $3  }
0xc3: {  	[dreg:$0x1] =	wrdreg $0xFFFFFFFF  }
0xc4: {  	_ =	task.clear_ibuf [dreg:s8], $0x2FFFF;
	_ =	strace $0x9FFFFFFF  }
0xc5: {  	(tm) =	ssettm $0x7FFFFFFF  }
tec
execute0_lowered:
.L_overlay_start_1:
0x0: {  	(tag) =	ssettag $0x1  }
0x1: {  	s4 =	rddreg [dreg:$0x0]  }
0x2: {  	s8 =	rddreg [dreg:$0x1]  }
0x3: {  	s6 =	rddreg [dreg:$0x2];
	s0 =	stileid.u32  }
0x4: {  	s1 =	srdreg.scid;
	s7 =	smul.u32 $0x4E20, s0  }
0x5: {  	s2 =	rddreg [dreg:$0x3];
	s5 =	sand.u32 $0x1, s1;
	s28 =	smul.u32 $0x280, s0  }
0x6: {  	s3 =	simm.s32 $0x0;
	s1 =	rddreg [dreg:$0x4];
	s9 =	smul.u32 $0x2710, s5  }
0x7: {  	[smem:$0x7FF] =	sst s3;
	s29 =	ssub.s32 $0x2, s5;
	s5 =	smul.u32 $0x2800, s5  }
0x8: {  	s30 =	sshll.u32 s0, $0x6;
	_ =	strace $0x80000047;
	s12 =	sshrl.u32 s29, $0x1  }
0x9: {  	s14 =	sadd.s32 s28, s2;
	s7 =	sadd.s32 s9, s7;
	s13 =	sadd.s32 s28, s5  }
0xa: {  	s5 =	sor.u32 $0x1C01, s30;
	s10 =	sshrl.u32 s7, $0x3;
	s7 =	ssub.s32 s29, s12  }
0xb: {  	s31 =	sshrl.u32 s13, $0x3;
	s12 =	simm.s32 $0x80;
	s13 =	simm.s32 $0x50  }
0xc: {  	s11 =	sadd.s32 s10, s4;
	s4 =	sadd.s32 $0x16400, s4;
	s6 =	sadd.s32 s6, s31  }
0xd: {  	s7 =	smax.u32 s7, $0x1;
	s8 =	sadd.s32 s10, s8;
	s10 =	sshrl.u32 s14, $0x3  }
0xe: {  	s14 =	simm.s32 $0x0;
	s9 =	sadd.s32 $0xC600, s11;
	s11 =	simm.s32 $0x1  }
.LBB2_1:
0xf: {  	[spmem:s10], [sflag:s5] =	dma.local [hbm:s4], $0x50  }
0x10: {  	_ =	swait.ge [sflag:s11], $0x50  }
0x11: {  	[sflag:s11] =	ssyncset.done $0x0  }
0x12: {  	[sflag:s11] =	ssyncadd.s32 $0xFFFFFFB0  }
0x13: {  	s15 =	sadd.s32 $0x0, s9;
	[bflag:$0x0] =	sbarrier.arrive $0xFFFF  }
0x14: {  	[tilespmem:s3], [sflag:$0x1] =	stream.linear.gather [hbm4b:s15+s3], $0x50, $0x38;
	[tilespmem:$0x380] =	vst v63  }
0x15: {  	_ =	swait.ge [sflag:s11], $0x50  }
0x16: {  	[sflag:s11] =	ssyncset.done $0x0  }
0x17: {  	s31 =	sadd.s32 $0x0, s8;
	[sflag:s11] =	ssyncadd.s32 $0xFFFFFFB0  }
0x18: {  	[tilespmem:s12], [sflag:$0x1] =	stream.linear.gather [hbm4b:s31+s3], $0x50, $0x38;
	[tilespmem:$0x380] =	vst v63  }
0x19: {  	_ =	swait.ge [sflag:s11], $0x50  }
0x1a: {  	[sflag:s11] =	ssyncset.done $0x0  }
0x1b: {  	[sflag:s11] =	ssyncadd.s32 $0xFFFFFFB0  }
0x1c: {  	[spmem:s2] =	stream.indirect.scatter.add.f32 [tilespmem:s12], [sflag:$0x1], $0x1, s3, s13, $0xb8;
	[tilespmem:$0x380] =	vst v63  }
0x1d: {  	_ =	swait.ge [sflag:s11], $0x50  }
0x1e: {  	s16 =	simm.s32 $0x14;
	s15 =	simm.s32 $0xA;
	[sflag:s11] =	ssyncset.done $0x0  }
.LBB2_2:
0x1f: {  	s17 =	sadd.s32 s15, s9  }
0x20: {  	[sflag:s11] =	ssyncadd.s32 $0xFFFFFFB0;
	s18 =	smov.u32 s16;
	s19 =	sadd.s32 $0xA, s16  }
0x21: {  	[tilespmem:s3], [sflag:$0x1] =	stream.linear.gather [hbm4b:s17+s3], $0x50, $0x38;
	[tilespmem:$0x380] =	vst v63  }
0x22: {  	p0 =	sne.s32 s16, $0x4D8;
	_ =	swait.ge [sflag:s11], $0x50  }
0x23: {  	[sflag:s11] =	ssyncset.done $0x0  }
0x24: {  	s16 =	sadd.s32 s15, s8;
	s15 =	smov.u32 s18;
	[sflag:s11] =	ssyncadd.s32 $0xFFFFFFB0  }
0x25: {  	[tilespmem:s12], [sflag:$0x1] =	stream.linear.gather [hbm4b:s16+s3], $0x50, $0x38;
	[tilespmem:$0x380] =	vst v63  }
0x26: {  	_ =	swait.ge [sflag:s11], $0x50  }
.Ltmp0:
0x27: {  	[sflag:s11] =	ssyncset.done $0x0;
	(pc) =	sbr.rel @p0 .LBB2_2-.Ltmp0, $4  }
0x28: {  	[sflag:s11] =	ssyncadd.s32 $0xFFFFFFB0  }
0x29: {  	[spmem:s2] =	stream.indirect.scatter.add.f32 [tilespmem:s12], [sflag:$0x1], $0x1, s3, s13, $0xb8;
	[tilespmem:$0x380] =	vst v63  }
0x2a: {  	_ =	swait.ge [sflag:s11], $0x50  }
0x2b: {  	s16 =	smov.u32 s19;
	[sflag:s11] =	ssyncset.done $0x0  }
0x2c: {  	s16 =	sadd.s32 s15, s9;
	[sflag:s11] =	ssyncadd.s32 $0xFFFFFFB0  }
0x2d: {  	[tilespmem:s3], [sflag:$0x1] =	stream.linear.gather [hbm4b:s16+s3], $0x50, $0x38;
	[tilespmem:$0x380] =	vst v63  }
0x2e: {  	_ =	swait.ge [sflag:s11], $0x50  }
0x2f: {  	[sflag:s11] =	ssyncset.done $0x0  }
0x30: {  	s31 =	sadd.s32 s15, s8;
	[sflag:s11] =	ssyncadd.s32 $0xFFFFFFB0  }
0x31: {  	[tilespmem:s12], [sflag:$0x1] =	stream.linear.gather [hbm4b:s31+s3], $0x50, $0x38;
	[tilespmem:$0x380] =	vst v63  }
0x32: {  	_ =	swait.ge [sflag:s11], $0x50  }
0x33: {  	[sflag:s11] =	ssyncset.done $0x0  }
0x34: {  	[sflag:s11] =	ssyncadd.s32 $0xFFFFFFB0  }
0x35: {  	[spmem:s2] =	stream.indirect.scatter.add.f32 [tilespmem:s12], [sflag:$0x1], $0x1, s3, s13, $0xb8;
	[tilespmem:$0x380] =	vst v63  }
0x36: {  	_ =	swait.ge [sflag:s11], $0x50  }
0x37: {  	s14 =	sadd.s32 $0x1, s14;
	[sflag:s11] =	ssyncset.done $0x0  }
0x38: {  	p0 =	sne.s32 s14, s7;
	[sflag:s11] =	ssyncadd.s32 $0xFFFFFFB0  }
.Ltmp1:
0x39: {  	[bflag:$0x0] =	sbarrier.arrive $0xFFFF;
	(pc) =	sbr.rel @p0 .LBB2_1-.Ltmp1, $4  }
0x3a: {  	[hbm:s6], [sflag:s5] =	dma.local [spmem:s10], $0x50  }
0x3b: {  	_ =	swait.ge [sflag:s11], $0x50  }
0x3c: {  	[sflag:s11] =	ssyncset.done $0x0  }
0x3d: {  	[sflag:s11] =	ssyncadd.s32 $0xFFFFFFB0  }
0x3e: {  	_ =	sfence.sel $0x180000  }
0x3f: {  	[bflag:$0x0] =	sbarrier.arrive $0xFFFF  }
0x40: {  	p0 =	sne.s32 s0, $0x0;
	_ =	strace $0x90000047  }
0x41: {  	s0 =	sadd.s32 @!p0 $0x100000, s1;
	[bflag:$0x2] =	sbarrier.arrive $0xFFFF  }
0x42: {  	[sflag:s0] =	ssyncadd.tile.s32 @!p0 $0x1;
	_ =	shalt  }
.Lfunc_end2:
_tile_overlayer_lowered:
.L_overlay_start_2:
0x43: {  	(tag) =	ssettag $0x2  }
0x44: {  	s0 =	rddreg [dreg:$0x0];
	s2 =	stileid.u32  }
0x45: {  	s1 =	rddreg [dreg:$0x1];
	p0 =	sne.s32 s2, $0x0  }
0x46: {  	s3 =	rddreg [dreg:$0x2];
	[bflag:$0x3] =	sbarrier.arrive $0xFFFF;
	s2 =	simm.s32 @!p0 $0x1C01  }
0x47: {  	[timem:s3], [sflag:s2] =	dma.local @!p0 [hbm:s0], s1  }
0x48: {  	s0 =	simm.s32 @!p0 $0x1  }
0x49: {  	_ =	swait.ge @!p0 [sflag:s0], s1  }
0x4a: {  	s1 =	ssub.s32 @!p0 $0x0, s1;
	[sflag:s0] =	ssyncset.done @!p0 $0x0  }
0x4b: {  	[sflag:s0] =	ssyncadd.s32 @!p0 s1  }
0x4c: {  	[bflag:$0x3] =	sbarrier.arrive $0xFFFF  }
0x4d: {  	_ =	shalt  }

// kernel: kernel.16.cloned.1.call-start
scs
__scs_entry_jumppad:
0x0: {  	(pc) =	sbr.rel $0x88, $3  }
0x1: {  	(tag) =	ssettag $0x0;
	lr =	simm.s32 $0x1  }
0x2: {  	[smem:$0x3F98] =	sst lr;
	_ =	strace $0xD0000000  }
0x3: {  	_ = 	snop  }
0x4: {  	_ = 	snop  }
0x5: {  	_ = 	snop  }
0x6: {  	_ = 	snop  }
0x7: {  	_ = 	snop  }
__scs_overlays_trampoline_lowered:
0x8: {  	[smem:$0x3FA7] =	sst s0  }
0x9: {  	[smem:$0x3FA8] =	sst s1  }
0xa: {  	[smem:$0x3FA9] =	sst s2  }
0xb: {  	[smem:$0x3FAA] =	sst s3  }
0xc: {  	[smem:$0x3FAB] =	sst s4  }
0xd: {  	[smem:$0x3FAC] =	sst s5  }
0xe: {  	[smem:$0x3FAD] =	sst s6  }
0xf: {  	[smem:$0x3FAE] =	sst s7  }
0x10: {  	[smem:$0x3FAF] =	sst s8  }
0x11: {  	[smem:$0x3FB0] =	sst s9;
	s0 =	simm.s32 @!p0 $0x0  }
0x12: {  	s1 =	sld [smem:$0x3F96];
	s0 =	simm.s32 @p0 $0x1  }
0x13: {  	[smem:$0x3FB1] =	sst s0;
	s0 =	simm.s32 @!p1 $0x0  }
0x14: {  	s2 =	sld [smem:$0x3F95];
	s0 =	simm.s32 @p1 $0x1  }
0x15: {  	[smem:$0x3FB2] =	sst s0;
	s0 =	simm.s32 @!p2 $0x0  }
0x16: {  	s3 =	sld [smem:$0x3FDB];
	s0 =	simm.s32 @p2 $0x1  }
0x17: {  	s4 =	simm.s32 $0x1BF5;
	[smem:$0x3FB4] =	sst s0  }
0x18: {  	s0 =	sld [smem:$0x3F97];
	_ =	swait.ge [sflag:s4], $0x0  }
0x19: {  	s7 =	sld [smem:$0x3F98]  }
0x1a: {  	s8 =	sadd.s32 $0xFFFFE003, lr  }
0x1b: {  	s9 =	sadd.s32 $0xFFFFFEF7, lr;
	s5 =	simm.s32 $0xFFFFFFFF;
	p2 =	slt.u32 s8, $0xFFFFF086  }
0x1c: {  	p1 =	slt.u32 s9, $0xF7A;
	s5 =	simm.s32 @!p2 $0x0  }
0x1d: {  	s5 =	simm.s32 @p1 $0x1;
	p0 =	seq.s32 s7, s2  }
0x1e: {  	s7 =	smul.u32 @!p0 $0xF7A, s2;
	p2 =	seq.s32 @!p0 s5, $0x0  }
0x1f: {  	s9 =	smul.u32 $0xF7A, s1;
	s8 =	simm.s32 @!p0 $0x1BF5;
	p2 =	por !p2, p0  }
0x20: {  	[sflag:s8] =	ssyncset.s32 @!p0 $0xFFFFF086;
	s6 =	sadd.s32 @!p0 s3, s7;
	s7 =	simm.s32 @!p0 $0x108  }
0x21: {  	s3 =	sadd.s32 s3, s9;
	s6 =	sadd.s32 @!p0 $0x88, s6;
	s7 =	simm.s32 @p2 $0x1082  }
0x22: {  	[simem:s7], [sflag:s8] =	dma.local @!p0 [hbm:s6], $0xF7A  }
0x23: {  	s9 =	sor.u32 $0xD0000000, s2;
	s6 =	simm.s32 $0x108;
	_ =	swait.ge @!p0 [sflag:s8], $0x0  }
0x24: {  	s3 =	sadd.s32 $0x88, s3;
	s6 =	simm.s32 @!p1 $0x1082;
	[sflag:s4] =	ssyncset.s32 $0xFFFFF086  }
0x25: {  	[simem:s6], [sflag:s4] =	dma.local [hbm:s3], $0xF7A  }
0x26: {  	[smem:$0x3F98] =	sst s1;
	(tag) =	ssettag s2;
	_ =	strace s9  }
0x27: {  	s1 =	sld [smem:$0x3FA8]  }
0x28: {  	s2 =	sld [smem:$0x3FA9]  }
0x29: {  	s4 =	sld [smem:$0x3FAB]  }
0x2a: {  	p0 =	seq.s32 s5, $0x0;
	s5 =	sld [smem:$0x3FAC]  }
0x2b: {  	s6 =	sld [smem:$0x3FAD]  }
0x2c: {  	s7 =	sld [smem:$0x3FAE]  }
0x2d: {  	s3 =	simm.s32 $0x108;
	s8 =	sld [smem:$0x3FAF]  }
0x2e: {  	s3 =	simm.s32 @!p0 $0x1082;
	s9 =	sld [smem:$0x3FB0]  }
0x2f: {  	lr =	sadd.s32 s0, s3;
	s0 =	sld [smem:$0x3FA7]  }
0x30: {  	s3 =	sld [smem:$0x3FAA]  }
0x31: {  	[smem:$0x3FB3] =	sst s10  }
0x32: {  	s10 =	sld [smem:$0x3FB1];
	_ =	sdelay $0x3  }
0x33: {  	p0 =	seq.s32 s10, $0x1;
	s10 =	sld [smem:$0x3FB3];
	_ =	sdelay $0x3  }
0x34: {  	[smem:$0x3FB3] =	sst s10  }
0x35: {  	s10 =	sld [smem:$0x3FB2];
	_ =	sdelay $0x3  }
0x36: {  	p1 =	seq.s32 s10, $0x1;
	s10 =	sld [smem:$0x3FB3];
	_ =	sdelay $0x3  }
0x37: {  	[smem:$0x3FB3] =	sst s10  }
0x38: {  	s10 =	sld [smem:$0x3FB4]  }
0x39: {  	_ = 	snop;
	(pc) =	sbr.ind lr, $3  }
0x3a: {  	_ = 	snop  }
0x3b: {  	_ = 	snop  }
0x3c: {  	p2 =	seq.s32 s10, $0x1;
	s10 =	sld [smem:$0x3FB3]  }
0x3d: {  	_ =	shalt  }
0x3e: {  	_ =	shalt  }
0x3f: {  	_ =	shalt  }
0x40: {  	_ =	shalt  }
0x41: {  	_ =	shalt  }
0x42: {  	_ =	shalt  }
0x43: {  	_ =	shalt  }
0x44: {  	_ =	shalt  }
0x45: {  	_ =	shalt  }
0x46: {  	_ =	shalt  }
0x47: {  	_ =	shalt  }
0x48: {  	_ =	shalt  }
0x49: {  	_ =	shalt  }
0x4a: {  	_ =	shalt  }
0x4b: {  	_ =	shalt  }
0x4c: {  	_ =	shalt  }
0x4d: {  	_ =	shalt  }
0x4e: {  	_ =	shalt  }
0x4f: {  	_ =	shalt  }
0x50: {  	_ =	shalt  }
0x51: {  	_ =	shalt  }
0x52: {  	_ =	shalt  }
0x53: {  	_ =	shalt  }
0x54: {  	_ =	shalt  }
0x55: {  	_ =	shalt  }
0x56: {  	_ =	shalt  }
0x57: {  	_ =	shalt  }
0x58: {  	_ =	shalt  }
0x59: {  	_ =	shalt  }
0x5a: {  	_ =	shalt  }
0x5b: {  	_ =	shalt  }
0x5c: {  	_ =	shalt  }
0x5d: {  	_ =	shalt  }
0x5e: {  	_ =	shalt  }
0x5f: {  	_ =	shalt  }
0x60: {  	_ =	shalt  }
0x61: {  	_ =	shalt  }
0x62: {  	_ =	shalt  }
0x63: {  	_ =	shalt  }
0x64: {  	_ =	shalt  }
0x65: {  	_ =	shalt  }
0x66: {  	_ =	shalt  }
0x67: {  	_ =	shalt  }
0x68: {  	_ =	shalt  }
0x69: {  	_ =	shalt  }
0x6a: {  	_ =	shalt  }
0x6b: {  	_ =	shalt  }
0x6c: {  	_ =	shalt  }
0x6d: {  	_ =	shalt  }
0x6e: {  	_ =	shalt  }
0x6f: {  	_ =	shalt  }
0x70: {  	_ =	shalt  }
0x71: {  	_ =	shalt  }
0x72: {  	_ =	shalt  }
0x73: {  	_ =	shalt  }
0x74: {  	_ =	shalt  }
0x75: {  	_ =	shalt  }
0x76: {  	_ =	shalt  }
0x77: {  	_ =	shalt  }
0x78: {  	_ =	shalt  }
0x79: {  	_ =	shalt  }
0x7a: {  	_ =	shalt  }
0x7b: {  	_ =	shalt  }
0x7c: {  	_ =	shalt  }
0x7d: {  	_ =	shalt  }
0x7e: {  	_ =	shalt  }
0x7f: {  	_ =	shalt  }
0x80: {  	_ =	shalt  }
0x81: {  	_ =	shalt  }
0x82: {  	_ =	shalt  }
0x83: {  	_ =	shalt  }
0x84: {  	_ =	shalt  }
0x85: {  	_ =	shalt  }
0x86: {  	_ =	shalt  }
0x87: {  	_ =	shalt  }
.Lfunc_end0:
.L_simem_size_0:
called_computation.1_lowered:
.L_overlay_start_0:
0x88: {  	s2 =	sld [smem:$0x3FD9]  }
0x89: {  	s3 =	sld [smem:$0x3FFE];
	_ =	sdelay $0x1  }
0x8a: {  	s1 =	srdreg.scid  }
0x8b: {  	s0 =	sand.u32 $0x1, s1  }
0x8c: {  	s17 =	sshll.u32 s0, $0xA;
	s2 =	sadd.s32 s3, s2  }
0x8d: {  	s2 =	sadd.s32 s2, s17  }
0x8e: {  	[smem:$0x3FBF] =	sst s2  }
0x8f: {  	_ = 	snop  }
0x90: {  	s2 =	sld [smem:$0x3FC7]  }
0x91: {  	s18 =	sld [smem:$0x3FD0];
	(tm) =	ssettm $0x1  }
0x92: {  	s4 =	sld [smem:$0x3FFB];
	_ =	sdelay $0x3  }
0x93: {  	_ =	strace s4  }
0x94: {  	s4 =	sld [smem:$0x3FFC];
	_ =	sdelay $0x3  }
0x95: {  	_ =	strace s4  }
0x96: {  	s4 =	sld [smem:$0x3FFD];
	_ =	sdelay $0x3  }
0x97: {  	_ =	strace s4  }
0x98: {  	_ =	strace $0x8FFFFFFF  }
0x99: {  	s19 =	sld [smem:$0x3FDB];
	_ =	sdelay $0x1  }
0x9a: {  	s5 =	simm.s32 $_scs_section_size  }
0x9b: {  	s6 =	simm.s32 $_size__tile_overlayer_lowered;
	s7 =	simm.s32 $_tile_overlayer_lowered  }
0x9c: {  	s22 =	simm.s32 $0x1BFF;
	s21 =	sshll.u32 s7, $0x1;
	s4 =	sadd.s32 s5, s19  }
0x9d: {  	s8 =	simm.s32 $0x0;
	s20 =	sshll.u32 s6, $0x1;
	s6 =	sadd.s32 s21, s4  }
0x9e: {  	[timem:s8], [sflag:s22] =	dma.local [hbm:s6], s20  }
0x9f: {  	_ =	swait.ge [sflag:s22], s20  }
0xa0: {  	s5 =	ssub.s32 $0x0, s20;
	[sflag:s22] =	ssyncset.done $0x0  }
0xa1: {  	[sflag:s22] =	ssyncadd.s32 s5;
	_ =	sdelay $0x1  }
0xa2: {  	s23 =	simm.s32 $0x1B8B  }
0xa3: {  	_ =	swait.ge [sflag:s23], $0x1  }
0xa4: {  	[sflag:s23] =	ssyncset.done $0x0  }
0xa5: {  	s25 =	simm.s32 $0x1B8E;
	s24 =	sld [smem:$0x3FFE];
	[sflag:s23] =	ssyncadd.s32 $0xFFFFFFFF  }
0xa6: {  	s26 =	simm.s32 $execute0_lowered;
	[smem:$0x3FD2] =	sst s25  }
0xa7: {  	s6 =	sshll.u32 s26, $0x1;
	_ =	strace $0x80000049;
	[dreg:$0x1] =	wrdreg $0xFFFFFFFF  }
0xa8: {  	s28 =	simm.s32 $_size_execute0_lowered;
	s4 =	sadd.s32 s4, s6;
	[dreg:$0x0] =	wrdreg $0x0  }
0xa9: {  	s6 =	sshll.u32 s28, $0x1;
	[dreg:$0x2] =	wrdreg s4  }
0xaa: {  	[dreg:$0x3] =	wrdreg s6  }
0xab: {  	[dreg:$0x4] =	wrdreg $0xC0  }
0xac: {  	_ =	task [dreg:s8], $0x5FFFF  }
0xad: {  	[dreg:$0x1] =	wrdreg $0xFFFFFFFF  }
0xae: {  	[dreg:$0x0] =	wrdreg $0x60  }
0xaf: {  	[dreg:$0x2] =	wrdreg s18  }
0xb0: {  	[dreg:$0x3] =	wrdreg s24  }
0xb1: {  	[dreg:$0x4] =	wrdreg s2  }
0xb2: {  	[dreg:$0x5] =	wrdreg $0x53000  }
0xb3: {  	[dreg:$0x6] =	wrdreg $0x9  }
0xb4: {  	_ =	task.clear_ibuf [dreg:s8], $0x7FFFF;
	_ =	strace $0x90000049  }
0xb5: {  	s29 =	simm.s32 $0x9;
	_ =	strace $0x8000004B  }
0xb6: {  	_ =	swait.ge [sflag:s29], $0x1  }
0xb7: {  	[sflag:s29] =	ssyncadd.s32 $0xFFFFFFFF  }
0xb8: {  	_ =	strace $0x9000004B  }
0xb9: {  	_ =	sfence  }
0xba: {  	s30 =	sld [smem:$0x0];
	_ =	sdelay $0x2  }
0xbb: {  	s31 =	sshll.u32 s1, $0xD;
	s1 =	sshrl.u32 s1, $0x2  }
0xbc: {  	s3 =	sand.u32 $0x4000, s31;
	s1 =	sadd.s32 s1, s30  }
0xbd: {  	s0 =	sor.u32 s3, s0;
	s1 =	sshll.u32 s1, $0x11  }
0xbe: {  	s0 =	sor.u32 s1, s0  }
0xbf: {  	s0 =	sadd.s32 $0x8F2B, s0  }
0xc0: {  	[sflag:s0] =	ssyncadd.remote.s32 $0x1  }
0xc1: {  	_ =	sfence.sel $0xFFFF  }
0xc2: {  	[dreg:$0x0] =	wrdreg $0xFFFFFFFF;
	(pc) =	sbr.abs _section_cstart, $3  }
0xc3: {  	[dreg:$0x1] =	wrdreg $0xFFFFFFFF  }
0xc4: {  	_ =	task.clear_ibuf [dreg:s8], $0x2FFFF;
	_ =	strace $0x9FFFFFFF  }
0xc5: {  	(tm) =	ssettm $0x7FFFFFFF  }
tec
execute0_lowered:
.L_overlay_start_1:
0x0: {  	(tag) =	ssettag $0x1  }
0x1: {  	s1 =	rddreg [dreg:$0x0]  }
0x2: {  	s0 =	rddreg [dreg:$0x1]  }
0x3: {  	s2 =	rddreg [dreg:$0x2]  }
0x4: {  	s3 =	rddreg [dreg:$0x3];
	s5 =	simm.s32 $0x0  }
0x5: {  	s4 =	srdreg.scid;
	s12 =	stileid.u32;
	s18 =	simm.s32 $0x3  }
0x6: {  	s19 =	simm.s32 $0x100;
	s20 =	simm.s32 $0x200;
	s28 =	simm.s32 $0x180  }
0x7: {  	s29 =	simm.s32 $0x2B00;
	s30 =	simm.s32 $0x0;
	[smem:$0x7FF] =	sst s5  }
0x8: {  	s4 =	sand.u32 $0x1, s4;
	s9 =	smul.u32 $0x2800, s12;
	s7 =	sshll.u32 s12, $0x1  }
0x9: {  	s6 =	sadd.s32 $0x2800, s0;
	s11 =	smul.u32 $0x50000, s12;
	s13 =	sadd.s32 $0x16600, s0  }
0xa: {  	s23 =	sshll.u32 s12, $0x6;
	_ =	strace $0x8000004A;
	s10 =	smul.u32 $0x28000, s4  }
0xb: {  	s8 =	sor.u32 s4, s7;
	s7 =	sadd.s32 $0xC600, s0;
	s4 =	ssub.s32 $0x2, s4  }
0xc: {  	[dreg:$0x5] =	wrdreg s13;
	s8 =	smul.u32 $0x2710, s8;
	s21 =	sshrl.u32 s4, $0x1  }
0xd: {  	s22 =	sshrl.u32 s11, $0x2;
	s9 =	sadd.s32 s9, s10;
	s4 =	ssub.s32 s4, s21  }
0xe: {  	s10 =	sor.u32 $0x1C03, s23;
	s21 =	simm.s32 $0x50;
	s23 =	simm.s32 $0x1  }
0xf: {  	s0 =	sadd.s32 s9, s0;
	s24 =	sshrl.u32 s8, $0x3;
	s9 =	sadd.s32 s22, s3  }
.Ltmp0:
0x10: {  	s14 =	sadd.s32 $0x50, s8;
	s16 =	smax.u32 s4, $0x1;
	(pc) =	sbr.rel .LBB2_1-.Ltmp0, $4  }
0x11: {  	s22 =	simm.s32 $0x300;
	s25 =	sadd.s32 s6, s24;
	s26 =	sadd.s32 s7, s24  }
0x12: {  	s31 =	sadd.s32 s2, s24;
	s15 =	sadd.s32 $0x18E00, s0;
	[dreg:$0x6] =	wrdreg s25  }
0x13: {  	s17 =	sshrl.u32 s9, $0x3;
	s24 =	simm.s32 $0x4;
	[dreg:$0x7] =	wrdreg s26  }
0x14: {  	[dreg:$0x8] =	wrdreg s31;
	s25 =	simm.s32 $0x2;
	s26 =	simm.s32 $0x280  }
.LBB2_10:
0x15: {  	s30 =	sadd.s32 $0x1, s30  }
0x16: {  	p0 =	sne.s32 s30, s16  }
.Ltmp1:
0x17: {  	[bflag:$0x0] =	sbarrier.arrive $0xFFFF;
	(pc) =	sbr.rel @!p0 .LBB2_11-.Ltmp1, $4  }
0x18: {  	[hbm:s15], [sflag:s10] =	dma.local [spmem:s17], $0x2800  }
0x19: {  	_ =	swait.ge [sflag:s18], $0x2800  }
0x1a: {  	[sflag:s18] =	ssyncset.done $0x0  }
0x1b: {  	[sflag:s18] =	ssyncadd.s32 $0xFFFFD800  }
.LBB2_1:
0x1c: {  	s0 =	rddreg [dreg:$0x5]  }
0x1d: {  	[spmem:s17], [sflag:s10] =	dma.local [hbm:s0], $0x2800  }
0x1e: {  	_ =	swait.ge [sflag:s18], $0x2800  }
0x1f: {  	[sflag:s18] =	ssyncset.done $0x0  }
0x20: {  	[sflag:s18] =	ssyncadd.s32 $0xFFFFD800  }
0x21: {  	[bflag:$0x0] =	sbarrier.arrive $0xFFFF  }
0x22: {  	s11 =	rddreg [dreg:$0x6]  }
0x23: {  	[tilespmem:s5], [sflag:$0x3] =	stream.linear.gather [hbm4b:s11+s5], $0x50, $0x38;
	[tilespmem:$0x19300] =	vst v63  }
0x24: {  	_ =	swait.ge [sflag:s18], $0x50  }
0x25: {  	[sflag:s18] =	ssyncset.done $0x0  }
0x26: {  	s12 =	rddreg [dreg:$0x7];
	[sflag:s18] =	ssyncadd.s32 $0xFFFFFFB0  }
0x27: {  	[tilespmem:s19], [sflag:$0x3] =	stream.linear.gather [hbm4b:s12+s5], $0x50, $0x38;
	[tilespmem:$0x19300] =	vst v63  }
0x28: {  	_ =	swait.ge [sflag:s18], $0x50  }
0x29: {  	[sflag:s18] =	ssyncset.done $0x0  }
0x2a: {  	s13 =	rddreg [dreg:$0x8];
	[sflag:s18] =	ssyncadd.s32 $0xFFFFFFB0  }
0x2b: {  	[tilespmem:s20], [sflag:$0x3] =	stream.linear.gather [hbm4b:s13+s5], $0x50, $0x38;
	[tilespmem:$0x19300] =	vst v63  }
.Ltmp2:
0x2c: {  	_ = 	snop;
	(pc) =	sbr.rel .LBB2_2-.Ltmp2, $4  }
0x2d: {  	_ =	swait.ge [sflag:s18], $0x50  }
0x2e: {  	[sflag:s18] =	ssyncset.done $0x0  }
0x2f: {  	s31 =	simm.s32 $0x0;
	[sflag:s18] =	ssyncadd.s32 $0xFFFFFFB0  }
0x30: {  	[tilespmem:s22], [sflag:$0x1] =	stream.indirect.gather [hbm4b:s1+s21], $0x80, s5, s21, $0xb8;
	[tilespmem:$0x19300] =	vst v63  }
.LBB2_8:
0x31: {  	[tilespmem:s0+$0x30] =	vst v8  }
0x32: {  	[tilespmem:s0+$0xFFFFFFC0] =	vst v6  }
0x33: {  	v0 =	vmul.f32 v0, v1;
	[tilespmem:s0+$0x10] =	vst v7  }
0x34: {  	v4 =	vmul.f32 v4, v1;
	[tilespmem:s0+$0xFFFFFFE0] =	vst v5  }
0x35: {  	v2 =	vmul.f32 v2, v1;
	[tilespmem:s0+$0xFFFFFFF0] =	vst v0  }
0x36: {  	v63 =	vmul.f32 v3, v1;
	[tilespmem:s0+$0x0] =	vst v4  }
0x37: {  	[tilespmem:s0+$0x20] =	vst v2  }
0x38: {  	[tilespmem:s0+$0xFFFFFFD0] =	vst v63;
	s0 =	simm.s32 $0x3  }
0x39: {  	[spmem:s3] =	stream.indirect.scatter.add.f32 [tilespmem:s29], [sflag:$0x3], $0x80, s28, s21, $0xb8;
	[tilespmem:$0x19300] =	vst v63  }
.LBB2_9:
0x3a: {  	s31 =	sadd.s32 $0x1, s31  }
0x3b: {  	p0 =	sne.s32 s31, $0x7D  }
.Ltmp3:
0x3c: {  	_ = 	snop;
	(pc) =	sbr.rel @!p0 .LBB2_10-.Ltmp3, $4  }
0x3d: {  	_ = 	snop  }
0x3e: {  	_ =	swait.ge [sflag:s0], $0x2800  }
0x3f: {  	[sflag:s0] =	ssyncset.done $0x0  }
0x40: {  	[sflag:s0] =	ssyncadd.s32 $0xFFFFD800  }
.LBB2_2:
0x41: {  	s0 =	sand.u32 $0x1, s31  }
0x42: {  	p0 =	seq.s32 s0, $0x1  }
.Ltmp4:
0x43: {  	_ = 	snop;
	(pc) =	sbr.rel @p0 .LBB2_6-.Ltmp4, $1  }
0x44: {  	_ =	sdelay $0x3  }
0x45: {  	s0 =	sor.u32 $0x1, s31  }
0x46: {  	p0 =	sgt.u32 s0, $0x7C  }
0x47: {  	s0 =	smul.u32 @!p0 $0x50, s0;
	_ =	sdelay $0x1  }
0x48: {  	s0 =	sadd.s32 @!p0 s8, s0  }
0x49: {  	s0 =	sshrl.u32 @!p0 s0, $0x3  }
0x4a: {  	s9 =	simm.s32 @!p0 $0x0;
	s11 =	simm.s32 @!p0 $0x80;
	s4 =	sadd.s32 @!p0 s6, s0  }
0x4b: {  	[tilespmem:s11], [sflag:$0x4] =	stream.linear.gather @!p0 [hbm4b:s4+s9], $0x50, $0x38;
	[tilespmem:$0x19300] =	vst v63  }
0x4c: {  	s4 =	simm.s32 @!p0 $0x4  }
0x4d: {  	_ =	swait.ge @!p0 [sflag:s4], $0x50  }
0x4e: {  	[sflag:s4] =	ssyncset.done @!p0 $0x0  }
0x4f: {  	s13 =	simm.s32 @!p0 $0x180;
	s12 =	sadd.s32 @!p0 s7, s0;
	[sflag:s4] =	ssyncadd.s32 @!p0 $0xFFFFFFB0  }
0x50: {  	[tilespmem:s13], [sflag:$0x4] =	stream.linear.gather @!p0 [hbm4b:s12+s9], $0x50, $0x38;
	[tilespmem:$0x19300] =	vst v63  }
0x51: {  	_ =	swait.ge @!p0 [sflag:s4], $0x50  }
0x52: {  	[sflag:s4] =	ssyncset.done @!p0 $0x0  }
0x53: {  	s0 =	sadd.s32 @!p0 s2, s0;
	s12 =	simm.s32 @!p0 $0x280;
	[sflag:s4] =	ssyncadd.s32 @!p0 $0xFFFFFFB0  }
0x54: {  	[tilespmem:s12], [sflag:$0x4] =	stream.linear.gather @!p0 [hbm4b:s0+s9], $0x50, $0x38;
	[tilespmem:$0x19300] =	vst v63  }
0x55: {  	_ =	swait.ge @!p0 [sflag:s4], $0x50  }
0x56: {  	[sflag:s4] =	ssyncset.done @!p0 $0x0  }
0x57: {  	s0 =	simm.s32 @!p0 $0x50;
	[sflag:s4] =	ssyncadd.s32 @!p0 $0xFFFFFFB0;
	s4 =	simm.s32 @!p0 $0x2B00  }
0x58: {  	[tilespmem:s4], [sflag:$0x2] =	stream.indirect.gather @!p0 [hbm4b:s1+s0], $0x80, s11, s0, $0xb8;
	[tilespmem:$0x19300] =	vst v63  }
0x59: {  	s13 =	simm.s32 $0x0;
	_ =	swait.ge [sflag:s23], $0x2800  }
0x5a: {  	v0 =	vmov s13;
	[sflag:s23] =	ssyncset.done $0x0  }
0x5b: {  	s0 =	simm.s32 $0x340;
	[sflag:s23] =	ssyncadd.s32 $0xFFFFD800  }
0x5c: {  	v4 =	vld [tilespmem:s0+$0x30]  }
0x5d: {  	v7 =	vld [tilespmem:s0+$0x10]  }
0x5e: {  	v5 =	vld [tilespmem:s0+$0xFFFFFFC0]  }
0x5f: {  	v1 =	vld.idx.msk [tilespmem:v0+s20+$0x0], $0xffff  }
0x60: {  	v9 =	vld [tilespmem:s0+$0xFFFFFFE0]  }
0x61: {  	v0 =	vld [tilespmem:s0+$0xFFFFFFF0]  }
0x62: {  	v2 =	vld [tilespmem:s0+$0x20]  }
0x63: {  	v3 =	vld [tilespmem:s0+$0xFFFFFFD0]  }
0x64: {  	v8 =	vmul.f32 v4, v1;
	v4 =	vld [tilespmem:s0+$0x0]  }
0x65: {  	v6 =	vmul.f32 v5, v1  }
0x66: {  	s9 =	simm.s32 $0x340;
	s4 =	simm.s32 $0x1;
	v5 =	vmul.f32 v9, v1;
	v7 =	vmul.f32 v7, v1  }
.LBB2_4:
0x67: {  	p0 =	sne.s32 s4, $0x4F  }
0x68: {  	v3 =	vmul.f32 v3, v1;
	v2 =	vmul.f32 v2, v1;
	[tilespmem:s0+$0x30] =	vst v8;
	s9 =	sadd.s32 $0x80, s9;
	s11 =	smov.u32 s4;
	s4 =	sadd.s32 $0x1, s4  }
0x69: {  	[tilespmem:s0+$0xFFFFFFC0] =	vst v6;
	v6 =	vmul.f32 v0, v1;
	v1 =	vmul.f32 v4, v1  }
0x6a: {  	[tilespmem:s0+$0x10] =	vst v7  }
0x6b: {  	v4 =	vmov s11;
	[tilespmem:s0+$0xFFFFFFE0] =	vst v5  }
0x6c: {  	v0 =	vld [tilespmem:s9+$0xFFFFFFF0];
	[tilespmem:s0+$0xFFFFFFF0] =	vst v6  }
0x6d: {  	v5 =	vld [tilespmem:s9+$0x30];
	[tilespmem:s0+$0x0] =	vst v1  }
0x6e: {  	v7 =	vld [tilespmem:s9+$0x10];
	[tilespmem:s0+$0x20] =	vst v2  }
0x6f: {  	v6 =	vld [tilespmem:s9+$0xFFFFFFC0];
	[tilespmem:s0+$0xFFFFFFD0] =	vst v3;
	s0 =	smov.u32 s9  }
0x70: {  	v1 =	vld.idx.msk [tilespmem:v4+s20+$0x0], $0xffff  }
0x71: {  	v9 =	vld [tilespmem:s9+$0xFFFFFFE0]  }
0x72: {  	v2 =	vld [tilespmem:s9+$0x20]  }
.Ltmp5:
0x73: {  	v3 =	vld [tilespmem:s9+$0xFFFFFFD0];
	(pc) =	sbr.rel @p0 .LBB2_4-.Ltmp5, $3  }
0x74: {  	v4 =	vld [tilespmem:s9+$0x0];
	_ =	sdelay $0x1  }
0x75: {  	v6 =	vmul.f32 v6, v1;
	v8 =	vmul.f32 v5, v1  }
0x76: {  	v7 =	vmul.f32 v7, v1;
	v5 =	vmul.f32 v9, v1  }
0x77: {  	[tilespmem:s0+$0x30] =	vst v8  }
0x78: {  	[tilespmem:s0+$0xFFFFFFC0] =	vst v6  }
0x79: {  	v0 =	vmul.f32 v0, v1;
	[tilespmem:s0+$0x10] =	vst v7  }
0x7a: {  	v2 =	vmul.f32 v2, v1;
	[tilespmem:s0+$0xFFFFFFE0] =	vst v5  }
.Ltmp6:
0x7b: {  	v63 =	vmul.f32 v3, v1;
	[tilespmem:s0+$0xFFFFFFF0] =	vst v0;
	(pc) =	sbr.rel .LBB2_9-.Ltmp6, $4  }
0x7c: {  	v4 =	vmul.f32 v4, v1;
	[tilespmem:s0+$0x20] =	vst v2  }
0x7d: {  	[tilespmem:s0+$0xFFFFFFD0] =	vst v63  }
0x7e: {  	[tilespmem:s0+$0x0] =	vst v4;
	s0 =	simm.s32 $0x4  }
0x7f: {  	[spmem:s3] =	stream.indirect.scatter.add.f32 [tilespmem:s22], [sflag:$0x4], $0x80, s19, s21, $0xb8;
	[tilespmem:$0x19300] =	vst v63  }
.LBB2_6:
0x80: {  	s0 =	smul.u32 $0x50, s31;
	_ =	sdelay $0x1  }
0x81: {  	s0 =	sadd.s32 s0, s14  }
0x82: {  	s0 =	sshrl.u32 s0, $0x3  }
0x83: {  	s9 =	simm.s32 $0x0;
	s4 =	sadd.s32 s6, s0  }
0x84: {  	[tilespmem:s9], [sflag:$0x4] =	stream.linear.gather [hbm4b:s4+s9], $0x50, $0x38;
	[tilespmem:$0x19300] =	vst v63  }
0x85: {  	_ =	swait.ge [sflag:s24], $0x50  }
0x86: {  	[sflag:s24] =	ssyncset.done $0x0  }
0x87: {  	s13 =	sadd.s32 s7, s0;
	[sflag:s24] =	ssyncadd.s32 $0xFFFFFFB0  }
0x88: {  	[tilespmem:s19], [sflag:$0x4] =	stream.linear.gather [hbm4b:s13+s9], $0x50, $0x38;
	[tilespmem:$0x19300] =	vst v63  }
0x89: {  	_ =	swait.ge [sflag:s24], $0x50  }
0x8a: {  	[sflag:s24] =	ssyncset.done $0x0  }
0x8b: {  	s0 =	sadd.s32 s2, s0;
	[sflag:s24] =	ssyncadd.s32 $0xFFFFFFB0  }
0x8c: {  	[tilespmem:s20], [sflag:$0x4] =	stream.linear.gather [hbm4b:s0+s9], $0x50, $0x38;
	[tilespmem:$0x19300] =	vst v63  }
0x8d: {  	_ =	swait.ge [sflag:s24], $0x50  }
0x8e: {  	[sflag:s24] =	ssyncset.done $0x0  }
0x8f: {  	[sflag:s24] =	ssyncadd.s32 $0xFFFFFFB0  }
0x90: {  	[tilespmem:s22], [sflag:$0x1] =	stream.indirect.gather [hbm4b:s1+s21], $0x80, s9, s21, $0xb8;
	[tilespmem:$0x19300] =	vst v63  }
0x91: {  	_ =	swait.ge [sflag:s25], $0x2800  }
0x92: {  	v0 =	vmov s9;
	[sflag:s25] =	ssyncset.done $0x0  }
0x93: {  	s0 =	simm.s32 $0x2B40;
	[sflag:s25] =	ssyncadd.s32 $0xFFFFD800  }
0x94: {  	v4 =	vld [tilespmem:s0+$0x30]  }
0x95: {  	v7 =	vld [tilespmem:s0+$0x10]  }
0x96: {  	v5 =	vld [tilespmem:s0+$0xFFFFFFC0]  }
0x97: {  	v1 =	vld.idx.msk [tilespmem:v0+s26+$0x0], $0xffff  }
0x98: {  	v9 =	vld [tilespmem:s0+$0xFFFFFFE0]  }
0x99: {  	v0 =	vld [tilespmem:s0+$0xFFFFFFF0]  }
0x9a: {  	v2 =	vld [tilespmem:s0+$0x20]  }
0x9b: {  	v3 =	vld [tilespmem:s0+$0xFFFFFFD0]  }
0x9c: {  	v8 =	vmul.f32 v4, v1;
	v4 =	vld [tilespmem:s0+$0x0]  }
0x9d: {  	v6 =	vmul.f32 v5, v1  }
0x9e: {  	s4 =	simm.s32 $0x1;
	s9 =	simm.s32 $0x2B40;
	v5 =	vmul.f32 v9, v1;
	v7 =	vmul.f32 v7, v1  }
.LBB2_7:
0x9f: {  	p0 =	sne.s32 s4, $0x4F  }
0xa0: {  	v3 =	vmul.f32 v3, v1;
	v2 =	vmul.f32 v2, v1;
	[tilespmem:s0+$0x30] =	vst v8;
	s9 =	sadd.s32 $0x80, s9;
	s11 =	smov.u32 s4;
	s4 =	sadd.s32 $0x1, s4  }
0xa1: {  	[tilespmem:s0+$0xFFFFFFC0] =	vst v6;
	v6 =	vmul.f32 v0, v1;
	v1 =	vmul.f32 v4, v1  }
0xa2: {  	[tilespmem:s0+$0x10] =	vst v7  }
0xa3: {  	v4 =	vmov s11;
	[tilespmem:s0+$0xFFFFFFE0] =	vst v5  }
0xa4: {  	v0 =	vld [tilespmem:s9+$0xFFFFFFF0];
	[tilespmem:s0+$0xFFFFFFF0] =	vst v6  }
0xa5: {  	v5 =	vld [tilespmem:s9+$0x30];
	[tilespmem:s0+$0x0] =	vst v1  }
0xa6: {  	v7 =	vld [tilespmem:s9+$0x10];
	[tilespmem:s0+$0x20] =	vst v2  }
0xa7: {  	v6 =	vld [tilespmem:s9+$0xFFFFFFC0];
	[tilespmem:s0+$0xFFFFFFD0] =	vst v3;
	s0 =	smov.u32 s9  }
0xa8: {  	v1 =	vld.idx.msk [tilespmem:v4+s26+$0x0], $0xffff  }
0xa9: {  	v9 =	vld [tilespmem:s9+$0xFFFFFFE0]  }
0xaa: {  	v2 =	vld [tilespmem:s9+$0x20]  }
.Ltmp7:
0xab: {  	v3 =	vld [tilespmem:s9+$0xFFFFFFD0];
	(pc) =	sbr.rel @p0 .LBB2_7-.Ltmp7, $3  }
0xac: {  	v4 =	vld [tilespmem:s9+$0x0];
	_ =	sdelay $0x1  }
0xad: {  	v6 =	vmul.f32 v6, v1;
	v8 =	vmul.f32 v5, v1  }
0xae: {  	v7 =	vmul.f32 v7, v1;
	v5 =	vmul.f32 v9, v1  }
.Ltmp8:
0xaf: {  	_ = 	snop;
	(pc) =	sbr.rel .LBB2_8-.Ltmp8, $1  }
0xb0: {  	_ =	sdelay $0x3  }
.LBB2_11:
0xb1: {  	_ =	sfence.sel $0x180000  }
0xb2: {  	[bflag:$0x0] =	sbarrier.arrive $0xFFFF  }
0xb3: {  	_ =	strace $0x9000004A  }
0xb4: {  	s0 =	stileid.u32;
	[bflag:$0x2] =	sbarrier.arrive $0xFFFF  }
0xb5: {  	p0 =	sne.s32 s0, $0x0;
	s0 =	rddreg [dreg:$0x4]  }
0xb6: {  	s0 =	sadd.s32 @!p0 $0x100000, s0  }
0xb7: {  	[sflag:s0] =	ssyncadd.tile.s32 @!p0 $0x1;
	_ =	shalt  }
.Lfunc_end2:
_tile_overlayer_lowered:
.L_overlay_start_2:
0xb8: {  	(tag) =	ssettag $0x2  }
0xb9: {  	s0 =	rddreg [dreg:$0x0];
	s2 =	stileid.u32  }
0xba: {  	s1 =	rddreg [dreg:$0x1];
	p0 =	sne.s32 s2, $0x0  }
0xbb: {  	s3 =	rddreg [dreg:$0x2];
	[bflag:$0x3] =	sbarrier.arrive $0xFFFF;
	s2 =	simm.s32 @!p0 $0x1C03  }
0xbc: {  	[timem:s3], [sflag:s2] =	dma.local @!p0 [hbm:s0], s1  }
0xbd: {  	s0 =	simm.s32 @!p0 $0x3  }
0xbe: {  	_ =	swait.ge @!p0 [sflag:s0], s1  }
0xbf: {  	s1 =	ssub.s32 @!p0 $0x0, s1;
	[sflag:s0] =	ssyncset.done @!p0 $0x0  }
0xc0: {  	[sflag:s0] =	ssyncadd.s32 @!p0 s1  }
0xc1: {  	[bflag:$0x3] =	sbarrier.arrive $0xFFFF  }
0xc2: {  	_ =	shalt  }

// kernel: kernel.19.cloned.1.call-start
scs
__scs_entry_jumppad:
0x0: {  	(pc) =	sbr.rel $0x88, $3  }
0x1: {  	(tag) =	ssettag $0x0;
	lr =	simm.s32 $0x1  }
0x2: {  	[smem:$0x3F98] =	sst lr;
	_ =	strace $0xD0000000  }
0x3: {  	_ = 	snop  }
0x4: {  	_ = 	snop  }
0x5: {  	_ = 	snop  }
0x6: {  	_ = 	snop  }
0x7: {  	_ = 	snop  }
__scs_overlays_trampoline_lowered:
0x8: {  	[smem:$0x3FA7] =	sst s0  }
0x9: {  	[smem:$0x3FA8] =	sst s1  }
0xa: {  	[smem:$0x3FA9] =	sst s2  }
0xb: {  	[smem:$0x3FAA] =	sst s3  }
0xc: {  	[smem:$0x3FAB] =	sst s4  }
0xd: {  	[smem:$0x3FAC] =	sst s5  }
0xe: {  	[smem:$0x3FAD] =	sst s6  }
0xf: {  	[smem:$0x3FAE] =	sst s7  }
0x10: {  	[smem:$0x3FAF] =	sst s8  }
0x11: {  	[smem:$0x3FB0] =	sst s9;
	s0 =	simm.s32 @!p0 $0x0  }
0x12: {  	s1 =	sld [smem:$0x3F96];
	s0 =	simm.s32 @p0 $0x1  }
0x13: {  	[smem:$0x3FB1] =	sst s0;
	s0 =	simm.s32 @!p1 $0x0  }
0x14: {  	s2 =	sld [smem:$0x3F95];
	s0 =	simm.s32 @p1 $0x1  }
0x15: {  	[smem:$0x3FB2] =	sst s0;
	s0 =	simm.s32 @!p2 $0x0  }
0x16: {  	s3 =	sld [smem:$0x3FDB];
	s0 =	simm.s32 @p2 $0x1  }
0x17: {  	s4 =	simm.s32 $0x1BF5;
	[smem:$0x3FB4] =	sst s0  }
0x18: {  	s0 =	sld [smem:$0x3F97];
	_ =	swait.ge [sflag:s4], $0x0  }
0x19: {  	s7 =	sld [smem:$0x3F98]  }
0x1a: {  	s8 =	sadd.s32 $0xFFFFE003, lr  }
0x1b: {  	s9 =	sadd.s32 $0xFFFFFEF7, lr;
	s5 =	simm.s32 $0xFFFFFFFF;
	p2 =	slt.u32 s8, $0xFFFFF086  }
0x1c: {  	p1 =	slt.u32 s9, $0xF7A;
	s5 =	simm.s32 @!p2 $0x0  }
0x1d: {  	s5 =	simm.s32 @p1 $0x1;
	p0 =	seq.s32 s7, s2  }
0x1e: {  	s7 =	smul.u32 @!p0 $0xF7A, s2;
	p2 =	seq.s32 @!p0 s5, $0x0  }
0x1f: {  	s9 =	smul.u32 $0xF7A, s1;
	s8 =	simm.s32 @!p0 $0x1BF5;
	p2 =	por !p2, p0  }
0x20: {  	[sflag:s8] =	ssyncset.s32 @!p0 $0xFFFFF086;
	s6 =	sadd.s32 @!p0 s3, s7;
	s7 =	simm.s32 @!p0 $0x108  }
0x21: {  	s3 =	sadd.s32 s3, s9;
	s6 =	sadd.s32 @!p0 $0x88, s6;
	s7 =	simm.s32 @p2 $0x1082  }
0x22: {  	[simem:s7], [sflag:s8] =	dma.local @!p0 [hbm:s6], $0xF7A  }
0x23: {  	s9 =	sor.u32 $0xD0000000, s2;
	s6 =	simm.s32 $0x108;
	_ =	swait.ge @!p0 [sflag:s8], $0x0  }
0x24: {  	s3 =	sadd.s32 $0x88, s3;
	s6 =	simm.s32 @!p1 $0x1082;
	[sflag:s4] =	ssyncset.s32 $0xFFFFF086  }
0x25: {  	[simem:s6], [sflag:s4] =	dma.local [hbm:s3], $0xF7A  }
0x26: {  	[smem:$0x3F98] =	sst s1;
	(tag) =	ssettag s2;
	_ =	strace s9  }
0x27: {  	s1 =	sld [smem:$0x3FA8]  }
0x28: {  	s2 =	sld [smem:$0x3FA9]  }
0x29: {  	s4 =	sld [smem:$0x3FAB]  }
0x2a: {  	p0 =	seq.s32 s5, $0x0;
	s5 =	sld [smem:$0x3FAC]  }
0x2b: {  	s6 =	sld [smem:$0x3FAD]  }
0x2c: {  	s7 =	sld [smem:$0x3FAE]  }
0x2d: {  	s3 =	simm.s32 $0x108;
	s8 =	sld [smem:$0x3FAF]  }
0x2e: {  	s3 =	simm.s32 @!p0 $0x1082;
	s9 =	sld [smem:$0x3FB0]  }
0x2f: {  	lr =	sadd.s32 s0, s3;
	s0 =	sld [smem:$0x3FA7]  }
0x30: {  	s3 =	sld [smem:$0x3FAA]  }
0x31: {  	[smem:$0x3FB3] =	sst s10  }
0x32: {  	s10 =	sld [smem:$0x3FB1];
	_ =	sdelay $0x3  }
0x33: {  	p0 =	seq.s32 s10, $0x1;
	s10 =	sld [smem:$0x3FB3];
	_ =	sdelay $0x3  }
0x34: {  	[smem:$0x3FB3] =	sst s10  }
0x35: {  	s10 =	sld [smem:$0x3FB2];
	_ =	sdelay $0x3  }
0x36: {  	p1 =	seq.s32 s10, $0x1;
	s10 =	sld [smem:$0x3FB3];
	_ =	sdelay $0x3  }
0x37: {  	[smem:$0x3FB3] =	sst s10  }
0x38: {  	s10 =	sld [smem:$0x3FB4]  }
0x39: {  	_ = 	snop;
	(pc) =	sbr.ind lr, $3  }
0x3a: {  	_ = 	snop  }
0x3b: {  	_ = 	snop  }
0x3c: {  	p2 =	seq.s32 s10, $0x1;
	s10 =	sld [smem:$0x3FB3]  }
0x3d: {  	_ =	shalt  }
0x3e: {  	_ =	shalt  }
0x3f: {  	_ =	shalt  }
0x40: {  	_ =	shalt  }
0x41: {  	_ =	shalt  }
0x42: {  	_ =	shalt  }
0x43: {  	_ =	shalt  }
0x44: {  	_ =	shalt  }
0x45: {  	_ =	shalt  }
0x46: {  	_ =	shalt  }
0x47: {  	_ =	shalt  }
0x48: {  	_ =	shalt  }
0x49: {  	_ =	shalt  }
0x4a: {  	_ =	shalt  }
0x4b: {  	_ =	shalt  }
0x4c: {  	_ =	shalt  }
0x4d: {  	_ =	shalt  }
0x4e: {  	_ =	shalt  }
0x4f: {  	_ =	shalt  }
0x50: {  	_ =	shalt  }
0x51: {  	_ =	shalt  }
0x52: {  	_ =	shalt  }
0x53: {  	_ =	shalt  }
0x54: {  	_ =	shalt  }
0x55: {  	_ =	shalt  }
0x56: {  	_ =	shalt  }
0x57: {  	_ =	shalt  }
0x58: {  	_ =	shalt  }
0x59: {  	_ =	shalt  }
0x5a: {  	_ =	shalt  }
0x5b: {  	_ =	shalt  }
0x5c: {  	_ =	shalt  }
0x5d: {  	_ =	shalt  }
0x5e: {  	_ =	shalt  }
0x5f: {  	_ =	shalt  }
0x60: {  	_ =	shalt  }
0x61: {  	_ =	shalt  }
0x62: {  	_ =	shalt  }
0x63: {  	_ =	shalt  }
0x64: {  	_ =	shalt  }
0x65: {  	_ =	shalt  }
0x66: {  	_ =	shalt  }
0x67: {  	_ =	shalt  }
0x68: {  	_ =	shalt  }
0x69: {  	_ =	shalt  }
0x6a: {  	_ =	shalt  }
0x6b: {  	_ =	shalt  }
0x6c: {  	_ =	shalt  }
0x6d: {  	_ =	shalt  }
0x6e: {  	_ =	shalt  }
0x6f: {  	_ =	shalt  }
0x70: {  	_ =	shalt  }
0x71: {  	_ =	shalt  }
0x72: {  	_ =	shalt  }
0x73: {  	_ =	shalt  }
0x74: {  	_ =	shalt  }
0x75: {  	_ =	shalt  }
0x76: {  	_ =	shalt  }
0x77: {  	_ =	shalt  }
0x78: {  	_ =	shalt  }
0x79: {  	_ =	shalt  }
0x7a: {  	_ =	shalt  }
0x7b: {  	_ =	shalt  }
0x7c: {  	_ =	shalt  }
0x7d: {  	_ =	shalt  }
0x7e: {  	_ =	shalt  }
0x7f: {  	_ =	shalt  }
0x80: {  	_ =	shalt  }
0x81: {  	_ =	shalt  }
0x82: {  	_ =	shalt  }
0x83: {  	_ =	shalt  }
0x84: {  	_ =	shalt  }
0x85: {  	_ =	shalt  }
0x86: {  	_ =	shalt  }
0x87: {  	_ =	shalt  }
.Lfunc_end0:
.L_simem_size_0:
called_computation.2_lowered:
.L_overlay_start_0:
0x88: {  	s2 =	sld [smem:$0x3FD9]  }
0x89: {  	s3 =	sld [smem:$0x3FFE];
	_ =	sdelay $0x1  }
0x8a: {  	s1 =	srdreg.scid  }
0x8b: {  	s0 =	sand.u32 $0x1, s1  }
0x8c: {  	s16 =	sshll.u32 s0, $0xA;
	s2 =	sadd.s32 s3, s2  }
0x8d: {  	s2 =	sadd.s32 s2, s16  }
0x8e: {  	[smem:$0x3FBF] =	sst s2  }
0x8f: {  	_ = 	snop  }
0x90: {  	(tm) =	ssettm $0x1  }
0x91: {  	s17 =	sld [smem:$0x3FFB];
	_ =	sdelay $0x3  }
0x92: {  	_ =	strace s17  }
0x93: {  	s2 =	sld [smem:$0x3FFC];
	_ =	sdelay $0x3  }
0x94: {  	_ =	strace s2  }
0x95: {  	s2 =	sld [smem:$0x3FFD];
	_ =	sdelay $0x3  }
0x96: {  	_ =	strace s2  }
0x97: {  	_ =	strace $0x8FFFFFFF  }
0x98: {  	s18 =	sld [smem:$0x3FDB];
	_ =	sdelay $0x1  }
0x99: {  	s19 =	simm.s32 $_scs_section_size  }
0x9a: {  	s4 =	simm.s32 $_size__tile_overlayer_lowered;
	s5 =	simm.s32 $_tile_overlayer_lowered  }
0x9b: {  	s22 =	simm.s32 $0x1BFF;
	s21 =	sshll.u32 s5, $0x1;
	s2 =	sadd.s32 s19, s18  }
0x9c: {  	s6 =	simm.s32 $0x0;
	s20 =	sshll.u32 s4, $0x1;
	s4 =	sadd.s32 s21, s2  }
0x9d: {  	[timem:s6], [sflag:s22] =	dma.local [hbm:s4], s20  }
0x9e: {  	_ =	swait.ge [sflag:s22], s20  }
0x9f: {  	s3 =	ssub.s32 $0x0, s20;
	[sflag:s22] =	ssyncset.done $0x0  }
0xa0: {  	[sflag:s22] =	ssyncadd.s32 s3;
	_ =	sdelay $0x1  }
0xa1: {  	s23 =	simm.s32 $0x1B8B  }
0xa2: {  	_ =	swait.ge [sflag:s23], $0x1  }
0xa3: {  	[sflag:s23] =	ssyncset.done $0x0  }
0xa4: {  	s25 =	simm.s32 $0x1B8E;
	s24 =	sld [smem:$0x3FFE];
	[sflag:s23] =	ssyncadd.s32 $0xFFFFFFFF  }
0xa5: {  	s26 =	simm.s32 $execute0_lowered;
	[smem:$0x3FD2] =	sst s25  }
0xa6: {  	s4 =	sshll.u32 s26, $0x1;
	_ =	strace $0x8000004C;
	[dreg:$0x1] =	wrdreg $0xFFFFFFFF  }
0xa7: {  	s28 =	simm.s32 $_size_execute0_lowered;
	s2 =	sadd.s32 s2, s4;
	[dreg:$0x0] =	wrdreg $0x0  }
0xa8: {  	s4 =	sshll.u32 s28, $0x1;
	[dreg:$0x2] =	wrdreg s2  }
0xa9: {  	[dreg:$0x3] =	wrdreg s4  }
0xaa: {  	[dreg:$0x4] =	wrdreg $0xC0  }
0xab: {  	_ =	task [dreg:s6], $0x5FFFF  }
0xac: {  	[dreg:$0x1] =	wrdreg $0xFFFFFFFF  }
0xad: {  	[dreg:$0x0] =	wrdreg $0x60  }
0xae: {  	[dreg:$0x2] =	wrdreg s24  }
0xaf: {  	[dreg:$0x3] =	wrdreg $0xA2000  }
0xb0: {  	[dreg:$0x4] =	wrdreg $0xA4800  }
0xb1: {  	[dreg:$0x5] =	wrdreg $0x9  }
0xb2: {  	_ =	task.clear_ibuf [dreg:s6], $0x6FFFF;
	_ =	strace $0x9000004C  }
0xb3: {  	s29 =	simm.s32 $0x9;
	_ =	strace $0x8000004E  }
0xb4: {  	_ =	swait.ge [sflag:s29], $0x1  }
0xb5: {  	[sflag:s29] =	ssyncadd.s32 $0xFFFFFFFF  }
0xb6: {  	_ =	strace $0x9000004E  }
0xb7: {  	_ =	sfence  }
0xb8: {  	s30 =	sld [smem:$0x0];
	_ =	sdelay $0x2  }
0xb9: {  	s31 =	sshll.u32 s1, $0xD;
	s1 =	sshrl.u32 s1, $0x2  }
0xba: {  	s3 =	sand.u32 $0x4000, s31;
	s1 =	sadd.s32 s1, s30  }
0xbb: {  	s0 =	sor.u32 s3, s0;
	s1 =	sshll.u32 s1, $0x11  }
0xbc: {  	s0 =	sor.u32 s1, s0  }
0xbd: {  	s0 =	sadd.s32 $0x8F2B, s0  }
0xbe: {  	[sflag:s0] =	ssyncadd.remote.s32 $0x1  }
0xbf: {  	_ =	sfence.sel $0xFFFF  }
0xc0: {  	[dreg:$0x0] =	wrdreg $0xFFFFFFFF;
	(pc) =	sbr.abs _section_cstart, $3  }
0xc1: {  	[dreg:$0x1] =	wrdreg $0xFFFFFFFF  }
0xc2: {  	_ =	task.clear_ibuf [dreg:s6], $0x2FFFF;
	_ =	strace $0x9FFFFFFF  }
0xc3: {  	(tm) =	ssettm $0x7FFFFFFF  }
tec
execute0_lowered:
.L_overlay_start_1:
0x0: {  	(tag) =	ssettag $0x1  }
0x1: {  	s0 =	rddreg [dreg:$0x0]  }
0x2: {  	s2 =	rddreg [dreg:$0x1]  }
0x3: {  	s3 =	rddreg [dreg:$0x2]  }
0x4: {  	s1 =	srdreg.scid;
	s7 =	stileid.u32;
	s4 =	simm.s32 $0x0  }
0x5: {  	s28 =	simm.s32 $0x9F00;
	s29 =	simm.s32 $0x9F80;
	s30 =	simm.s32 $0xA000  }
0x6: {  	s31 =	simm.s32 $0xA080;
	[smem:$0x7FF] =	sst s4;
	s8 =	sadd.s32 $0x8E400, s0  }
0x7: {  	s19 =	sadd.s32 $0x8EA00, s0;
	_ =	strace $0x8000004D;
	[dreg:$0x4] =	wrdreg s8  }
0x8: {  	s1 =	sand.u32 $0x1, s1;
	s20 =	sadd.s32 $0x8F000, s0;
	[dreg:$0x5] =	wrdreg s19  }
0x9: {  	s5 =	smul.u32 $0x4E20, s7;
	s9 =	sadd.s32 $0x8F600, s0;
	[dreg:$0x6] =	wrdreg s20  }
0xa: {  	s7 =	smul.u32 $0x280, s7;
	s22 =	sadd.s32 $0x8FE00, s0;
	[dreg:$0x7] =	wrdreg s9  }
0xb: {  	s23 =	sadd.s32 $0x8FC00, s0;
	s6 =	smul.u32 $0x2710, s1;
	[dreg:$0x8] =	wrdreg s22  }
0xc: {  	s11 =	sadd.s32 $0x16400, s0;
	s21 =	smul.u32 $0x2800, s1;
	[dreg:$0x9] =	wrdreg s23  }
0xd: {  	s1 =	ssub.s32 $0x2, s1;
	s22 =	simm.s32 $0x2780;
	s23 =	simm.s32 $0x4F00  }
0xe: {  	s25 =	sshrl.u32 s1, $0x1;
	s26 =	sadd.s32 s7, s2;
	s13 =	sadd.s32 s7, s3  }
0xf: {  	s5 =	sadd.s32 s6, s5;
	s24 =	sadd.s32 s7, s21;
	s1 =	ssub.s32 s1, s25  }
0x10: {  	[dreg:$0xa] =	wrdreg s26;
	s21 =	simm.s32 $0x1;
	s25 =	simm.s32 $0xA100  }
0x11: {  	s26 =	simm.s32 $0xA180;
	s5 =	sshrl.u32 s5, $0x3;
	s6 =	sshrl.u32 s24, $0x3  }
0x12: {  	s16 =	smax.u32 s1, $0x1;
	s5 =	sadd.s32 s5, s0;
	s0 =	sadd.s32 s6, s0  }
0x13: {  	s24 =	simm.s32 $0x7680;
	s1 =	simm.s32 $0x0;
	s14 =	sadd.s32 $0x90000, s0  }
0x14: {  	s15 =	sadd.s32 $0x90A00, s0;
	s17 =	sadd.s32 $0x9B200, s5;
	s18 =	sadd.s32 $0x91400, s5  }
0x15: {  	s19 =	sadd.s32 $0xC600, s5;
	s20 =	sadd.s32 $0x2800, s5;
	s0 =	simm.s32 $0x50  }
.LBB2_1:
0x16: {  	s5 =	rddreg [dreg:$0x4]  }
0x17: {  	[tilespmem:s4], [sflag:$0x1] =	stream.linear.gather [hbm4b:s5+s4], $0x2780, $0x38;
	[tilespmem:$0xA700] =	vst v63  }
0x18: {  	_ =	swait.ge [sflag:s21], $0x2780  }
0x19: {  	[sflag:s21] =	ssyncset.done $0x0  }
0x1a: {  	s8 =	rddreg [dreg:$0x5];
	[sflag:s21] =	ssyncadd.s32 $0xFFFFD880  }
0x1b: {  	[tilespmem:s22], [sflag:$0x1] =	stream.linear.gather [hbm4b:s8+s4], $0x2780, $0x38;
	[tilespmem:$0xA700] =	vst v63  }
0x1c: {  	_ =	swait.ge [sflag:s21], $0x2780  }
0x1d: {  	[sflag:s21] =	ssyncset.done $0x0  }
0x1e: {  	s9 =	rddreg [dreg:$0x6];
	[sflag:s21] =	ssyncadd.s32 $0xFFFFD880  }
0x1f: {  	[tilespmem:s23], [sflag:$0x1] =	stream.linear.gather [hbm4b:s9+s4], $0x2780, $0x38;
	[tilespmem:$0xA700] =	vst v63  }
0x20: {  	_ =	swait.ge [sflag:s21], $0x2780  }
0x21: {  	[sflag:s21] =	ssyncset.done $0x0  }
0x22: {  	s10 =	rddreg [dreg:$0x7];
	[sflag:s21] =	ssyncadd.s32 $0xFFFFD880  }
0x23: {  	[tilespmem:s24], [sflag:$0x1] =	stream.linear.gather [hbm4b:s10+s4], $0x2780, $0x38;
	[tilespmem:$0xA700] =	vst v63  }
0x24: {  	_ =	swait.ge [sflag:s21], $0x2780  }
0x25: {  	[sflag:s21] =	ssyncset.done $0x0  }
0x26: {  	s6 =	simm.s32 $0x9E00;
	s12 =	rddreg [dreg:$0x8];
	[sflag:s21] =	ssyncadd.s32 $0xFFFFD880  }
0x27: {  	[tilespmem:s6], [sflag:$0x1] =	stream.linear.gather [hbm4b:s12+s4], $0x80, $0x38;
	[tilespmem:$0xA700] =	vst v63  }
0x28: {  	_ =	swait.ge [sflag:s21], $0x80  }
0x29: {  	[sflag:s21] =	ssyncset.done $0x0  }
0x2a: {  	s8 =	simm.s32 $0x9E80;
	s7 =	rddreg [dreg:$0x9];
	[sflag:s21] =	ssyncadd.s32 $0xFFFFFF80  }
0x2b: {  	[tilespmem:s8], [sflag:$0x1] =	stream.linear.gather [hbm4b:s7+s4], $0x80, $0x38;
	[tilespmem:$0xA700] =	vst v63  }
0x2c: {  	s9 =	stileid.u32;
	_ =	swait.ge [sflag:s21], $0x80  }
0x2d: {  	s5 =	sshll.u32 s9, $0x6;
	[sflag:s21] =	ssyncset.done $0x0;
	s10 =	rddreg [dreg:$0xa]  }
0x2e: {  	s5 =	sor.u32 $0x1C01, s5;
	[sflag:s21] =	ssyncadd.s32 $0xFFFFFF80;
	s6 =	sshrl.u32 s10, $0x3  }
0x2f: {  	[spmem:s6], [sflag:s5] =	dma.local [hbm:s11], $0x50  }
0x30: {  	_ =	swait.ge [sflag:s21], $0x50  }
0x31: {  	[sflag:s21] =	ssyncset.done $0x0  }
0x32: {  	s7 =	sshrl.u32 s13, $0x3;
	[sflag:s21] =	ssyncadd.s32 $0xFFFFFFB0  }
0x33: {  	[spmem:s7], [sflag:s5] =	dma.local [hbm:s11], $0x50  }
0x34: {  	_ =	swait.ge [sflag:s21], $0x50  }
0x35: {  	[sflag:s21] =	ssyncset.done $0x0  }
0x36: {  	[sflag:s21] =	ssyncadd.s32 $0xFFFFFFB0  }
0x37: {  	[bflag:$0x0] =	sbarrier.arrive $0xFFFF  }
0x38: {  	s8 =	sadd.s32 $0x0, s20;
	v0 =	vld [tilespmem:$0x9E00]  }
0x39: {  	v1 =	vld [tilespmem:$0x9E80];
	[tilespmem:s28], [sflag:$0x1] =	stream.linear.gather [hbm4b:s8+s4], $0x50, $0x38  }
0x3a: {  	_ =	swait.ge [sflag:s21], $0x50  }
0x3b: {  	[sflag:s21] =	ssyncset.done $0x0  }
0x3c: {  	s12 =	sadd.s32 $0x0, s19;
	[sflag:s21] =	ssyncadd.s32 $0xFFFFFFB0  }
0x3d: {  	[tilespmem:s29], [sflag:$0x1] =	stream.linear.gather [hbm4b:s12+s4], $0x50, $0x38;
	[tilespmem:$0xA700] =	vst v63  }
0x3e: {  	_ =	swait.ge [sflag:s21], $0x50  }
0x3f: {  	[sflag:s21] =	ssyncset.done $0x0  }
0x40: {  	[sflag:s21] =	ssyncadd.s32 $0xFFFFFFB0  }
0x41: {  	v2 =	vld [tilespmem:$0x9F00];
	_ =	sdelay $0x1  }
0x42: {  	v3 =	vld [tilespmem:$0x9F80];
	_ =	sdelay $0x5  }
0x43: {  	v4 =	vld.idx.msk [tilespmem:v2+s4+$0x0], $0xffff  }
0x44: {  	v2 =	vld.idx.msk [tilespmem:v2+s22+$0x0], $0xffff  }
0x45: {  	v5 =	vld.idx.msk [tilespmem:v3+s23+$0x0], $0xffff  }
0x46: {  	v3 =	vld.idx.msk [tilespmem:v3+s24+$0x0], $0xffff;
	_ =	sdelay $0x3  }
0x47: {  	v4 =	vadd.f32 v5, v4  }
0x48: {  	v2 =	vadd.f32 v3, v2  }
0x49: {  	v3 =	vmul.f32 $2.000000030e-01, v4  }
0x4a: {  	vm0 =	vgt.f32 v4, $0.0e+00;
	v50 =	vmul.f32 $2.000000030e-01, v2  }
0x4b: {  	vm8 =	vgt.f32 v2, $0.0e+00;
	v3 =	vsel vm0, v4, v3  }
0x4c: {  	v2 =	vsel vm8, v2, v50;
	v4 =	vsub.f32 v3, v0  }
0x4d: {  	v5 =	vsub.f32 v2, v1  }
0x4e: {  	v4 =	vmul.f32 $1.442695020e+00, v4  }
0x4f: {  	v5 =	vmul.f32 $1.442695020e+00, v5  }
0x50: {  	(erf) = vpow2.f32 v4  }
0x51: {  	(erf) = vpow2.f32 v5;
	_ =	sdelay $0x2  }
0x52: {  	v51 =	vld [tilespmem:$0x9F90]  }
0x53: {  	v52 =	vld [tilespmem:$0x9F10];
	_ =	sdelay $0x2  }
0x54: {  	[tilespmem:$0xA000] =	vst v3  }
0x55: {  	[tilespmem:$0xA080] =	vst v2;
	v2 =	vpop (erf)  }
0x56: {  	[tilespmem:$0xA100] =	vst v2;
	v2 =	vpop (erf)  }
0x57: {  	[tilespmem:$0xA180] =	vst v2  }
0x58: {  	v2 =	vld.idx.msk [tilespmem:v51+s24+$0x0], $0xffff  }
0x59: {  	v3 =	vld.idx.msk [tilespmem:v52+s4+$0x0], $0xffff  }
0x5a: {  	v5 =	vld.idx.msk [tilespmem:v52+s22+$0x0], $0xffff  }
0x5b: {  	v4 =	vld.idx.msk [tilespmem:v51+s23+$0x0], $0xffff;
	_ =	sdelay $0x3  }
0x5c: {  	v2 =	vadd.f32 v2, v5  }
0x5d: {  	v3 =	vadd.f32 v4, v3  }
0x5e: {  	v53 =	vmul.f32 $2.000000030e-01, v2  }
0x5f: {  	v54 =	vmul.f32 $2.000000030e-01, v3;
	vm9 =	vgt.f32 v2, $0.0e+00  }
0x60: {  	vm1 =	vgt.f32 v3, $0.0e+00;
	v2 =	vsel vm9, v2, v53  }
0x61: {  	v3 =	vsel vm1, v3, v54;
	v4 =	vsub.f32 v2, v1  }
0x62: {  	v5 =	vsub.f32 v3, v0  }
0x63: {  	v4 =	vmul.f32 $1.442695020e+00, v4  }
0x64: {  	v5 =	vmul.f32 $1.442695020e+00, v5  }
0x65: {  	(erf) = vpow2.f32 v4  }
0x66: {  	(erf) = vpow2.f32 v5;
	_ =	sdelay $0x2  }
0x67: {  	v55 =	vld [tilespmem:$0x9FA0];
	_ =	sdelay $0x1  }
0x68: {  	v56 =	vld [tilespmem:$0x9F20];
	_ =	sdelay $0x1  }
0x69: {  	[tilespmem:$0xA090] =	vst v2  }
0x6a: {  	[tilespmem:$0xA010] =	vst v3;
	v2 =	vpop (erf)  }
0x6b: {  	[tilespmem:$0xA190] =	vst v2;
	v2 =	vpop (erf)  }
0x6c: {  	[tilespmem:$0xA110] =	vst v2  }
0x6d: {  	v2 =	vld.idx.msk [tilespmem:v55+s24+$0x0], $0xffff  }
0x6e: {  	v3 =	vld.idx.msk [tilespmem:v55+s23+$0x0], $0xffff  }
0x6f: {  	v57 =	vld.idx.msk [tilespmem:v56+s4+$0x0], $0xffff  }
0x70: {  	v5 =	vld.idx.msk [tilespmem:v56+s22+$0x0], $0xffff;
	_ =	sdelay $0x3  }
0x71: {  	v3 =	vadd.f32 v3, v57  }
0x72: {  	v2 =	vadd.f32 v2, v5  }
0x73: {  	v4 =	vmul.f32 $2.000000030e-01, v3  }
0x74: {  	vm10 =	vgt.f32 v3, $0.0e+00;
	v5 =	vmul.f32 $2.000000030e-01, v2  }
0x75: {  	vm11 =	vgt.f32 v2, $0.0e+00;
	v3 =	vsel vm10, v3, v4  }
0x76: {  	v2 =	vsel vm11, v2, v5;
	v4 =	vsub.f32 v3, v0  }
0x77: {  	v5 =	vsub.f32 v2, v1  }
0x78: {  	v4 =	vmul.f32 $1.442695020e+00, v4  }
0x79: {  	v5 =	vmul.f32 $1.442695020e+00, v5  }
0x7a: {  	(erf) = vpow2.f32 v4  }
0x7b: {  	(erf) = vpow2.f32 v5;
	_ =	sdelay $0x2  }
0x7c: {  	v58 =	vld [tilespmem:$0x9F30]  }
0x7d: {  	v59 =	vld [tilespmem:$0x9FB0];
	_ =	sdelay $0x2  }
0x7e: {  	[tilespmem:$0xA020] =	vst v3  }
0x7f: {  	[tilespmem:$0xA0A0] =	vst v2;
	v2 =	vpop (erf)  }
0x80: {  	[tilespmem:$0xA120] =	vst v2;
	v2 =	vpop (erf)  }
0x81: {  	[tilespmem:$0xA1A0] =	vst v2  }
0x82: {  	v2 =	vld.idx.msk [tilespmem:v58+s4+$0x0], $0xffff  }
0x83: {  	v3 =	vld.idx.msk [tilespmem:v59+s23+$0x0], $0xffff  }
0x84: {  	v4 =	vld.idx.msk [tilespmem:v58+s22+$0x0], $0xffff  }
0x85: {  	v5 =	vld.idx.msk [tilespmem:v59+s24+$0x0], $0xffff;
	_ =	sdelay $0x3  }
0x86: {  	v2 =	vadd.f32 v3, v2  }
0x87: {  	v3 =	vadd.f32 v5, v4  }
0x88: {  	v60 =	vmul.f32 $2.000000030e-01, v2  }
0x89: {  	vm12 =	vgt.f32 v2, $0.0e+00;
	v5 =	vmul.f32 $2.000000030e-01, v3  }
0x8a: {  	vm13 =	vgt.f32 v3, $0.0e+00;
	v2 =	vsel vm12, v2, v60  }
0x8b: {  	v3 =	vsel vm13, v3, v5;
	v4 =	vsub.f32 v2, v0  }
0x8c: {  	v5 =	vsub.f32 v3, v1  }
0x8d: {  	v4 =	vmul.f32 $1.442695020e+00, v4  }
0x8e: {  	v5 =	vmul.f32 $1.442695020e+00, v5  }
0x8f: {  	(erf) = vpow2.f32 v4  }
0x90: {  	(erf) = vpow2.f32 v5;
	_ =	sdelay $0x2  }
0x91: {  	v61 =	vld [tilespmem:$0x9F40]  }
0x92: {  	v62 =	vld [tilespmem:$0x9FC0];
	_ =	sdelay $0x2  }
0x93: {  	[tilespmem:$0xA030] =	vst v2  }
0x94: {  	[tilespmem:$0xA0B0] =	vst v3;
	v2 =	vpop (erf)  }
0x95: {  	[tilespmem:$0xA130] =	vst v2;
	v2 =	vpop (erf)  }
0x96: {  	[tilespmem:$0xA1B0] =	vst v2  }
0x97: {  	v2 =	vld.idx.msk [tilespmem:v61+s4+$0x0], $0xffff  }
0x98: {  	v3 =	vld.idx.msk [tilespmem:v62+s23+$0x0], $0xffff  }
0x99: {  	v5 =	vld.idx.msk [tilespmem:v62+s24+$0x0], $0xffff  }
0x9a: {  	v4 =	vld.idx.msk [tilespmem:v61+s22+$0x0], $0xffff;
	_ =	sdelay $0x3  }
0x9b: {  	v2 =	vadd.f32 v3, v2  }
0x9c: {  	v3 =	vadd.f32 v5, v4  }
0x9d: {  	v63 =	vmul.f32 $2.000000030e-01, v2  }
0x9e: {  	vm14 =	vgt.f32 v2, $0.0e+00;
	v5 =	vmul.f32 $2.000000030e-01, v3  }
0x9f: {  	vm15 =	vgt.f32 v3, $0.0e+00;
	v2 =	vsel vm14, v2, v63  }
0xa0: {  	v3 =	vsel vm15, v3, v5;
	v4 =	vsub.f32 v2, v0  }
0xa1: {  	v5 =	vsub.f32 v3, v1  }
0xa2: {  	v4 =	vmul.f32 $1.442695020e+00, v4  }
0xa3: {  	v5 =	vmul.f32 $1.442695020e+00, v5  }
0xa4: {  	(erf) = vpow2.f32 v4  }
0xa5: {  	(erf) = vpow2.f32 v5;
	_ =	sdelay $0x6  }
0xa6: {  	[tilespmem:$0xA040] =	vst v2  }
0xa7: {  	[tilespmem:$0xA0C0] =	vst v3;
	v2 =	vpop (erf)  }
0xa8: {  	[tilespmem:$0xA140] =	vst v2;
	v2 =	vpop (erf)  }
0xa9: {  	s9 =	simm.s32 $0xA;
	s10 =	sadd.s32 $0x0, s18;
	s8 =	simm.s32 $0x0;
	[tilespmem:$0xA1C0] =	vst v2  }
.LBB2_2:
0xaa: {  	[hbm4b:s10+s4] =	stream.linear.scatter [tilespmem:s30], [sflag:$0x1], $0x50, $0x38;
	[tilespmem:$0xA700] =	vst v63  }
0xab: {  	s10 =	smov.u32 s9  }
0xac: {  	p0 =	sne.s32 s9, $0x4D8;
	s9 =	sadd.s32 $0xA, s9;
	_ =	swait.ge [sflag:s21], $0x50  }
0xad: {  	s12 =	sadd.s32 s8, s17;
	s8 =	smov.u32 s10;
	[sflag:s21] =	ssyncset.done $0x0  }
0xae: {  	[sflag:s21] =	ssyncadd.s32 $0xFFFFFFB0  }
0xaf: {  	[hbm4b:s12+s4] =	stream.linear.scatter [tilespmem:s31], [sflag:$0x1], $0x50, $0x38;
	[tilespmem:$0xA700] =	vst v63  }
0xb0: {  	_ =	swait.ge [sflag:s21], $0x50  }
0xb1: {  	[sflag:s21] =	ssyncset.done $0x0  }
0xb2: {  	[sflag:s21] =	ssyncadd.s32 $0xFFFFFFB0  }
0xb3: {  	[spmem:s2] =	stream.indirect.scatter.add.f32 [tilespmem:s25], [sflag:$0x1], $0x1, s29, s0, $0xb8;
	[tilespmem:$0xA700] =	vst v63  }
0xb4: {  	_ =	swait.ge [sflag:s21], $0x50  }
0xb5: {  	[sflag:s21] =	ssyncset.done $0x0  }
0xb6: {  	[sflag:s21] =	ssyncadd.s32 $0xFFFFFFB0  }
0xb7: {  	[spmem:s3] =	stream.indirect.scatter.add.f32 [tilespmem:s26], [sflag:$0x1], $0x1, s29, s0, $0xb8;
	[tilespmem:$0xA700] =	vst v63  }
0xb8: {  	_ =	swait.ge [sflag:s21], $0x50  }
0xb9: {  	[sflag:s21] =	ssyncset.done $0x0  }
0xba: {  	s10 =	sadd.s32 s8, s20;
	[sflag:s21] =	ssyncadd.s32 $0xFFFFFFB0  }
0xbb: {  	[tilespmem:s28], [sflag:$0x1] =	stream.linear.gather [hbm4b:s10+s4], $0x50, $0x38;
	[tilespmem:$0xA700] =	vst v63  }
0xbc: {  	_ =	swait.ge [sflag:s21], $0x50  }
0xbd: {  	[sflag:s21] =	ssyncset.done $0x0  }
0xbe: {  	s10 =	sadd.s32 s8, s19;
	[sflag:s21] =	ssyncadd.s32 $0xFFFFFFB0  }
0xbf: {  	[tilespmem:s29], [sflag:$0x1] =	stream.linear.gather [hbm4b:s10+s4], $0x50, $0x38;
	[tilespmem:$0xA700] =	vst v63  }
0xc0: {  	_ =	swait.ge [sflag:s21], $0x50  }
0xc1: {  	[sflag:s21] =	ssyncset.done $0x0  }
0xc2: {  	[sflag:s21] =	ssyncadd.s32 $0xFFFFFFB0  }
0xc3: {  	v2 =	vld [tilespmem:$0x9F00]  }
0xc4: {  	v3 =	vld [tilespmem:$0x9F80];
	_ =	sdelay $0x6  }
0xc5: {  	v4 =	vld.idx.msk [tilespmem:v2+s4+$0x0], $0xffff  }
0xc6: {  	v2 =	vld.idx.msk [tilespmem:v2+s22+$0x0], $0xffff  }
0xc7: {  	v5 =	vld.idx.msk [tilespmem:v3+s23+$0x0], $0xffff  }
0xc8: {  	v3 =	vld.idx.msk [tilespmem:v3+s24+$0x0], $0xffff;
	_ =	sdelay $0x4  }
0xc9: {  	v4 =	vadd.f32 v5, v4  }
0xca: {  	v2 =	vadd.f32 v3, v2  }
0xcb: {  	v3 =	vmul.f32 $2.000000030e-01, v4  }
0xcc: {  	vm0 =	vgt.f32 v4, $0.0e+00;
	v5 =	vmul.f32 $2.000000030e-01, v2  }
0xcd: {  	v3 =	vsel vm0, v4, v3;
	vm0 =	vgt.f32 v2, $0.0e+00  }
0xce: {  	v2 =	vsel vm0, v2, v5;
	v4 =	vsub.f32 v3, v0  }
0xcf: {  	v5 =	vsub.f32 v2, v1  }
0xd0: {  	v4 =	vmul.f32 $1.442695020e+00, v4  }
0xd1: {  	v5 =	vmul.f32 $1.442695020e+00, v5  }
0xd2: {  	(erf) = vpow2.f32 v4  }
0xd3: {  	(erf) = vpow2.f32 v5;
	_ =	sdelay $0x2  }
0xd4: {  	v4 =	vld [tilespmem:$0x9F90]  }
0xd5: {  	v5 =	vld [tilespmem:$0x9F10];
	_ =	sdelay $0x2  }
0xd6: {  	[tilespmem:$0xA000] =	vst v3  }
0xd7: {  	[tilespmem:$0xA080] =	vst v2;
	v2 =	vpop (erf)  }
0xd8: {  	[tilespmem:$0xA100] =	vst v2;
	v2 =	vpop (erf)  }
0xd9: {  	[tilespmem:$0xA180] =	vst v2  }
0xda: {  	v2 =	vld.idx.msk [tilespmem:v4+s24+$0x0], $0xffff  }
0xdb: {  	v3 =	vld.idx.msk [tilespmem:v5+s4+$0x0], $0xffff  }
0xdc: {  	v5 =	vld.idx.msk [tilespmem:v5+s22+$0x0], $0xffff  }
0xdd: {  	v4 =	vld.idx.msk [tilespmem:v4+s23+$0x0], $0xffff;
	_ =	sdelay $0x4  }
0xde: {  	v2 =	vadd.f32 v2, v5  }
0xdf: {  	v3 =	vadd.f32 v4, v3  }
0xe0: {  	v4 =	vmul.f32 $2.000000030e-01, v2  }
0xe1: {  	vm0 =	vgt.f32 v2, $0.0e+00;
	v5 =	vmul.f32 $2.000000030e-01, v3  }
0xe2: {  	vm1 =	vgt.f32 v3, $0.0e+00;
	v2 =	vsel vm0, v2, v4  }
0xe3: {  	v3 =	vsel vm1, v3, v5;
	v4 =	vsub.f32 v2, v1  }
0xe4: {  	v5 =	vsub.f32 v3, v0  }
0xe5: {  	v4 =	vmul.f32 $1.442695020e+00, v4  }
0xe6: {  	v5 =	vmul.f32 $1.442695020e+00, v5  }
0xe7: {  	(erf) = vpow2.f32 v4  }
0xe8: {  	(erf) = vpow2.f32 v5;
	_ =	sdelay $0x2  }
0xe9: {  	v4 =	vld [tilespmem:$0x9FA0];
	_ =	sdelay $0x1  }
0xea: {  	v5 =	vld [tilespmem:$0x9F20];
	_ =	sdelay $0x1  }
0xeb: {  	[tilespmem:$0xA090] =	vst v2  }
0xec: {  	[tilespmem:$0xA010] =	vst v3;
	v2 =	vpop (erf)  }
0xed: {  	[tilespmem:$0xA190] =	vst v2;
	v2 =	vpop (erf)  }
0xee: {  	[tilespmem:$0xA110] =	vst v2  }
0xef: {  	v2 =	vld.idx.msk [tilespmem:v4+s24+$0x0], $0xffff  }
0xf0: {  	v3 =	vld.idx.msk [tilespmem:v4+s23+$0x0], $0xffff  }
0xf1: {  	v4 =	vld.idx.msk [tilespmem:v5+s4+$0x0], $0xffff  }
0xf2: {  	v5 =	vld.idx.msk [tilespmem:v5+s22+$0x0], $0xffff;
	_ =	sdelay $0x4  }
0xf3: {  	v3 =	vadd.f32 v3, v4  }
0xf4: {  	v2 =	vadd.f32 v2, v5  }
0xf5: {  	v4 =	vmul.f32 $2.000000030e-01, v3  }
0xf6: {  	vm0 =	vgt.f32 v3, $0.0e+00;
	v5 =	vmul.f32 $2.000000030e-01, v2  }
0xf7: {  	v3 =	vsel vm0, v3, v4;
	vm0 =	vgt.f32 v2, $0.0e+00  }
0xf8: {  	v2 =	vsel vm0, v2, v5;
	[tilespmem:$0xA020] =	vst v3;
	v3 =	vsub.f32 v3, v0  }
0xf9: {  	[tilespmem:$0xA0A0] =	vst v2;
	v2 =	vsub.f32 v2, v1  }
0xfa: {  	v3 =	vmul.f32 $1.442695020e+00, v3  }
0xfb: {  	v2 =	vmul.f32 $1.442695020e+00, v2  }
0xfc: {  	(erf) = vpow2.f32 v3  }
0xfd: {  	(erf) = vpow2.f32 v2;
	_ =	sdelay $0x2  }
0xfe: {  	v2 =	vld [tilespmem:$0x9F30]  }
0xff: {  	v3 =	vld [tilespmem:$0x9FB0];
	_ =	sdelay $0x3  }
0x100: {  	v4 =	vpop (erf)  }
0x101: {  	[tilespmem:$0xA120] =	vst v4;
	v4 =	vpop (erf)  }
0x102: {  	[tilespmem:$0xA1A0] =	vst v4  }
0x103: {  	v4 =	vld.idx.msk [tilespmem:v2+s4+$0x0], $0xffff  }
0x104: {  	v5 =	vld.idx.msk [tilespmem:v3+s23+$0x0], $0xffff  }
0x105: {  	v2 =	vld.idx.msk [tilespmem:v2+s22+$0x0], $0xffff  }
0x106: {  	v3 =	vld.idx.msk [tilespmem:v3+s24+$0x0], $0xffff;
	_ =	sdelay $0x3  }
0x107: {  	v4 =	vadd.f32 v5, v4;
	_ =	sdelay $0x1  }
0x108: {  	v5 =	vmul.f32 $2.000000030e-01, v4;
	v2 =	vadd.f32 v3, v2  }
0x109: {  	vm0 =	vgt.f32 v4, $0.0e+00  }
0x10a: {  	v3 =	vsel vm0, v4, v5;
	v4 =	vmul.f32 $2.000000030e-01, v2  }
0x10b: {  	vm0 =	vgt.f32 v2, $0.0e+00;
	[tilespmem:$0xA030] =	vst v3;
	v3 =	vsub.f32 v3, v0  }
0x10c: {  	v2 =	vsel vm0, v2, v4  }
0x10d: {  	[tilespmem:$0xA0B0] =	vst v2;
	v3 =	vmul.f32 $1.442695020e+00, v3;
	v2 =	vsub.f32 v2, v1;
	_ =	sdelay $0x1  }
0x10e: {  	v2 =	vmul.f32 $1.442695020e+00, v2;
	(erf) = vpow2.f32 v3;
	_ =	sdelay $0x1  }
0x10f: {  	(erf) = vpow2.f32 v2;
	_ =	sdelay $0x2  }
0x110: {  	v2 =	vld [tilespmem:$0x9F40]  }
0x111: {  	v3 =	vld [tilespmem:$0x9FC0];
	_ =	sdelay $0x2  }
0x112: {  	v4 =	vpop (erf)  }
0x113: {  	[tilespmem:$0xA130] =	vst v4  }
0x114: {  	v4 =	vpop (erf)  }
0x115: {  	[tilespmem:$0xA1B0] =	vst v4  }
0x116: {  	v4 =	vld.idx.msk [tilespmem:v2+s4+$0x0], $0xffff  }
0x117: {  	v5 =	vld.idx.msk [tilespmem:v3+s23+$0x0], $0xffff  }
0x118: {  	v3 =	vld.idx.msk [tilespmem:v3+s24+$0x0], $0xffff  }
0x119: {  	v2 =	vld.idx.msk [tilespmem:v2+s22+$0x0], $0xffff;
	_ =	sdelay $0x3  }
0x11a: {  	v4 =	vadd.f32 v5, v4;
	_ =	sdelay $0x1  }
0x11b: {  	v5 =	vmul.f32 $2.000000030e-01, v4;
	v2 =	vadd.f32 v3, v2  }
0x11c: {  	vm0 =	vgt.f32 v4, $0.0e+00  }
0x11d: {  	v3 =	vsel vm0, v4, v5;
	vm0 =	vgt.f32 v2, $0.0e+00;
	v4 =	vmul.f32 $2.000000030e-01, v2  }
0x11e: {  	[tilespmem:$0xA040] =	vst v3;
	v3 =	vsub.f32 v3, v0  }
0x11f: {  	v2 =	vsel vm0, v2, v4  }
0x120: {  	[tilespmem:$0xA0C0] =	vst v2;
	v3 =	vmul.f32 $1.442695020e+00, v3;
	v2 =	vsub.f32 v2, v1;
	_ =	sdelay $0x1  }
0x121: {  	v2 =	vmul.f32 $1.442695020e+00, v2;
	(erf) = vpow2.f32 v3;
	_ =	sdelay $0x1  }
0x122: {  	(erf) = vpow2.f32 v2;
	_ =	sdelay $0x5  }
.Ltmp0:
0x123: {  	(pc) =	sbr.rel @p0 .LBB2_2-.Ltmp0, $4  }
0x124: {  	v2 =	vpop (erf)  }
0x125: {  	[tilespmem:$0xA140] =	vst v2  }
0x126: {  	s10 =	sadd.s32 s8, s18;
	v2 =	vpop (erf)  }
0x127: {  	[tilespmem:$0xA1C0] =	vst v2  }
0x128: {  	[hbm4b:s10+s4] =	stream.linear.scatter [tilespmem:s30], [sflag:$0x1], $0x50, $0x38;
	[tilespmem:$0xA700] =	vst v63  }
0x129: {  	_ =	swait.ge [sflag:s21], $0x50  }
0x12a: {  	[sflag:s21] =	ssyncset.done $0x0  }
0x12b: {  	s8 =	sadd.s32 s8, s17;
	[sflag:s21] =	ssyncadd.s32 $0xFFFFFFB0  }
0x12c: {  	[hbm4b:s8+s4] =	stream.linear.scatter [tilespmem:s31], [sflag:$0x1], $0x50, $0x38;
	[tilespmem:$0xA700] =	vst v63  }
0x12d: {  	_ =	swait.ge [sflag:s21], $0x50  }
0x12e: {  	[sflag:s21] =	ssyncset.done $0x0  }
0x12f: {  	[sflag:s21] =	ssyncadd.s32 $0xFFFFFFB0  }
0x130: {  	[spmem:s2] =	stream.indirect.scatter.add.f32 [tilespmem:s25], [sflag:$0x1], $0x1, s29, s0, $0xb8;
	[tilespmem:$0xA700] =	vst v63  }
0x131: {  	_ =	swait.ge [sflag:s21], $0x50  }
0x132: {  	[sflag:s21] =	ssyncset.done $0x0  }
0x133: {  	[sflag:s21] =	ssyncadd.s32 $0xFFFFFFB0  }
0x134: {  	[spmem:s3] =	stream.indirect.scatter.add.f32 [tilespmem:s26], [sflag:$0x1], $0x1, s29, s0, $0xb8;
	[tilespmem:$0xA700] =	vst v63  }
0x135: {  	_ =	swait.ge [sflag:s21], $0x50  }
0x136: {  	[sflag:s21] =	ssyncset.done $0x0  }
0x137: {  	[sflag:s21] =	ssyncadd.s32 $0xFFFFFFB0  }
0x138: {  	[bflag:$0x0] =	sbarrier.arrive $0xFFFF  }
0x139: {  	[hbm:s14], [sflag:s5] =	dma.local [spmem:s6], $0x50  }
0x13a: {  	s1 =	sadd.s32 $0x1, s1;
	_ =	swait.ge [sflag:s21], $0x50  }
0x13b: {  	p0 =	sne.s32 s1, s16;
	[sflag:s21] =	ssyncset.done $0x0  }
.Ltmp1:
0x13c: {  	[sflag:s21] =	ssyncadd.s32 $0xFFFFFFB0;
	(pc) =	sbr.rel @p0 .LBB2_1-.Ltmp1, $4  }
0x13d: {  	[hbm:s15], [sflag:s5] =	dma.local [spmem:s7], $0x50  }
0x13e: {  	_ =	swait.ge [sflag:s21], $0x50  }
0x13f: {  	[sflag:s21] =	ssyncset.done $0x0  }
0x140: {  	[sflag:s21] =	ssyncadd.s32 $0xFFFFFFB0  }
0x141: {  	_ =	sfence.sel $0x180000  }
0x142: {  	[bflag:$0x0] =	sbarrier.arrive $0xFFFF  }
0x143: {  	_ =	strace $0x9000004D  }
0x144: {  	s0 =	stileid.u32;
	[bflag:$0x2] =	sbarrier.arrive $0xFFFF  }
0x145: {  	p0 =	sne.s32 s0, $0x0;
	s0 =	rddreg [dreg:$0x3]  }
0x146: {  	s0 =	sadd.s32 @!p0 $0x100000, s0  }
0x147: {  	[sflag:s0] =	ssyncadd.tile.s32 @!p0 $0x1;
	_ =	shalt  }
.Lfunc_end2:
_tile_overlayer_lowered:
.L_overlay_start_2:
0x148: {  	(tag) =	ssettag $0x2  }
0x149: {  	s0 =	rddreg [dreg:$0x0];
	s2 =	stileid.u32  }
0x14a: {  	s1 =	rddreg [dreg:$0x1];
	p0 =	sne.s32 s2, $0x0  }
0x14b: {  	s3 =	rddreg [dreg:$0x2];
	[bflag:$0x3] =	sbarrier.arrive $0xFFFF;
	s2 =	simm.s32 @!p0 $0x1C01  }
0x14c: {  	[timem:s3], [sflag:s2] =	dma.local @!p0 [hbm:s0], s1  }
0x14d: {  	s0 =	simm.s32 @!p0 $0x1  }
0x14e: {  	_ =	swait.ge @!p0 [sflag:s0], s1  }
0x14f: {  	s1 =	ssub.s32 @!p0 $0x0, s1;
	[sflag:s0] =	ssyncset.done @!p0 $0x0  }
0x150: {  	[sflag:s0] =	ssyncadd.s32 @!p0 s1  }
0x151: {  	[bflag:$0x3] =	sbarrier.arrive $0xFFFF  }
0x152: {  	_ =	shalt  }

// kernel: kernel.22.cloned.1.call-start
scs
__scs_entry_jumppad:
0x0: {  	(pc) =	sbr.rel $0x88, $3  }
0x1: {  	(tag) =	ssettag $0x0;
	lr =	simm.s32 $0x1  }
0x2: {  	[smem:$0x3F98] =	sst lr;
	_ =	strace $0xD0000000  }
0x3: {  	_ = 	snop  }
0x4: {  	_ = 	snop  }
0x5: {  	_ = 	snop  }
0x6: {  	_ = 	snop  }
0x7: {  	_ = 	snop  }
__scs_overlays_trampoline_lowered:
0x8: {  	[smem:$0x3FA7] =	sst s0  }
0x9: {  	[smem:$0x3FA8] =	sst s1  }
0xa: {  	[smem:$0x3FA9] =	sst s2  }
0xb: {  	[smem:$0x3FAA] =	sst s3  }
0xc: {  	[smem:$0x3FAB] =	sst s4  }
0xd: {  	[smem:$0x3FAC] =	sst s5  }
0xe: {  	[smem:$0x3FAD] =	sst s6  }
0xf: {  	[smem:$0x3FAE] =	sst s7  }
0x10: {  	[smem:$0x3FAF] =	sst s8  }
0x11: {  	[smem:$0x3FB0] =	sst s9;
	s0 =	simm.s32 @!p0 $0x0  }
0x12: {  	s1 =	sld [smem:$0x3F96];
	s0 =	simm.s32 @p0 $0x1  }
0x13: {  	[smem:$0x3FB1] =	sst s0;
	s0 =	simm.s32 @!p1 $0x0  }
0x14: {  	s2 =	sld [smem:$0x3F95];
	s0 =	simm.s32 @p1 $0x1  }
0x15: {  	[smem:$0x3FB2] =	sst s0;
	s0 =	simm.s32 @!p2 $0x0  }
0x16: {  	s3 =	sld [smem:$0x3FDB];
	s0 =	simm.s32 @p2 $0x1  }
0x17: {  	s4 =	simm.s32 $0x1BF5;
	[smem:$0x3FB4] =	sst s0  }
0x18: {  	s0 =	sld [smem:$0x3F97];
	_ =	swait.ge [sflag:s4], $0x0  }
0x19: {  	s7 =	sld [smem:$0x3F98]  }
0x1a: {  	s8 =	sadd.s32 $0xFFFFE003, lr  }
0x1b: {  	s9 =	sadd.s32 $0xFFFFFEF7, lr;
	s5 =	simm.s32 $0xFFFFFFFF;
	p2 =	slt.u32 s8, $0xFFFFF086  }
0x1c: {  	p1 =	slt.u32 s9, $0xF7A;
	s5 =	simm.s32 @!p2 $0x0  }
0x1d: {  	s5 =	simm.s32 @p1 $0x1;
	p0 =	seq.s32 s7, s2  }
0x1e: {  	s7 =	smul.u32 @!p0 $0xF7A, s2;
	p2 =	seq.s32 @!p0 s5, $0x0  }
0x1f: {  	s9 =	smul.u32 $0xF7A, s1;
	s8 =	simm.s32 @!p0 $0x1BF5;
	p2 =	por !p2, p0  }
0x20: {  	[sflag:s8] =	ssyncset.s32 @!p0 $0xFFFFF086;
	s6 =	sadd.s32 @!p0 s3, s7;
	s7 =	simm.s32 @!p0 $0x108  }
0x21: {  	s3 =	sadd.s32 s3, s9;
	s6 =	sadd.s32 @!p0 $0x88, s6;
	s7 =	simm.s32 @p2 $0x1082  }
0x22: {  	[simem:s7], [sflag:s8] =	dma.local @!p0 [hbm:s6], $0xF7A  }
0x23: {  	s9 =	sor.u32 $0xD0000000, s2;
	s6 =	simm.s32 $0x108;
	_ =	swait.ge @!p0 [sflag:s8], $0x0  }
0x24: {  	s3 =	sadd.s32 $0x88, s3;
	s6 =	simm.s32 @!p1 $0x1082;
	[sflag:s4] =	ssyncset.s32 $0xFFFFF086  }
0x25: {  	[simem:s6], [sflag:s4] =	dma.local [hbm:s3], $0xF7A  }
0x26: {  	[smem:$0x3F98] =	sst s1;
	(tag) =	ssettag s2;
	_ =	strace s9  }
0x27: {  	s1 =	sld [smem:$0x3FA8]  }
0x28: {  	s2 =	sld [smem:$0x3FA9]  }
0x29: {  	s4 =	sld [smem:$0x3FAB]  }
0x2a: {  	p0 =	seq.s32 s5, $0x0;
	s5 =	sld [smem:$0x3FAC]  }
0x2b: {  	s6 =	sld [smem:$0x3FAD]  }
0x2c: {  	s7 =	sld [smem:$0x3FAE]  }
0x2d: {  	s3 =	simm.s32 $0x108;
	s8 =	sld [smem:$0x3FAF]  }
0x2e: {  	s3 =	simm.s32 @!p0 $0x1082;
	s9 =	sld [smem:$0x3FB0]  }
0x2f: {  	lr =	sadd.s32 s0, s3;
	s0 =	sld [smem:$0x3FA7]  }
0x30: {  	s3 =	sld [smem:$0x3FAA]  }
0x31: {  	[smem:$0x3FB3] =	sst s10  }
0x32: {  	s10 =	sld [smem:$0x3FB1];
	_ =	sdelay $0x3  }
0x33: {  	p0 =	seq.s32 s10, $0x1;
	s10 =	sld [smem:$0x3FB3];
	_ =	sdelay $0x3  }
0x34: {  	[smem:$0x3FB3] =	sst s10  }
0x35: {  	s10 =	sld [smem:$0x3FB2];
	_ =	sdelay $0x3  }
0x36: {  	p1 =	seq.s32 s10, $0x1;
	s10 =	sld [smem:$0x3FB3];
	_ =	sdelay $0x3  }
0x37: {  	[smem:$0x3FB3] =	sst s10  }
0x38: {  	s10 =	sld [smem:$0x3FB4]  }
0x39: {  	_ = 	snop;
	(pc) =	sbr.ind lr, $3  }
0x3a: {  	_ = 	snop  }
0x3b: {  	_ = 	snop  }
0x3c: {  	p2 =	seq.s32 s10, $0x1;
	s10 =	sld [smem:$0x3FB3]  }
0x3d: {  	_ =	shalt  }
0x3e: {  	_ =	shalt  }
0x3f: {  	_ =	shalt  }
0x40: {  	_ =	shalt  }
0x41: {  	_ =	shalt  }
0x42: {  	_ =	shalt  }
0x43: {  	_ =	shalt  }
0x44: {  	_ =	shalt  }
0x45: {  	_ =	shalt  }
0x46: {  	_ =	shalt  }
0x47: {  	_ =	shalt  }
0x48: {  	_ =	shalt  }
0x49: {  	_ =	shalt  }
0x4a: {  	_ =	shalt  }
0x4b: {  	_ =	shalt  }
0x4c: {  	_ =	shalt  }
0x4d: {  	_ =	shalt  }
0x4e: {  	_ =	shalt  }
0x4f: {  	_ =	shalt  }
0x50: {  	_ =	shalt  }
0x51: {  	_ =	shalt  }
0x52: {  	_ =	shalt  }
0x53: {  	_ =	shalt  }
0x54: {  	_ =	shalt  }
0x55: {  	_ =	shalt  }
0x56: {  	_ =	shalt  }
0x57: {  	_ =	shalt  }
0x58: {  	_ =	shalt  }
0x59: {  	_ =	shalt  }
0x5a: {  	_ =	shalt  }
0x5b: {  	_ =	shalt  }
0x5c: {  	_ =	shalt  }
0x5d: {  	_ =	shalt  }
0x5e: {  	_ =	shalt  }
0x5f: {  	_ =	shalt  }
0x60: {  	_ =	shalt  }
0x61: {  	_ =	shalt  }
0x62: {  	_ =	shalt  }
0x63: {  	_ =	shalt  }
0x64: {  	_ =	shalt  }
0x65: {  	_ =	shalt  }
0x66: {  	_ =	shalt  }
0x67: {  	_ =	shalt  }
0x68: {  	_ =	shalt  }
0x69: {  	_ =	shalt  }
0x6a: {  	_ =	shalt  }
0x6b: {  	_ =	shalt  }
0x6c: {  	_ =	shalt  }
0x6d: {  	_ =	shalt  }
0x6e: {  	_ =	shalt  }
0x6f: {  	_ =	shalt  }
0x70: {  	_ =	shalt  }
0x71: {  	_ =	shalt  }
0x72: {  	_ =	shalt  }
0x73: {  	_ =	shalt  }
0x74: {  	_ =	shalt  }
0x75: {  	_ =	shalt  }
0x76: {  	_ =	shalt  }
0x77: {  	_ =	shalt  }
0x78: {  	_ =	shalt  }
0x79: {  	_ =	shalt  }
0x7a: {  	_ =	shalt  }
0x7b: {  	_ =	shalt  }
0x7c: {  	_ =	shalt  }
0x7d: {  	_ =	shalt  }
0x7e: {  	_ =	shalt  }
0x7f: {  	_ =	shalt  }
0x80: {  	_ =	shalt  }
0x81: {  	_ =	shalt  }
0x82: {  	_ =	shalt  }
0x83: {  	_ =	shalt  }
0x84: {  	_ =	shalt  }
0x85: {  	_ =	shalt  }
0x86: {  	_ =	shalt  }
0x87: {  	_ =	shalt  }
.Lfunc_end0:
.L_simem_size_0:
called_computation.3_lowered:
.L_overlay_start_0:
0x88: {  	s2 =	sld [smem:$0x3FD9]  }
0x89: {  	s3 =	sld [smem:$0x3FFE];
	_ =	sdelay $0x1  }
0x8a: {  	s1 =	srdreg.scid  }
0x8b: {  	s0 =	sand.u32 $0x1, s1  }
0x8c: {  	s17 =	sshll.u32 s0, $0xA;
	s2 =	sadd.s32 s3, s2  }
0x8d: {  	s2 =	sadd.s32 s2, s17  }
0x8e: {  	[smem:$0x3FBF] =	sst s2  }
0x8f: {  	_ = 	snop  }
0x90: {  	s2 =	sld [smem:$0x3FD0];
	(tm) =	ssettm $0x1  }
0x91: {  	s18 =	sld [smem:$0x3FFB];
	_ =	sdelay $0x3  }
0x92: {  	_ =	strace s18  }
0x93: {  	s3 =	sld [smem:$0x3FFC];
	_ =	sdelay $0x3  }
0x94: {  	_ =	strace s3  }
0x95: {  	s3 =	sld [smem:$0x3FFD];
	_ =	sdelay $0x3  }
0x96: {  	_ =	strace s3  }
0x97: {  	_ =	strace $0x8FFFFFFF  }
0x98: {  	s19 =	sld [smem:$0x3FDB];
	_ =	sdelay $0x1  }
0x99: {  	s4 =	simm.s32 $_scs_section_size  }
0x9a: {  	s5 =	simm.s32 $_size__tile_overlayer_lowered;
	s6 =	simm.s32 $_tile_overlayer_lowered  }
0x9b: {  	s22 =	simm.s32 $0x1BFF;
	s21 =	sshll.u32 s6, $0x1;
	s3 =	sadd.s32 s4, s19  }
0x9c: {  	s7 =	simm.s32 $0x0;
	s20 =	sshll.u32 s5, $0x1;
	s5 =	sadd.s32 s21, s3  }
0x9d: {  	[timem:s7], [sflag:s22] =	dma.local [hbm:s5], s20  }
0x9e: {  	_ =	swait.ge [sflag:s22], s20  }
0x9f: {  	s4 =	ssub.s32 $0x0, s20;
	[sflag:s22] =	ssyncset.done $0x0  }
0xa0: {  	[sflag:s22] =	ssyncadd.s32 s4;
	_ =	sdelay $0x1  }
0xa1: {  	s23 =	simm.s32 $0x1B8B  }
0xa2: {  	_ =	swait.ge [sflag:s23], $0x1  }
0xa3: {  	[sflag:s23] =	ssyncset.done $0x0  }
0xa4: {  	s25 =	simm.s32 $0x1B8E;
	s24 =	sld [smem:$0x3FFE];
	[sflag:s23] =	ssyncadd.s32 $0xFFFFFFFF  }
0xa5: {  	s26 =	simm.s32 $execute0_lowered;
	[smem:$0x3FD2] =	sst s25  }
0xa6: {  	s5 =	sshll.u32 s26, $0x1;
	_ =	strace $0x8000004F;
	[dreg:$0x1] =	wrdreg $0xFFFFFFFF  }
0xa7: {  	s28 =	simm.s32 $_size_execute0_lowered;
	s3 =	sadd.s32 s3, s5;
	[dreg:$0x0] =	wrdreg $0x0  }
0xa8: {  	s5 =	sshll.u32 s28, $0x1;
	[dreg:$0x2] =	wrdreg s3  }
0xa9: {  	[dreg:$0x3] =	wrdreg s5  }
0xaa: {  	[dreg:$0x4] =	wrdreg $0xC0  }
0xab: {  	_ =	task [dreg:s7], $0x5FFFF  }
0xac: {  	[dreg:$0x1] =	wrdreg $0xFFFFFFFF  }
0xad: {  	[dreg:$0x0] =	wrdreg $0x60  }
0xae: {  	[dreg:$0x2] =	wrdreg s24  }
0xaf: {  	[dreg:$0x3] =	wrdreg s2  }
0xb0: {  	[dreg:$0x4] =	wrdreg $0x7A800  }
0xb1: {  	[dreg:$0x5] =	wrdreg $0x9  }
0xb2: {  	_ =	task.clear_ibuf [dreg:s7], $0x6FFFF;
	_ =	strace $0x9000004F  }
0xb3: {  	s29 =	simm.s32 $0x9;
	_ =	strace $0x80000051  }
0xb4: {  	_ =	swait.ge [sflag:s29], $0x1  }
0xb5: {  	[sflag:s29] =	ssyncadd.s32 $0xFFFFFFFF  }
0xb6: {  	_ =	strace $0x90000051  }
0xb7: {  	_ =	sfence  }
0xb8: {  	s30 =	sld [smem:$0x0];
	_ =	sdelay $0x2  }
0xb9: {  	s31 =	sshll.u32 s1, $0xD;
	s1 =	sshrl.u32 s1, $0x2  }
0xba: {  	s3 =	sand.u32 $0x4000, s31;
	s1 =	sadd.s32 s1, s30  }
0xbb: {  	s0 =	sor.u32 s3, s0;
	s1 =	sshll.u32 s1, $0x11  }
0xbc: {  	s0 =	sor.u32 s1, s0  }
0xbd: {  	s0 =	sadd.s32 $0x8F2B, s0  }
0xbe: {  	[sflag:s0] =	ssyncadd.remote.s32 $0x1  }
0xbf: {  	_ =	sfence.sel $0xFFFF  }
0xc0: {  	[dreg:$0x0] =	wrdreg $0xFFFFFFFF;
	(pc) =	sbr.abs _section_cstart, $3  }
0xc1: {  	[dreg:$0x1] =	wrdreg $0xFFFFFFFF  }
0xc2: {  	_ =	task.clear_ibuf [dreg:s7], $0x2FFFF;
	_ =	strace $0x9FFFFFFF  }
0xc3: {  	(tm) =	ssettm $0x7FFFFFFF  }
tec
execute0_lowered:
.L_overlay_start_1:
0x0: {  	(tag) =	ssettag $0x1  }
0x1: {  	s0 =	rddreg [dreg:$0x0]  }
0x2: {  	s1 =	rddreg [dreg:$0x1]  }
0x3: {  	s2 =	rddreg [dreg:$0x2];
	s3 =	simm.s32 $0x0  }
0x4: {  	s4 =	srdreg.scid;
	s13 =	stileid.u32;
	s18 =	simm.s32 $0x3  }
0x5: {  	s20 =	simm.s32 $0x2880;
	s21 =	simm.s32 $0x50;
	s28 =	simm.s32 $0x1  }
0x6: {  	s29 =	simm.s32 $0x2980;
	s30 =	simm.s32 $0x2A00;
	s9 =	smul.u32 $0x2800, s13  }
0x7: {  	s31 =	simm.s32 $0x2;
	[smem:$0x7FF] =	sst s3;
	s12 =	smul.u32 $0x50000, s13  }
0x8: {  	s4 =	sand.u32 $0x1, s4;
	s5 =	sadd.s32 $0x18E00, s0;
	s24 =	smul.u32 $0x4E20, s13  }
0x9: {  	s7 =	sadd.s32 $0xC600, s0;
	s14 =	sadd.s32 $0x16600, s0;
	s8 =	smul.u32 $0x2710, s4  }
0xa: {  	s13 =	sshll.u32 s13, $0x6;
	_ =	strace $0x80000050;
	s10 =	smul.u32 $0x28000, s4  }
0xb: {  	s22 =	ssub.s32 $0x2, s4;
	[dreg:$0x4] =	wrdreg s14;
	s4 =	smul.u32 $0x4E200, s4  }
0xc: {  	s23 =	sshrl.u32 s22, $0x1;
	s12 =	sshrl.u32 s12, $0x2;
	s25 =	sshrl.u32 s24, $0x3  }
0xd: {  	s6 =	sshrl.u32 s8, $0x3;
	s9 =	sadd.s32 s9, s10;
	s10 =	ssub.s32 s22, s23  }
0xe: {  	s17 =	sadd.s32 s12, s2;
	s14 =	sadd.s32 s24, s4;
	s22 =	simm.s32 $0x2A80  }
0xf: {  	s23 =	simm.s32 $0x2800;
	s11 =	sadd.s32 s6, s0;
	s6 =	sadd.s32 $0x2800, s0  }
0x10: {  	s0 =	sadd.s32 s9, s0;
	s9 =	sor.u32 $0x1C03, s13;
	s13 =	sadd.s32 $0x50, s24  }
.Ltmp0:
0x11: {  	s16 =	smax.u32 s10, $0x1;
	s11 =	sadd.s32 $0x67000, s11;
	(pc) =	sbr.rel .LBB2_1-.Ltmp0, $4  }
0x12: {  	s17 =	sshrl.u32 s17, $0x3;
	s26 =	sadd.s32 s6, s25;
	[dreg:$0x5] =	wrdreg s11  }
0x13: {  	s24 =	simm.s32 $0x4;
	s0 =	sadd.s32 $0x67A00, s0;
	[dreg:$0x6] =	wrdreg s26  }
0x14: {  	s11 =	sadd.s32 s7, s25;
	[dreg:$0x8] =	wrdreg s0;
	s25 =	simm.s32 $0x2900  }
0x15: {  	v0 =	vmov s8;
	s26 =	simm.s32 $0x5280;
	s0 =	simm.s32 $0x0;
	[dreg:$0x7] =	wrdreg s11  }
.LBB2_10:
0x16: {  	s0 =	sadd.s32 $0x1, s0  }
0x17: {  	[bflag:$0x0] =	sbarrier.arrive $0xFFFF;
	p0 =	sne.s32 s0, s16  }
.Ltmp1:
0x18: {  	s4 =	rddreg [dreg:$0x8];
	(pc) =	sbr.rel @!p0 .LBB2_11-.Ltmp1, $4  }
0x19: {  	[hbm:s4], [sflag:s9] =	dma.local [spmem:s17], $0x2800  }
0x1a: {  	_ =	swait.ge [sflag:s18], $0x2800  }
0x1b: {  	[sflag:s18] =	ssyncset.done $0x0  }
0x1c: {  	[sflag:s18] =	ssyncadd.s32 $0xFFFFD800  }
.LBB2_1:
0x1d: {  	s4 =	rddreg [dreg:$0x4]  }
0x1e: {  	[spmem:s17], [sflag:s9] =	dma.local [hbm:s4], $0x2800  }
0x1f: {  	_ =	swait.ge [sflag:s18], $0x2800  }
0x20: {  	[sflag:s18] =	ssyncset.done $0x0  }
0x21: {  	s12 =	rddreg [dreg:$0x5];
	[sflag:s18] =	ssyncadd.s32 $0xFFFFD800  }
0x22: {  	[tilespmem:s3], [sflag:$0x3] =	stream.linear.gather [hbm4b:s12+s3], $0x2710, $0x38;
	[tilespmem:$0x1BA80] =	vst v63  }
0x23: {  	_ =	swait.ge [sflag:s18], $0x2710  }
0x24: {  	[sflag:s18] =	ssyncset.done $0x0  }
0x25: {  	[sflag:s18] =	ssyncadd.s32 $0xFFFFD8F0  }
0x26: {  	[bflag:$0x0] =	sbarrier.arrive $0xFFFF  }
0x27: {  	s8 =	simm.s32 $0x2780;
	s15 =	rddreg [dreg:$0x6]  }
0x28: {  	[tilespmem:s8], [sflag:$0x3] =	stream.linear.gather [hbm4b:s15+s3], $0x50, $0x38;
	[tilespmem:$0x1BA80] =	vst v63  }
0x29: {  	_ =	swait.ge [sflag:s18], $0x50  }
0x2a: {  	[sflag:s18] =	ssyncset.done $0x0  }
0x2b: {  	s19 =	rddreg [dreg:$0x7];
	[sflag:s18] =	ssyncadd.s32 $0xFFFFFFB0  }
0x2c: {  	[tilespmem:s20], [sflag:$0x3] =	stream.linear.gather [hbm4b:s19+s3], $0x50, $0x38;
	[tilespmem:$0x1BA80] =	vst v63  }
0x2d: {  	_ =	swait.ge [sflag:s18], $0x50  }
0x2e: {  	[sflag:s18] =	ssyncset.done $0x0  }
0x2f: {  	[sflag:s18] =	ssyncadd.s32 $0xFFFFFFB0  }
0x30: {  	v1 =	vld [tilespmem:$0x2780]  }
0x31: {  	v2 =	vld [tilespmem:$0x2790]  }
0x32: {  	v3 =	vld [tilespmem:$0x27A0]  }
0x33: {  	v4 =	vld [tilespmem:$0x27B0]  }
0x34: {  	v5 =	vld [tilespmem:$0x27C0]  }
0x35: {  	v1 =	vadd.s32 v0, v1  }
0x36: {  	[tilespmem:$0x2780] =	vst v1;
	v1 =	vadd.s32 v0, v2  }
.Ltmp2:
0x37: {  	[tilespmem:$0x2790] =	vst v1;
	v1 =	vadd.s32 v0, v3;
	(pc) =	sbr.rel .LBB2_2-.Ltmp2, $4  }
0x38: {  	[tilespmem:$0x27A0] =	vst v1;
	v1 =	vadd.s32 v0, v4  }
0x39: {  	[tilespmem:$0x27B0] =	vst v1;
	v1 =	vadd.s32 v0, v5  }
0x3a: {  	s4 =	simm.s32 $0x0;
	[tilespmem:$0x27C0] =	vst v1  }
0x3b: {  	[tilespmem:s22], [sflag:$0x1] =	stream.indirect.gather [hbm4b:s5+s21], $0x80, s8, s21, $0xb8;
	[tilespmem:$0x1BA80] =	vst v63  }
.LBB2_8:
0x3c: {  	[tilespmem:s8+$0x30] =	vst v9  }
0x3d: {  	[tilespmem:s8+$0xFFFFFFC0] =	vst v7  }
0x3e: {  	v1 =	vmul.f32 v1, v2;
	[tilespmem:s8+$0x10] =	vst v8  }
0x3f: {  	v5 =	vmul.f32 v5, v2;
	[tilespmem:s8+$0xFFFFFFE0] =	vst v6  }
0x40: {  	v3 =	vmul.f32 v3, v2;
	[tilespmem:s8+$0xFFFFFFF0] =	vst v1  }
0x41: {  	v1 =	vmul.f32 v4, v2;
	[tilespmem:s8+$0x0] =	vst v5  }
0x42: {  	[tilespmem:s8+$0x20] =	vst v3  }
0x43: {  	[tilespmem:s8+$0xFFFFFFD0] =	vst v1;
	s8 =	simm.s32 $0x3  }
0x44: {  	[spmem:s2] =	stream.indirect.scatter.add.f32 [tilespmem:s26], [sflag:$0x3], $0x80, s25, s21, $0xb8;
	[tilespmem:$0x1BA80] =	vst v63  }
.LBB2_9:
0x45: {  	s4 =	sadd.s32 $0x1, s4  }
0x46: {  	p0 =	sne.s32 s4, $0xFA  }
.Ltmp3:
0x47: {  	_ = 	snop;
	(pc) =	sbr.rel @!p0 .LBB2_10-.Ltmp3, $4  }
0x48: {  	_ = 	snop  }
0x49: {  	_ =	swait.ge [sflag:s8], $0x2800  }
0x4a: {  	[sflag:s8] =	ssyncset.done $0x0  }
0x4b: {  	[sflag:s8] =	ssyncadd.s32 $0xFFFFD800  }
.LBB2_2:
0x4c: {  	s8 =	sand.u32 $0x1, s4  }
0x4d: {  	p0 =	seq.s32 s8, $0x1  }
.Ltmp4:
0x4e: {  	_ = 	snop;
	(pc) =	sbr.rel @p0 .LBB2_6-.Ltmp4, $1  }
0x4f: {  	_ =	sdelay $0x3  }
0x50: {  	s10 =	smul.u32 $0x50, s4;
	_ =	sdelay $0x1  }
0x51: {  	s8 =	sadd.s32 s10, s13  }
0x52: {  	s11 =	sshrl.u32 s8, $0x3  }
0x53: {  	s19 =	simm.s32 $0x0;
	s12 =	sadd.s32 s6, s11  }
0x54: {  	[tilespmem:s23], [sflag:$0x4] =	stream.linear.gather [hbm4b:s12+s19], $0x50, $0x38;
	[tilespmem:$0x1BA80] =	vst v63  }
0x55: {  	_ =	swait.ge [sflag:s24], $0x50  }
0x56: {  	[sflag:s24] =	ssyncset.done $0x0  }
0x57: {  	s11 =	sadd.s32 s7, s11;
	[sflag:s24] =	ssyncadd.s32 $0xFFFFFFB0  }
0x58: {  	[tilespmem:s25], [sflag:$0x4] =	stream.linear.gather [hbm4b:s11+s19], $0x50, $0x38;
	[tilespmem:$0x1BA80] =	vst v63  }
0x59: {  	_ =	swait.ge [sflag:s24], $0x50  }
0x5a: {  	[sflag:s24] =	ssyncset.done $0x0  }
0x5b: {  	[sflag:s24] =	ssyncadd.s32 $0xFFFFFFB0  }
0x5c: {  	v1 =	vld [tilespmem:$0x2800]  }
0x5d: {  	v2 =	vld [tilespmem:$0x2810]  }
0x5e: {  	v3 =	vld [tilespmem:$0x2820]  }
0x5f: {  	v4 =	vld [tilespmem:$0x2830]  }
0x60: {  	v5 =	vld [tilespmem:$0x2840]  }
0x61: {  	v1 =	vadd.s32 v0, v1  }
0x62: {  	[tilespmem:$0x2800] =	vst v1;
	v1 =	vadd.s32 v0, v2  }
0x63: {  	[tilespmem:$0x2810] =	vst v1;
	v1 =	vadd.s32 v0, v3  }
0x64: {  	[tilespmem:$0x2820] =	vst v1;
	v1 =	vadd.s32 v0, v4  }
0x65: {  	[tilespmem:$0x2830] =	vst v1;
	v1 =	vadd.s32 v0, v5  }
0x66: {  	[tilespmem:$0x2840] =	vst v1  }
0x67: {  	[tilespmem:s26], [sflag:$0x2] =	stream.indirect.gather [hbm4b:s5+s21], $0x80, s23, s21, $0xb8;
	[tilespmem:$0x1BA80] =	vst v63  }
0x68: {  	s10 =	sadd.s32 s14, s10;
	_ =	swait.ge [sflag:s28], $0x2800  }
0x69: {  	s10 =	sshrl.u32 s10, $0x3;
	[sflag:s28] =	ssyncset.done $0x0  }
0x6a: {  	s10 =	sadd.s32 s1, s10;
	[sflag:s28] =	ssyncadd.s32 $0xFFFFD800  }
0x6b: {  	[tilespmem:s29], [sflag:$0x4] =	stream.linear.gather [hbm4b:s10+s19], $0x50, $0x38;
	[tilespmem:$0x1BA80] =	vst v63  }
0x6c: {  	_ =	swait.ge [sflag:s24], $0x50  }
0x6d: {  	[sflag:s24] =	ssyncset.done $0x0  }
0x6e: {  	[sflag:s24] =	ssyncadd.s32 $0xFFFFFFB0  }
0x6f: {  	v1 =	vld [tilespmem:$0x2880];
	_ =	sdelay $0x6  }
0x70: {  	v2 =	vld [tilespmem:$0x2980]  }
0x71: {  	v1 =	vld.idx.msk [tilespmem:v1+s19+$0x0], $0xffff;
	_ =	sdelay $0x4  }
0x72: {  	v1 =	vsub.f32 v2, v1;
	_ =	sdelay $0x1  }
0x73: {  	v1 =	vmul.f32 $1.442695020e+00, v1;
	_ =	sdelay $0x1  }
0x74: {  	(erf) = vpow2.f32 v1;
	_ =	sdelay $0x2  }
0x75: {  	v1 =	vld [tilespmem:$0x2890];
	_ =	sdelay $0x5  }
0x76: {  	v2 =	vpop (erf)  }
0x77: {  	[tilespmem:$0x2A00] =	vst v2;
	v2 =	vld [tilespmem:$0x2990]  }
0x78: {  	v1 =	vld.idx.msk [tilespmem:v1+s19+$0x0], $0xffff;
	_ =	sdelay $0x4  }
0x79: {  	v1 =	vsub.f32 v2, v1;
	_ =	sdelay $0x1  }
0x7a: {  	v1 =	vmul.f32 $1.442695020e+00, v1;
	_ =	sdelay $0x1  }
0x7b: {  	(erf) = vpow2.f32 v1;
	_ =	sdelay $0x2  }
0x7c: {  	v1 =	vld [tilespmem:$0x28A0];
	_ =	sdelay $0x5  }
0x7d: {  	v2 =	vpop (erf)  }
0x7e: {  	[tilespmem:$0x2A10] =	vst v2;
	v2 =	vld [tilespmem:$0x29A0]  }
0x7f: {  	v1 =	vld.idx.msk [tilespmem:v1+s19+$0x0], $0xffff;
	_ =	sdelay $0x4  }
0x80: {  	v1 =	vsub.f32 v2, v1;
	_ =	sdelay $0x1  }
0x81: {  	v1 =	vmul.f32 $1.442695020e+00, v1;
	_ =	sdelay $0x1  }
0x82: {  	(erf) = vpow2.f32 v1;
	_ =	sdelay $0x2  }
0x83: {  	v1 =	vld [tilespmem:$0x28B0];
	_ =	sdelay $0x5  }
0x84: {  	v2 =	vpop (erf)  }
0x85: {  	[tilespmem:$0x2A20] =	vst v2;
	v2 =	vld [tilespmem:$0x29B0]  }
0x86: {  	v1 =	vld.idx.msk [tilespmem:v1+s19+$0x0], $0xffff;
	_ =	sdelay $0x4  }
0x87: {  	v1 =	vsub.f32 v2, v1;
	_ =	sdelay $0x1  }
0x88: {  	v1 =	vmul.f32 $1.442695020e+00, v1;
	_ =	sdelay $0x1  }
0x89: {  	(erf) = vpow2.f32 v1;
	_ =	sdelay $0x2  }
0x8a: {  	v1 =	vld [tilespmem:$0x28C0];
	_ =	sdelay $0x5  }
0x8b: {  	v2 =	vpop (erf)  }
0x8c: {  	[tilespmem:$0x2A30] =	vst v2;
	v2 =	vld [tilespmem:$0x29C0]  }
0x8d: {  	v1 =	vld.idx.msk [tilespmem:v1+s19+$0x0], $0xffff;
	_ =	sdelay $0x4  }
0x8e: {  	v1 =	vsub.f32 v2, v1;
	_ =	sdelay $0x1  }
0x8f: {  	v1 =	vmul.f32 $1.442695020e+00, v1;
	_ =	sdelay $0x1  }
0x90: {  	(erf) = vpow2.f32 v1;
	_ =	sdelay $0x8  }
0x91: {  	v2 =	vmov s19;
	v1 =	vpop (erf)  }
0x92: {  	s8 =	simm.s32 $0x2AC0;
	[tilespmem:$0x2A40] =	vst v1  }
0x93: {  	v5 =	vld [tilespmem:s8+$0x30]  }
0x94: {  	v8 =	vld [tilespmem:s8+$0x10]  }
0x95: {  	v6 =	vld [tilespmem:s8+$0xFFFFFFC0]  }
0x96: {  	v2 =	vld.idx.msk [tilespmem:v2+s30+$0x0], $0xffff  }
0x97: {  	v10 =	vld [tilespmem:s8+$0xFFFFFFE0]  }
0x98: {  	v1 =	vld [tilespmem:s8+$0xFFFFFFF0]  }
0x99: {  	v3 =	vld [tilespmem:s8+$0x20]  }
0x9a: {  	v4 =	vld [tilespmem:s8+$0xFFFFFFD0]  }
0x9b: {  	v9 =	vmul.f32 v5, v2;
	v5 =	vld [tilespmem:s8+$0x0]  }
0x9c: {  	v7 =	vmul.f32 v6, v2  }
0x9d: {  	s11 =	simm.s32 $0x2AC0;
	s10 =	simm.s32 $0x1;
	v6 =	vmul.f32 v10, v2;
	v8 =	vmul.f32 v8, v2  }
.LBB2_4:
0x9e: {  	p0 =	sne.s32 s10, $0x4F  }
0x9f: {  	v4 =	vmul.f32 v4, v2;
	v3 =	vmul.f32 v3, v2;
	[tilespmem:s8+$0x30] =	vst v9;
	s11 =	sadd.s32 $0x80, s11;
	s12 =	smov.u32 s10;
	s10 =	sadd.s32 $0x1, s10  }
0xa0: {  	[tilespmem:s8+$0xFFFFFFC0] =	vst v7;
	v7 =	vmul.f32 v1, v2;
	v2 =	vmul.f32 v5, v2  }
0xa1: {  	[tilespmem:s8+$0x10] =	vst v8  }
0xa2: {  	v5 =	vmov s12;
	[tilespmem:s8+$0xFFFFFFE0] =	vst v6  }
0xa3: {  	v1 =	vld [tilespmem:s11+$0xFFFFFFF0];
	[tilespmem:s8+$0xFFFFFFF0] =	vst v7  }
0xa4: {  	v6 =	vld [tilespmem:s11+$0x30];
	[tilespmem:s8+$0x0] =	vst v2  }
0xa5: {  	v8 =	vld [tilespmem:s11+$0x10];
	[tilespmem:s8+$0x20] =	vst v3  }
0xa6: {  	v7 =	vld [tilespmem:s11+$0xFFFFFFC0];
	[tilespmem:s8+$0xFFFFFFD0] =	vst v4;
	s8 =	smov.u32 s11  }
0xa7: {  	v2 =	vld.idx.msk [tilespmem:v5+s30+$0x0], $0xffff  }
0xa8: {  	v10 =	vld [tilespmem:s11+$0xFFFFFFE0]  }
0xa9: {  	v3 =	vld [tilespmem:s11+$0x20]  }
.Ltmp5:
0xaa: {  	v4 =	vld [tilespmem:s11+$0xFFFFFFD0];
	(pc) =	sbr.rel @p0 .LBB2_4-.Ltmp5, $3  }
0xab: {  	v5 =	vld [tilespmem:s11+$0x0];
	_ =	sdelay $0x1  }
0xac: {  	v7 =	vmul.f32 v7, v2;
	v9 =	vmul.f32 v6, v2  }
0xad: {  	v8 =	vmul.f32 v8, v2;
	v6 =	vmul.f32 v10, v2  }
0xae: {  	[tilespmem:s8+$0x30] =	vst v9  }
0xaf: {  	[tilespmem:s8+$0xFFFFFFC0] =	vst v7  }
0xb0: {  	v1 =	vmul.f32 v1, v2;
	[tilespmem:s8+$0x10] =	vst v8  }
0xb1: {  	v3 =	vmul.f32 v3, v2;
	[tilespmem:s8+$0xFFFFFFE0] =	vst v6  }
.Ltmp6:
0xb2: {  	v5 =	vmul.f32 v5, v2;
	[tilespmem:s8+$0xFFFFFFF0] =	vst v1;
	(pc) =	sbr.rel .LBB2_9-.Ltmp6, $4  }
0xb3: {  	v1 =	vmul.f32 v4, v2;
	[tilespmem:s8+$0x20] =	vst v3  }
0xb4: {  	[tilespmem:s8+$0x0] =	vst v5  }
0xb5: {  	[tilespmem:s8+$0xFFFFFFD0] =	vst v1;
	s8 =	simm.s32 $0x4  }
0xb6: {  	[spmem:s2] =	stream.indirect.scatter.add.f32 [tilespmem:s22], [sflag:$0x4], $0x80, s20, s21, $0xb8;
	[tilespmem:$0x1BA80] =	vst v63  }
.LBB2_6:
0xb7: {  	p0 =	seq.s32 s4, $0xF9  }
0xb8: {  	s8 =	smul.u32 @!p0 $0x50, s4;
	_ =	sdelay $0x1  }
0xb9: {  	s10 =	sadd.s32 @!p0 s8, s13  }
0xba: {  	s10 =	sshrl.u32 @!p0 s10, $0x3  }
0xbb: {  	s12 =	simm.s32 @!p0 $0x0;
	s19 =	simm.s32 @!p0 $0x2780;
	s11 =	sadd.s32 @!p0 s6, s10  }
0xbc: {  	[tilespmem:s19], [sflag:$0x4] =	stream.linear.gather @!p0 [hbm4b:s11+s12], $0x50, $0x38;
	[tilespmem:$0x1BA80] =	vst v63  }
0xbd: {  	s11 =	simm.s32 @!p0 $0x4  }
0xbe: {  	_ =	swait.ge @!p0 [sflag:s11], $0x50  }
0xbf: {  	[sflag:s11] =	ssyncset.done @!p0 $0x0  }
0xc0: {  	s15 =	simm.s32 @!p0 $0x2880;
	s10 =	sadd.s32 @!p0 s7, s10;
	[sflag:s11] =	ssyncadd.s32 @!p0 $0xFFFFFFB0  }
0xc1: {  	[tilespmem:s15], [sflag:$0x4] =	stream.linear.gather @!p0 [hbm4b:s10+s12], $0x50, $0x38;
	[tilespmem:$0x1BA80] =	vst v63  }
0xc2: {  	_ =	swait.ge @!p0 [sflag:s11], $0x50  }
0xc3: {  	[sflag:s11] =	ssyncset.done @!p0 $0x0  }
0xc4: {  	[sflag:s11] =	ssyncadd.s32 @!p0 $0xFFFFFFB0  }
0xc5: {  	v1 =	vld @!p0 [tilespmem:$0x2780]  }
0xc6: {  	v2 =	vld @!p0 [tilespmem:$0x2790]  }
0xc7: {  	v3 =	vld @!p0 [tilespmem:$0x27A0]  }
0xc8: {  	v4 =	vld @!p0 [tilespmem:$0x27B0]  }
0xc9: {  	v5 =	vld @!p0 [tilespmem:$0x27C0]  }
0xca: {  	v1 =	vadd.s32 @!p0 v0, v1  }
0xcb: {  	[tilespmem:$0x2780] =	vst @!p0 v1;
	v1 =	vadd.s32 @!p0 v0, v2  }
0xcc: {  	[tilespmem:$0x2790] =	vst @!p0 v1;
	v1 =	vadd.s32 @!p0 v0, v3  }
0xcd: {  	[tilespmem:$0x27A0] =	vst @!p0 v1;
	v1 =	vadd.s32 @!p0 v0, v4  }
0xce: {  	[tilespmem:$0x27B0] =	vst @!p0 v1;
	v1 =	vadd.s32 @!p0 v0, v5  }
0xcf: {  	s8 =	simm.s32 @p0 $0x4DD0;
	s10 =	simm.s32 @!p0 $0x50;
	s11 =	simm.s32 @!p0 $0x2A80;
	[tilespmem:$0x27C0] =	vst @!p0 v1  }
0xd0: {  	[tilespmem:s11], [sflag:$0x1] =	stream.indirect.gather @!p0 [hbm4b:s5+s10], $0x80, s19, s10, $0xb8;
	[tilespmem:$0x1BA80] =	vst v63  }
0xd1: {  	s8 =	sadd.s32 s8, s14;
	_ =	swait.ge [sflag:s31], $0x2800  }
0xd2: {  	s8 =	sshrl.u32 s8, $0x3;
	[sflag:s31] =	ssyncset.done $0x0  }
0xd3: {  	s8 =	sadd.s32 s1, s8;
	s19 =	simm.s32 $0x0;
	[sflag:s31] =	ssyncadd.s32 $0xFFFFD800  }
0xd4: {  	[tilespmem:s29], [sflag:$0x4] =	stream.linear.gather [hbm4b:s8+s19], $0x50, $0x38;
	[tilespmem:$0x1BA80] =	vst v63  }
0xd5: {  	_ =	swait.ge [sflag:s24], $0x50  }
0xd6: {  	[sflag:s24] =	ssyncset.done $0x0  }
0xd7: {  	[sflag:s24] =	ssyncadd.s32 $0xFFFFFFB0  }
0xd8: {  	v1 =	vld [tilespmem:$0x2900];
	_ =	sdelay $0x6  }
0xd9: {  	v2 =	vld [tilespmem:$0x2980]  }
0xda: {  	v1 =	vld.idx.msk [tilespmem:v1+s19+$0x0], $0xffff;
	_ =	sdelay $0x4  }
0xdb: {  	v1 =	vsub.f32 v2, v1;
	_ =	sdelay $0x1  }
0xdc: {  	v1 =	vmul.f32 $1.442695020e+00, v1;
	_ =	sdelay $0x1  }
0xdd: {  	(erf) = vpow2.f32 v1;
	_ =	sdelay $0x2  }
0xde: {  	v1 =	vld [tilespmem:$0x2910];
	_ =	sdelay $0x5  }
0xdf: {  	v2 =	vpop (erf)  }
0xe0: {  	[tilespmem:$0x2A00] =	vst v2;
	v2 =	vld [tilespmem:$0x2990]  }
0xe1: {  	v1 =	vld.idx.msk [tilespmem:v1+s19+$0x0], $0xffff;
	_ =	sdelay $0x4  }
0xe2: {  	v1 =	vsub.f32 v2, v1;
	_ =	sdelay $0x1  }
0xe3: {  	v1 =	vmul.f32 $1.442695020e+00, v1;
	_ =	sdelay $0x1  }
0xe4: {  	(erf) = vpow2.f32 v1;
	_ =	sdelay $0x2  }
0xe5: {  	v1 =	vld [tilespmem:$0x2920];
	_ =	sdelay $0x5  }
0xe6: {  	v2 =	vpop (erf)  }
0xe7: {  	[tilespmem:$0x2A10] =	vst v2;
	v2 =	vld [tilespmem:$0x29A0]  }
0xe8: {  	v1 =	vld.idx.msk [tilespmem:v1+s19+$0x0], $0xffff;
	_ =	sdelay $0x4  }
0xe9: {  	v1 =	vsub.f32 v2, v1;
	_ =	sdelay $0x1  }
0xea: {  	v1 =	vmul.f32 $1.442695020e+00, v1;
	_ =	sdelay $0x1  }
0xeb: {  	(erf) = vpow2.f32 v1;
	_ =	sdelay $0x2  }
0xec: {  	v1 =	vld [tilespmem:$0x2930];
	_ =	sdelay $0x5  }
0xed: {  	v2 =	vpop (erf)  }
0xee: {  	[tilespmem:$0x2A20] =	vst v2;
	v2 =	vld [tilespmem:$0x29B0]  }
0xef: {  	v1 =	vld.idx.msk [tilespmem:v1+s19+$0x0], $0xffff;
	_ =	sdelay $0x4  }
0xf0: {  	v1 =	vsub.f32 v2, v1;
	_ =	sdelay $0x1  }
0xf1: {  	v1 =	vmul.f32 $1.442695020e+00, v1;
	_ =	sdelay $0x1  }
0xf2: {  	(erf) = vpow2.f32 v1;
	_ =	sdelay $0x2  }
0xf3: {  	v1 =	vld [tilespmem:$0x2940];
	_ =	sdelay $0x5  }
0xf4: {  	v2 =	vpop (erf)  }
0xf5: {  	[tilespmem:$0x2A30] =	vst v2;
	v2 =	vld [tilespmem:$0x29C0]  }
0xf6: {  	v1 =	vld.idx.msk [tilespmem:v1+s19+$0x0], $0xffff;
	_ =	sdelay $0x4  }
0xf7: {  	v1 =	vsub.f32 v2, v1;
	_ =	sdelay $0x1  }
0xf8: {  	v1 =	vmul.f32 $1.442695020e+00, v1;
	_ =	sdelay $0x1  }
0xf9: {  	(erf) = vpow2.f32 v1;
	_ =	sdelay $0x8  }
0xfa: {  	v2 =	vmov s19;
	v1 =	vpop (erf)  }
0xfb: {  	s8 =	simm.s32 $0x52C0;
	[tilespmem:$0x2A40] =	vst v1  }
0xfc: {  	v5 =	vld [tilespmem:s8+$0x30]  }
0xfd: {  	v8 =	vld [tilespmem:s8+$0x10]  }
0xfe: {  	v6 =	vld [tilespmem:s8+$0xFFFFFFC0]  }
0xff: {  	v2 =	vld.idx.msk [tilespmem:v2+s30+$0x0], $0xffff  }
0x100: {  	v10 =	vld [tilespmem:s8+$0xFFFFFFE0]  }
0x101: {  	v1 =	vld [tilespmem:s8+$0xFFFFFFF0]  }
0x102: {  	v3 =	vld [tilespmem:s8+$0x20]  }
0x103: {  	v4 =	vld [tilespmem:s8+$0xFFFFFFD0]  }
0x104: {  	v9 =	vmul.f32 v5, v2;
	v5 =	vld [tilespmem:s8+$0x0]  }
0x105: {  	v7 =	vmul.f32 v6, v2  }
0x106: {  	s10 =	simm.s32 $0x1;
	s11 =	simm.s32 $0x52C0;
	v6 =	vmul.f32 v10, v2;
	v8 =	vmul.f32 v8, v2  }
.LBB2_7:
0x107: {  	p0 =	sne.s32 s10, $0x4F  }
0x108: {  	v4 =	vmul.f32 v4, v2;
	v3 =	vmul.f32 v3, v2;
	[tilespmem:s8+$0x30] =	vst v9;
	s11 =	sadd.s32 $0x80, s11;
	s12 =	smov.u32 s10;
	s10 =	sadd.s32 $0x1, s10  }
0x109: {  	[tilespmem:s8+$0xFFFFFFC0] =	vst v7;
	v7 =	vmul.f32 v1, v2;
	v2 =	vmul.f32 v5, v2  }
0x10a: {  	[tilespmem:s8+$0x10] =	vst v8  }
0x10b: {  	v5 =	vmov s12;
	[tilespmem:s8+$0xFFFFFFE0] =	vst v6  }
0x10c: {  	v1 =	vld [tilespmem:s11+$0xFFFFFFF0];
	[tilespmem:s8+$0xFFFFFFF0] =	vst v7  }
0x10d: {  	v6 =	vld [tilespmem:s11+$0x30];
	[tilespmem:s8+$0x0] =	vst v2  }
0x10e: {  	v8 =	vld [tilespmem:s11+$0x10];
	[tilespmem:s8+$0x20] =	vst v3  }
0x10f: {  	v7 =	vld [tilespmem:s11+$0xFFFFFFC0];
	[tilespmem:s8+$0xFFFFFFD0] =	vst v4;
	s8 =	smov.u32 s11  }
0x110: {  	v2 =	vld.idx.msk [tilespmem:v5+s30+$0x0], $0xffff  }
0x111: {  	v10 =	vld [tilespmem:s11+$0xFFFFFFE0]  }
0x112: {  	v3 =	vld [tilespmem:s11+$0x20]  }
.Ltmp7:
0x113: {  	v4 =	vld [tilespmem:s11+$0xFFFFFFD0];
	(pc) =	sbr.rel @p0 .LBB2_7-.Ltmp7, $3  }
0x114: {  	v5 =	vld [tilespmem:s11+$0x0];
	_ =	sdelay $0x1  }
0x115: {  	v7 =	vmul.f32 v7, v2;
	v9 =	vmul.f32 v6, v2  }
0x116: {  	v8 =	vmul.f32 v8, v2;
	v6 =	vmul.f32 v10, v2  }
.Ltmp8:
0x117: {  	_ = 	snop;
	(pc) =	sbr.rel .LBB2_8-.Ltmp8, $1  }
0x118: {  	_ =	sdelay $0x3  }
.LBB2_11:
0x119: {  	_ =	sfence.sel $0x180000  }
0x11a: {  	[bflag:$0x0] =	sbarrier.arrive $0xFFFF  }
0x11b: {  	_ =	strace $0x90000050  }
0x11c: {  	s0 =	stileid.u32;
	[bflag:$0x2] =	sbarrier.arrive $0xFFFF  }
0x11d: {  	p0 =	sne.s32 s0, $0x0;
	s0 =	rddreg [dreg:$0x3]  }
0x11e: {  	s0 =	sadd.s32 @!p0 $0x100000, s0  }
0x11f: {  	[sflag:s0] =	ssyncadd.tile.s32 @!p0 $0x1;
	_ =	shalt  }
.Lfunc_end2:
_tile_overlayer_lowered:
.L_overlay_start_2:
0x120: {  	(tag) =	ssettag $0x2  }
0x121: {  	s0 =	rddreg [dreg:$0x0];
	s2 =	stileid.u32  }
0x122: {  	s1 =	rddreg [dreg:$0x1];
	p0 =	sne.s32 s2, $0x0  }
0x123: {  	s3 =	rddreg [dreg:$0x2];
	[bflag:$0x3] =	sbarrier.arrive $0xFFFF;
	s2 =	simm.s32 @!p0 $0x1C03  }
0x124: {  	[timem:s3], [sflag:s2] =	dma.local @!p0 [hbm:s0], s1  }
0x125: {  	s0 =	simm.s32 @!p0 $0x3  }
0x126: {  	_ =	swait.ge @!p0 [sflag:s0], s1  }
0x127: {  	s1 =	ssub.s32 @!p0 $0x0, s1;
	[sflag:s0] =	ssyncset.done @!p0 $0x0  }
0x128: {  	[sflag:s0] =	ssyncadd.s32 @!p0 s1  }
0x129: {  	[bflag:$0x3] =	sbarrier.arrive $0xFFFF  }
0x12a: {  	_ =	shalt  }

</sc_bundles>
